<compile_context>
chip_gen: v7x
topology: tpu7x:2x2x1
jax: 0.10.2.dev20260603
libtpu: 0.0.44.dev20260713+nightly
codegen_flags: <defaults>
</compile_context>

<pallas_src>
import functools

import jax
import jax.numpy as jnp
from jax import lax
from jax.experimental import pallas as pl
from jax.experimental.pallas import tpu as pltpu
from jax.experimental.pallas import tpu_sc as plsc

N = 10000
E = 320000
IN_DIM = 128
HEADS = 2
OUT = 64
HC = HEADS * OUT

ET = E + N
TILES = 32
CHUNK = 128
CPT = 82
EP = TILES * CPT * CHUNK
NPAIR = CPT // 2
ROWS_PER_SUB = 624
DEN_PAD = 20480
DEN_PER_SUB = DEN_PAD // 16


def _prologue_body(x_ref, w_ref, as_ref, ad_ref, h_ref, asrc_ref, adst_ref, amax_ref):
    xb = x_ref[...]
    xf = jnp.where(xb > 0, xb, jnp.exp(xb) - 1.0)
    h = jnp.dot(xf, w_ref[...], preferred_element_type=jnp.float32)
    h_ref[...] = h
    ts = h * as_ref[...]
    td = h * ad_ref[...]
    a0 = jnp.sum(ts[:, :OUT], axis=1, keepdims=True)
    a1 = jnp.sum(ts[:, OUT:], axis=1, keepdims=True)
    d0 = jnp.sum(td[:, :OUT], axis=1, keepdims=True)
    d1 = jnp.sum(td[:, OUT:], axis=1, keepdims=True)
    asrc_ref[...] = jnp.concatenate([a0, a1], axis=1)
    adst_ref[...] = jnp.concatenate([d0, d1], axis=1)

    @pl.when(pl.program_id(0) == 0)
    def _():
        amax_ref[...] = jnp.full((2, 16), -1e30, jnp.float32)

    upd = jnp.concatenate(
        [jnp.full((1, 16), jnp.max(a0), jnp.float32),
         jnp.full((1, 16), jnp.max(a1), jnp.float32)], axis=0)
    amax_ref[...] = jnp.maximum(amax_ref[...], upd)


def _prologue(x, W, atts, attd):
    RB = 1000
    return pl.pallas_call(
        _prologue_body,
        grid=(N // RB,),
        in_specs=[pl.BlockSpec((RB, IN_DIM), lambda i: (i, 0)),
                  pl.BlockSpec((IN_DIM, HC), lambda i: (0, 0)),
                  pl.BlockSpec((1, HC), lambda i: (0, 0)),
                  pl.BlockSpec((1, HC), lambda i: (0, 0))],
        out_specs=[pl.BlockSpec((RB, HC), lambda i: (i, 0)),
                   pl.BlockSpec((RB, 2), lambda i: (i, 0)),
                   pl.BlockSpec((RB, 2), lambda i: (i, 0)),
                   pl.BlockSpec((2, 16), lambda i: (0, 0))],
        out_shape=[jax.ShapeDtypeStruct((N, HC), jnp.float32),
                   jax.ShapeDtypeStruct((N, 2), jnp.float32),
                   jax.ShapeDtypeStruct((N, 2), jnp.float32),
                   jax.ShapeDtypeStruct((2, 16), jnp.float32)],
    )(x, W, atts, attd)


def _edge_softmax(asrc2, adst2, amax32, srcp, dstp):
    mesh = plsc.VectorSubcoreMesh(core_axis_name="c", subcore_axis_name="s")

    @functools.partial(
        pl.kernel,
        out_type=[jax.ShapeDtypeStruct((EP,), jnp.float32),
                  jax.ShapeDtypeStruct((EP,), jnp.float32),
                  jax.ShapeDtypeStruct((2 * DEN_PAD,), jnp.float32)],
        mesh=mesh,
        compiler_params=pltpu.CompilerParams(needs_layout_passes=False),
        scratch_types=[pltpu.VMEM((2 * N,), jnp.float32),
                       pltpu.VMEM((2 * N,), jnp.float32),
                       pltpu.VMEM((32,), jnp.float32),
                       pltpu.VMEM((CHUNK,), jnp.int32),
                       pltpu.VMEM((CHUNK,), jnp.int32),
                       pltpu.VMEM((CHUNK,), jnp.int32),
                       pltpu.VMEM((CHUNK,), jnp.int32),
                       pltpu.VMEM((CHUNK,), jnp.float32),
                       pltpu.VMEM((CHUNK,), jnp.float32),
                       pltpu.VMEM((DEN_PAD,), jnp.float32),
                       pltpu.VMEM((DEN_PER_SUB,), jnp.float32),
                       pltpu.VMEM((DEN_PER_SUB,), jnp.float32),
                       pltpu.VMEM_SHARED((16 * DEN_PAD,), jnp.float32),
                       pltpu.SemaphoreType.DMA, pltpu.SemaphoreType.DMA],
    )
    def k(asrc_h, adst_h, amax_h, src_h, dst_h, ex0_h, ex1_h, den_h,
          asv, adv, amv, srcbA, srcbB, dstbA, dstbB, ex0b, ex1b,
          denv, accv, tmpv, den_sp, rsemA, rsemB):
        ci = lax.axis_index("c")
        si = lax.axis_index("s")
        t = ci * 16 + si
        pltpu.sync_copy(asrc_h, asv)
        pltpu.sync_copy(adst_h, adv)
        pltpu.sync_copy(amax_h, amv)

        z16f = jnp.zeros((16,), jnp.float32)

        def z_body(v, carry):
            denv[pl.ds(v * 16, 16)] = z16f
            return carry

        lax.fori_loop(0, DEN_PAD // 16, z_body, 0)

        am0 = amv[pl.ds(0, 16)]
        am1 = amv[pl.ds(16, 16)]
        iota = lax.iota(jnp.int32, 16)
        cbase = t * CPT

        def issue_reads(cg, srcb, dstb, rsem):
            base = cg * CHUNK
            pltpu.async_copy(src_h.at[pl.ds(base, CHUNK)], srcb, rsem)
            pltpu.async_copy(dst_h.at[pl.ds(base, CHUNK)], dstb, rsem)

        def wait_reads(srcb, dstb, rsem):
            pltpu.make_async_copy(src_h.at[pl.ds(0, CHUNK)], srcb, rsem).wait()
            pltpu.make_async_copy(dst_h.at[pl.ds(0, CHUNK)], dstb, rsem).wait()

        def chunk_work(cg, srcb, dstb):
            base = cg * CHUNK
            for g in range(CHUNK // 16):
                b16 = g * 16
                s16 = srcb[pl.ds(b16, 16)]
                d16 = dstb[pl.ds(b16, 16)]
                s2 = s16 * 2
                d2 = d16 * 2
                as0 = plsc.load_gather(asv, [s2])
                as1 = plsc.load_gather(asv, [s2 + 1])
                ad0 = plsc.load_gather(adv, [d2])
                ad1 = plsc.load_gather(adv, [d2 + 1])
                al0 = as0 + ad0
                al1 = as1 + ad1
                al0 = jnp.maximum(al0, 0.2 * al0)
                al1 = jnp.maximum(al1, 0.2 * al1)
                b0 = am0 + ad0
                b1 = am1 + ad1
                b0 = jnp.maximum(b0, 0.2 * b0)
                b1 = jnp.maximum(b1, 0.2 * b1)
                e0 = jnp.exp(al0 - b0)
                e1 = jnp.exp(al1 - b1)
                eid = base + b16 + iota
                msk = eid < ET
                e0 = jnp.where(msk, e0, 0.0)
                e1 = jnp.where(msk, e1, 0.0)
                ex0b[pl.ds(b16, 16)] = e0
                ex1b[pl.ds(b16, 16)] = e1
                plsc.addupdate_scatter(denv, [d2], e0)
                plsc.addupdate_scatter(denv, [d2 + 1], e1)
            pltpu.sync_copy(ex0b, ex0_h.at[pl.ds(base, CHUNK)])
            pltpu.sync_copy(ex1b, ex1_h.at[pl.ds(base, CHUNK)])

        issue_reads(cbase, srcbA, dstbA, rsemA)
        issue_reads(cbase + 1, srcbB, dstbB, rsemB)

        def bpair_body(p, carry):
            c0 = cbase + 2 * p
            more = p < NPAIR - 1
            wait_reads(srcbA, dstbA, rsemA)
            chunk_work(c0, srcbA, dstbA)

            @pl.when(more)
            def _():
                issue_reads(c0 + 2, srcbA, dstbA, rsemA)

            wait_reads(srcbB, dstbB, rsemB)
            chunk_work(c0 + 1, srcbB, dstbB)

            @pl.when(more)
            def _():
                issue_reads(c0 + 3, srcbB, dstbB, rsemB)

            return carry

        lax.fori_loop(0, NPAIR, bpair_body, 0)

        pltpu.sync_copy(denv, den_sp.at[pl.ds(si * DEN_PAD, DEN_PAD)])
        plsc.subcore_barrier()
        col0 = si * DEN_PER_SUB

        def za_body(v, carry):
            accv[pl.ds(v * 16, 16)] = z16f
            return carry

        lax.fori_loop(0, DEN_PER_SUB // 16, za_body, 0)

        def red_body(r, carry):
            pltpu.sync_copy(den_sp.at[pl.ds(r * DEN_PAD + col0, DEN_PER_SUB)], tmpv)

            def add_body(v, c2):
                sl = pl.ds(v * 16, 16)
                accv[sl] = accv[sl] + tmpv[sl]
                return c2

            lax.fori_loop(0, DEN_PER_SUB // 16, add_body, 0)
            return carry

        lax.fori_loop(0, 16, red_body, 0)
        pltpu.sync_copy(accv, den_h.at[pl.ds(ci * DEN_PAD + col0, DEN_PER_SUB)])

    return k(asrc2, adst2, amax32, srcp, dstp)


def _message_pass(h, srcp, dstp, ex0, ex1, zbig):
    mesh = plsc.VectorSubcoreMesh(core_axis_name="c", subcore_axis_name="s")

    @functools.partial(
        pl.kernel,
        out_type=jax.ShapeDtypeStruct((2 * N, HC), jnp.float32),
        mesh=mesh,
        compiler_params=pltpu.CompilerParams(needs_layout_passes=False),
        scratch_types=[pltpu.VMEM((CHUNK,), jnp.int32),
                       pltpu.VMEM((CHUNK,), jnp.int32),
                       pltpu.VMEM((CHUNK,), jnp.int32),
                       pltpu.VMEM((CHUNK,), jnp.int32),
                       pltpu.VMEM((CHUNK,), jnp.float32),
                       pltpu.VMEM((CHUNK,), jnp.float32),
                       pltpu.VMEM((CHUNK,), jnp.float32),
                       pltpu.VMEM((CHUNK,), jnp.float32),
                       pltpu.VMEM((CHUNK, HC), jnp.float32),
                       pltpu.VMEM((CHUNK, HC), jnp.float32),
                       pltpu.VMEM_SHARED((N, HC), jnp.float32),
                       pltpu.SemaphoreType.DMA, pltpu.SemaphoreType.DMA,
                       pltpu.SemaphoreType.DMA, pltpu.SemaphoreType.DMA],
    )
    def k(h_h, src_h, dst_h, ex0_h, ex1_h, z_h, out_h,
          srcbA, srcbB, dstbA, dstbB, ex0bA, ex1bA, ex0bB, ex1bB,
          rowsA, rowsB, acc_sp, rsemA, rsemB, gsemA, gsemB):
        ci = lax.axis_index("c")
        si = lax.axis_index("s")
        t = ci * 16 + si
        r0 = si * ROWS_PER_SUB
        TAIL0 = 16 * ROWS_PER_SUB
        TAILN = N - TAIL0
        pltpu.sync_copy(z_h.at[pl.ds(r0, ROWS_PER_SUB)],
                        acc_sp.at[pl.ds(r0, ROWS_PER_SUB)])

        @pl.when(si == 15)
        def _():
            pltpu.sync_copy(z_h.at[pl.ds(TAIL0, TAILN)], acc_sp.at[pl.ds(TAIL0, TAILN)])

        plsc.subcore_barrier()
        cbase = t * CPT

        def issue_idx(cg, srcb, dstb, ex0b, ex1b, rsem):
            base = cg * CHUNK
            pltpu.async_copy(src_h.at[pl.ds(base, CHUNK)], srcb, rsem)
            pltpu.async_copy(dst_h.at[pl.ds(base, CHUNK)], dstb, rsem)
            pltpu.async_copy(ex0_h.at[pl.ds(base, CHUNK)], ex0b, rsem)
            pltpu.async_copy(ex1_h.at[pl.ds(base, CHUNK)], ex1b, rsem)

        def wait_idx(srcb, dstb, ex0b, ex1b, rsem):
            pltpu.make_async_copy(src_h.at[pl.ds(0, CHUNK)], srcb, rsem).wait()
            pltpu.make_async_copy(dst_h.at[pl.ds(0, CHUNK)], dstb, rsem).wait()
            pltpu.make_async_copy(ex0_h.at[pl.ds(0, CHUNK)], ex0b, rsem).wait()
            pltpu.make_async_copy(ex1_h.at[pl.ds(0, CHUNK)], ex1b, rsem).wait()

        def scale(rows, ex0b, ex1b):
            def e_body(e, c2):
                idx = jnp.broadcast_to(e, (16,)).astype(jnp.int32)
                s0 = plsc.load_gather(ex0b, [idx])
                s1 = plsc.load_gather(ex1b, [idx])
                for j in range(HC // 16):
                    sc = s0 if j < (HC // 32) else s1
                    rows[e, pl.ds(j * 16, 16)] = rows[e, pl.ds(j * 16, 16)] * sc
                return c2

            lax.fori_loop(0, CHUNK, e_body, 0)

        issue_idx(cbase, srcbA, dstbA, ex0bA, ex1bA, rsemA)
        issue_idx(cbase + 1, srcbB, dstbB, ex0bB, ex1bB, rsemB)
        wait_idx(srcbA, dstbA, ex0bA, ex1bA, rsemA)
        pltpu.async_copy(h_h.at[srcbA], rowsA, gsemA)

        def live(cg):
            return cg * CHUNK < ET

        def pair_body(p, carry):
            c0 = cbase + 2 * p
            more = p < NPAIR - 1
            wait_idx(srcbB, dstbB, ex0bB, ex1bB, rsemB)

            @pl.when(live(c0 + 1))
            def _():
                pltpu.async_copy(h_h.at[srcbB], rowsB, gsemB)

            @pl.when(live(c0))
            def _():
                pltpu.make_async_copy(h_h.at[srcbA], rowsA, gsemA).wait()
                scale(rowsA, ex0bA, ex1bA)
                pltpu.sync_copy(rowsA, acc_sp.at[dstbA], add=True)

            @pl.when(more)
            def _():
                issue_idx(c0 + 2, srcbA, dstbA, ex0bA, ex1bA, rsemA)
                wait_idx(srcbA, dstbA, ex0bA, ex1bA, rsemA)

                @pl.when(live(c0 + 2))
                def _():
                    pltpu.async_copy(h_h.at[srcbA], rowsA, gsemA)

            @pl.when(live(c0 + 1))
            def _():
                pltpu.make_async_copy(h_h.at[srcbB], rowsB, gsemB).wait()
                scale(rowsB, ex0bB, ex1bB)
                pltpu.sync_copy(rowsB, acc_sp.at[dstbB], add=True)

            @pl.when(more)
            def _():
                issue_idx(c0 + 3, srcbB, dstbB, ex0bB, ex1bB, rsemB)

            return carry

        lax.fori_loop(0, NPAIR, pair_body, 0)
        plsc.subcore_barrier()
        pltpu.sync_copy(acc_sp.at[pl.ds(r0, ROWS_PER_SUB)],
                        out_h.at[pl.ds(ci * N + r0, ROWS_PER_SUB)])

        @pl.when(si == 15)
        def _():
            pltpu.sync_copy(acc_sp.at[pl.ds(TAIL0, TAILN)],
                            out_h.at[pl.ds(ci * N + TAIL0, TAILN)])

    return k(h, srcp, dstp, ex0, ex1, zbig)


def _finalize_body(p0_ref, p1_ref, d0_ref, d1_ref, b_ref, o_ref):
    den = d0_ref[...] + d1_ref[...]
    p = p0_ref[...] + p1_ref[...]
    cols = lax.broadcasted_iota(jnp.int32, p.shape, 1)
    den0 = jnp.broadcast_to(den[:, 0:1], p.shape)
    den1 = jnp.broadcast_to(den[:, 1:2], p.shape)
    db = jnp.where(cols < OUT, den0, den1)
    o_ref[...] = p / (db + 1e-16) + b_ref[...]


def _finalize(P, denp, bias2):
    RB = 1000
    G = N // RB
    return pl.pallas_call(
        _finalize_body,
        grid=(G,),
        in_specs=[pl.BlockSpec((RB, HC), lambda i: (i, 0)),
                  pl.BlockSpec((RB, HC), lambda i: (i + G, 0)),
                  pl.BlockSpec((RB, 2), lambda i: (i, 0)),
                  pl.BlockSpec((RB, 2), lambda i: (i + G, 0)),
                  pl.BlockSpec((1, HC), lambda i: (0, 0))],
        out_specs=pl.BlockSpec((RB, HC), lambda i: (i, 0)),
        out_shape=jax.ShapeDtypeStruct((N, HC), jnp.float32),
    )(P, P, denp, denp, bias2)


def kernel(x, edge_index, W, att_src, att_dst, bias):
    h, asrc, adst, amax = _prologue(x, W, att_src.reshape(1, HC),
                                    att_dst.reshape(1, HC))
    loops = jnp.arange(N, dtype=jnp.int32)
    pad = jnp.zeros((EP - ET,), jnp.int32)
    srcp = jnp.concatenate([edge_index[0], loops, pad])
    dstp = jnp.concatenate([edge_index[1], loops, pad])
    ex0, ex1, denp = _edge_softmax(asrc.reshape(2 * N), adst.reshape(2 * N),
                                   amax.reshape(32), srcp, dstp)
    P = _message_pass(h, srcp, dstp, ex0, ex1, jnp.zeros((N, HC), jnp.float32))
    den2 = denp.reshape(2, DEN_PAD)[:, :2 * N].reshape(2 * N, 2)
    return _finalize(P, den2, bias.reshape(1, HC))

# --- scband reference (transcript-rebuilt; emitter-appended) ---
"""Pipeline reference for scband-intra-graph-attention-12043088298418 (READ-ONLY COPY).

The authoritative reference and input builder live on the scoring server;
editing this copy changes nothing except your own understanding.
"""

import jax, jax.numpy as jnp
import numpy as np

N = 10000
E = 320000
IN_DIM = 128
HEADS = 2
OUT = 64


def setup_inputs(seed: int = 0) -> dict:
    key = jax.random.key(seed)
    k1, k2, k3, k4, k5 = jax.random.split(key, 5)
    x = jax.random.normal(k1, (N, IN_DIM), dtype=jnp.float32)
    edge_index = jax.random.randint(k2, (2, E), 0, N, dtype=jnp.int32)
    # GATConv learned parameters (PyG layout): lin weight [IN, H*C], att vectors [1, H, C], bias [H*C]
    W = jax.random.normal(k3, (IN_DIM, HEADS * OUT), dtype=jnp.float32) * 0.1
    att_src = jax.random.normal(k4, (1, HEADS, OUT), dtype=jnp.float32) * 0.1
    att_dst = jax.random.normal(k5, (1, HEADS, OUT), dtype=jnp.float32) * 0.1
    bias = jnp.zeros((HEADS * OUT,), dtype=jnp.float32)
    return {"x": x, "edge_index": edge_index, "W": W, "att_src": att_src, "att_dst": att_dst, "bias": bias}


def reference(x, edge_index, W, att_src, att_dst, bias):
    # IntraGraphAttention.forward: ELU on input features, then GATConv(IN, OUT, heads=2, concat=True)
    xf = jax.nn.elu(x)
    h = (xf @ W).reshape(N, HEADS, OUT)  # [N, H, C]
    # add self loops (GATConv default add_self_loops=True)
    loops = jnp.arange(N, dtype=edge_index.dtype)
    src = jnp.concatenate([edge_index[0], loops])
    dst = jnp.concatenate([edge_index[1], loops])
    # attention logits
    a_src = jnp.sum(h * att_src, axis=-1)  # [N, H]
    a_dst = jnp.sum(h * att_dst, axis=-1)  # [N, H]
    alpha = a_src[src] + a_dst[dst]        # [Et, H] (gather)
    alpha = jax.nn.leaky_relu(alpha, negative_slope=0.2)
    # segment softmax over incoming edges per destination node
    amax = jax.ops.segment_max(alpha, dst, num_segments=N)
    amax = jnp.where(jnp.isfinite(amax), amax, 0.0)
    amax = jax.lax.stop_gradient(amax)
    ex = jnp.exp(alpha - amax[dst])
    denom = jax.ops.segment_sum(ex, dst, num_segments=N)
    att = ex / (denom[dst] + 1e-16)        # [Et, H]
    # message passing: gather source features, weight, scatter-add to dst
    msg = h[src] * att[:, :, None]         # [Et, H, C]
    out = jax.ops.segment_sum(msg, dst, num_segments=N)  # [N, H, C]
    out = out.reshape(N, HEADS * OUT) + bias
    return out

if __name__ == "__main__":
    import jax
    _d = setup_inputs()
    print(jax.jit(kernel)(*tuple(_d.values())))

</pallas_src>

<mosaic_0001>
#map = affine_map<(d0, d1) -> (0)>
module attributes {stable_mosaic.version = 14 : i64} {
  func.func @k(%arg0: i32, %arg1: i32, %arg2: memref<20000xf32, #tpu.memory_space<hbm>>, %arg3: memref<20000xf32, #tpu.memory_space<hbm>>, %arg4: memref<32xf32, #tpu.memory_space<hbm>>, %arg5: memref<335872xi32, #tpu.memory_space<hbm>>, %arg6: memref<335872xi32, #tpu.memory_space<hbm>>, %arg7: memref<335872xf32, #tpu.memory_space<hbm>>, %arg8: memref<335872xf32, #tpu.memory_space<hbm>>, %arg9: memref<40960xf32, #tpu.memory_space<hbm>>, %arg10: memref<20000xf32, #tpu.memory_space<vmem>>, %arg11: memref<20000xf32, #tpu.memory_space<vmem>>, %arg12: memref<32xf32, #tpu.memory_space<vmem>>, %arg13: memref<128xi32, #tpu.memory_space<vmem>>, %arg14: memref<128xi32, #tpu.memory_space<vmem>>, %arg15: memref<128xi32, #tpu.memory_space<vmem>>, %arg16: memref<128xi32, #tpu.memory_space<vmem>>, %arg17: memref<128xf32, #tpu.memory_space<vmem>>, %arg18: memref<128xf32, #tpu.memory_space<vmem>>, %arg19: memref<20480xf32, #tpu.memory_space<vmem>>, %arg20: memref<1280xf32, #tpu.memory_space<vmem>>, %arg21: memref<1280xf32, #tpu.memory_space<vmem>>, %arg22: memref<327680xf32, #tpu.memory_space<vmem_shared>>, %arg23: memref<!tpu.dma_semaphore, #tpu.memory_space<semaphore_mem>>, %arg24: memref<!tpu.dma_semaphore, #tpu.memory_space<semaphore_mem>>) attributes {dimension_semantics = [#tpu.dimension_semantics<core_parallel>, #tpu.dimension_semantics<subcore_parallel>], iteration_bounds = array<i64: 2, 16>, scalar_prefetch = 0 : i64, scratch_operands = 15 : i64, tpu.core_type = #tpu.core_type<sc_vector_subcore>, window_params = [{transform_indices = #map}, {transform_indices = #map}, {transform_indices = #map}, {transform_indices = #map}, {transform_indices = #map}, {transform_indices = #map}, {transform_indices = #map}, {transform_indices = #map}]} {
    %mul3A = arith.constant 16 : i32
    %mul3A_0 = arith.muli %arg0, %mul3A : i32
    %add3A = arith.addi %mul3A_0, %arg1 : i32
    "tpu.region"() ({
      %run_scoped3A = tpu.sem_alloc : memref<!tpu.dma_semaphore, #tpu.memory_space<semaphore_mem>>
      tpu.enqueue_dma source(%arg2 : memref<20000xf32, #tpu.memory_space<hbm>>) target(%arg10 : memref<20000xf32, #tpu.memory_space<vmem>>) target_semaphore(%run_scoped3A : memref<!tpu.dma_semaphore, #tpu.memory_space<semaphore_mem>>)
      tpu.wait_dma2 semaphore(%run_scoped3A : memref<!tpu.dma_semaphore, #tpu.memory_space<semaphore_mem>>) src(%arg2 : memref<20000xf32, #tpu.memory_space<hbm>>) dst(%arg10 : memref<20000xf32, #tpu.memory_space<vmem>>)
      tpu.yield
    }) : () -> ()
    "tpu.region"() ({
      %run_scoped3A = tpu.sem_alloc : memref<!tpu.dma_semaphore, #tpu.memory_space<semaphore_mem>>
      tpu.enqueue_dma source(%arg3 : memref<20000xf32, #tpu.memory_space<hbm>>) target(%arg11 : memref<20000xf32, #tpu.memory_space<vmem>>) target_semaphore(%run_scoped3A : memref<!tpu.dma_semaphore, #tpu.memory_space<semaphore_mem>>)
      tpu.wait_dma2 semaphore(%run_scoped3A : memref<!tpu.dma_semaphore, #tpu.memory_space<semaphore_mem>>) src(%arg3 : memref<20000xf32, #tpu.memory_space<hbm>>) dst(%arg11 : memref<20000xf32, #tpu.memory_space<vmem>>)
      tpu.yield
    }) : () -> ()
    "tpu.region"() ({
      %run_scoped3A = tpu.sem_alloc : memref<!tpu.dma_semaphore, #tpu.memory_space<semaphore_mem>>
      tpu.enqueue_dma source(%arg4 : memref<32xf32, #tpu.memory_space<hbm>>) target(%arg12 : memref<32xf32, #tpu.memory_space<vmem>>) target_semaphore(%run_scoped3A : memref<!tpu.dma_semaphore, #tpu.memory_space<semaphore_mem>>)
      tpu.wait_dma2 semaphore(%run_scoped3A : memref<!tpu.dma_semaphore, #tpu.memory_space<semaphore_mem>>) src(%arg4 : memref<32xf32, #tpu.memory_space<hbm>>) dst(%arg12 : memref<32xf32, #tpu.memory_space<vmem>>)
      tpu.yield
    }) : () -> ()
    %broadcast_in_dim3A = arith.constant 0.000000e+00 : f32
    %broadcast_in_dim3A_1 = vector.broadcast %broadcast_in_dim3A : f32 to vector<16xf32>
    %scan3A = arith.constant 0 : i32
    %scan3A_2 = arith.constant 0 : i32
    %scan3A_3 = arith.constant 1280 : i32
    %scan3A_4 = arith.addi %scan3A_2, %scan3A_3 : i32
    %scan3A_5 = arith.constant 1 : i32
    scf.for %scan3A_50 = %scan3A_2 to %scan3A_4 step %scan3A_5  : i32 {
      %mul3A_51 = arith.constant 16 : i32
      %mul3A_52 = arith.muli %scan3A_50, %mul3A_51 : i32
      %swap3A = arith.index_cast %mul3A_52 : i32 to index
      %swap3A_53 = tpu.vector_load %arg19[%swap3A] {strides = array<i32>} : memref<20480xf32, #tpu.memory_space<vmem>>, vector<16xf32>,
      tpu.vector_store %arg19[%swap3A], %broadcast_in_dim3A_1 {strides = array<i32>} : memref<20480xf32, #tpu.memory_space<vmem>>, vector<16xf32>,
    }
    %scan3A_6 = arith.constant 1280 : i32
    %get3A = arith.constant 0 : index
    %get3A_7 = tpu.vector_load %arg12[%get3A] {strides = array<i32>} : memref<32xf32, #tpu.memory_space<vmem>>, vector<16xf32>,
    %get3A_8 = arith.constant 16 : index
    %get3A_9 = tpu.vector_load %arg12[%get3A_8] {strides = array<i32>} : memref<32xf32, #tpu.memory_space<vmem>>, vector<16xf32>,
    %iota3A = tpu.iota {dimensions = array<i32: 0>} : vector<16xi32>
    %mul3A_10 = arith.constant 82 : i32
    %mul3A_11 = arith.muli %add3A, %mul3A_10 : i32
    %mul3A_12 = arith.constant 128 : i32
    %mul3A_13 = arith.muli %mul3A_11, %mul3A_12 : i32
    %dma_start3A = tpu.memref_slice %arg5[%mul3A_13] : memref<335872xi32, #tpu.memory_space<hbm>> -> memref<128xi32, #tpu.memory_space<hbm>>
    %dma_start3A_14 = tpu.memref_slice %arg5[%mul3A_13] : memref<335872xi32, #tpu.memory_space<hbm>> -> memref<128xi32, #tpu.memory_space<hbm>>
    tpu.enqueue_dma source(%dma_start3A_14 : memref<128xi32, #tpu.memory_space<hbm>>) target(%arg13 : memref<128xi32, #tpu.memory_space<vmem>>) target_semaphore(%arg23 : memref<!tpu.dma_semaphore, #tpu.memory_space<semaphore_mem>>)
    %dma_start3A_15 = tpu.memref_slice %arg6[%mul3A_13] : memref<335872xi32, #tpu.memory_space<hbm>> -> memref<128xi32, #tpu.memory_space<hbm>>
    %dma_start3A_16 = tpu.memref_slice %arg6[%mul3A_13] : memref<335872xi32, #tpu.memory_space<hbm>> -> memref<128xi32, #tpu.memory_space<hbm>>
    tpu.enqueue_dma source(%dma_start3A_16 : memref<128xi32, #tpu.memory_space<hbm>>) target(%arg15 : memref<128xi32, #tpu.memory_space<vmem>>) target_semaphore(%arg23 : memref<!tpu.dma_semaphore, #tpu.memory_space<semaphore_mem>>)
    %add3A_17 = arith.constant 1 : i32
    %add3A_18 = arith.addi %mul3A_11, %add3A_17 : i32
    %mul3A_19 = arith.constant 128 : i32
    %mul3A_20 = arith.muli %add3A_18, %mul3A_19 : i32
    %dma_start3A_21 = tpu.memref_slice %arg5[%mul3A_20] : memref<335872xi32, #tpu.memory_space<hbm>> -> memref<128xi32, #tpu.memory_space<hbm>>
    %dma_start3A_22 = tpu.memref_slice %arg5[%mul3A_20] : memref<335872xi32, #tpu.memory_space<hbm>> -> memref<128xi32, #tpu.memory_space<hbm>>
    tpu.enqueue_dma source(%dma_start3A_22 : memref<128xi32, #tpu.memory_space<hbm>>) target(%arg14 : memref<128xi32, #tpu.memory_space<vmem>>) target_semaphore(%arg24 : memref<!tpu.dma_semaphore, #tpu.memory_space<semaphore_mem>>)
    %dma_start3A_23 = tpu.memref_slice %arg6[%mul3A_20] : memref<335872xi32, #tpu.memory_space<hbm>> -> memref<128xi32, #tpu.memory_space<hbm>>
    %dma_start3A_24 = tpu.memref_slice %arg6[%mul3A_20] : memref<335872xi32, #tpu.memory_space<hbm>> -> memref<128xi32, #tpu.memory_space<hbm>>
    tpu.enqueue_dma source(%dma_start3A_24 : memref<128xi32, #tpu.memory_space<hbm>>) target(%arg16 : memref<128xi32, #tpu.memory_space<vmem>>) target_semaphore(%arg24 : memref<!tpu.dma_semaphore, #tpu.memory_space<semaphore_mem>>)
    %scan3A_25 = arith.constant 0 : i32
    %scan3A_26 = arith.constant 0 : i32
    %scan3A_27 = arith.constant 41 : i32
    %scan3A_28 = arith.addi %scan3A_26, %scan3A_27 : i32
    %scan3A_29 = arith.constant 1 : i32
    scf.for %scan3A_50 = %scan3A_26 to %scan3A_28 step %scan3A_29  : i32 {
      %mul3A_51 = arith.constant 2 : i32
      %mul3A_52 = arith.muli %mul3A_51, %scan3A_50 : i32
      %add3A_53 = arith.addi %mul3A_11, %mul3A_52 : i32
      %lt3A = arith.constant 40 : i32
      %lt3A_54 = arith.cmpi slt, %scan3A_50, %lt3A : i32
      %dma_wait3A = arith.constant 0 : i32
      %dma_wait3A_55 = tpu.memref_slice %arg5[%dma_wait3A] : memref<335872xi32, #tpu.memory_space<hbm>> -> memref<128xi32, #tpu.memory_space<hbm>>
      %dma_wait3A_56 = arith.constant 0 : i32
      %dma_wait3A_57 = tpu.memref_slice %arg5[%dma_wait3A_56] : memref<335872xi32, #tpu.memory_space<hbm>> -> memref<128xi32, #tpu.memory_space<hbm>>
      tpu.wait_dma2 semaphore(%arg23 : memref<!tpu.dma_semaphore, #tpu.memory_space<semaphore_mem>>) src(%dma_wait3A_57 : memref<128xi32, #tpu.memory_space<hbm>>) dst(%arg13 : memref<128xi32, #tpu.memory_space<vmem>>)
      %dma_wait3A_58 = arith.constant 0 : i32
      %dma_wait3A_59 = tpu.memref_slice %arg6[%dma_wait3A_58] : memref<335872xi32, #tpu.memory_space<hbm>> -> memref<128xi32, #tpu.memory_space<hbm>>
      %dma_wait3A_60 = arith.constant 0 : i32
      %dma_wait3A_61 = tpu.memref_slice %arg6[%dma_wait3A_60] : memref<335872xi32, #tpu.memory_space<hbm>> -> memref<128xi32, #tpu.memory_space<hbm>>
      tpu.wait_dma2 semaphore(%arg23 : memref<!tpu.dma_semaphore, #tpu.memory_space<semaphore_mem>>) src(%dma_wait3A_61 : memref<128xi32, #tpu.memory_space<hbm>>) dst(%arg15 : memref<128xi32, #tpu.memory_space<vmem>>)
      %mul3A_62 = arith.constant 128 : i32
      %mul3A_63 = arith.muli %add3A_53, %mul3A_62 : i32
      %get3A_64 = arith.constant 0 : index
      %get3A_65 = tpu.vector_load %arg13[%get3A_64] {strides = array<i32>} : memref<128xi32, #tpu.memory_space<vmem>>, vector<16xi32>,
      %get3A_66 = arith.constant 0 : index
      %get3A_67 = tpu.vector_load %arg15[%get3A_66] {strides = array<i32>} : memref<128xi32, #tpu.memory_space<vmem>>, vector<16xi32>,
      %mul3A_68 = arith.constant 2 : i32
      %mul3A_69 = vector.broadcast %mul3A_68 : i32 to vector<16xi32>
      %mul3A_70 = arith.muli %get3A_65, %mul3A_69 : vector<16xi32>
      %mul3A_71 = arith.constant 2 : i32
      %mul3A_72 = vector.broadcast %mul3A_71 : i32 to vector<16xi32>
      %mul3A_73 = arith.muli %get3A_67, %mul3A_72 : vector<16xi32>
      %gather3A = tpu.vector_load_idx %arg10[%mul3A_70] : memref<20000xf32, #tpu.memory_space<vmem>>[vector<16xi32>], vector<16xf32>,
      %add3A_74 = arith.constant 1 : i32
      %add3A_75 = vector.broadcast %add3A_74 : i32 to vector<16xi32>
      %add3A_76 = arith.addi %mul3A_70, %add3A_75 : vector<16xi32>
      %gather3A_77 = tpu.vector_load_idx %arg10[%add3A_76] : memref<20000xf32, #tpu.memory_space<vmem>>[vector<16xi32>], vector<16xf32>,
      %gather3A_78 = tpu.vector_load_idx %arg11[%mul3A_73] : memref<20000xf32, #tpu.memory_space<vmem>>[vector<16xi32>], vector<16xf32>,
      %add3A_79 = arith.constant 1 : i32
      %add3A_80 = vector.broadcast %add3A_79 : i32 to vector<16xi32>
      %add3A_81 = arith.addi %mul3A_73, %add3A_80 : vector<16xi32>
      %gather3A_82 = tpu.vector_load_idx %arg11[%add3A_81] : memref<20000xf32, #tpu.memory_space<vmem>>[vector<16xi32>], vector<16xf32>,
      %add3A_83 = arith.addf %gather3A, %gather3A_78 : vector<16xf32>
      %add3A_84 = arith.addf %gather3A_77, %gather3A_82 : vector<16xf32>
      %mul3A_85 = arith.constant 2.000000e-01 : f32
      %mul3A_86 = vector.broadcast %mul3A_85 : f32 to vector<16xf32>
      %mul3A_87 = arith.mulf %mul3A_86, %add3A_83 : vector<16xf32>
      %max3A = arith.maximumf %add3A_83, %mul3A_87 : vector<16xf32>
      %mul3A_88 = arith.constant 2.000000e-01 : f32
      %mul3A_89 = vector.broadcast %mul3A_88 : f32 to vector<16xf32>
      %mul3A_90 = arith.mulf %mul3A_89, %add3A_84 : vector<16xf32>
      %max3A_91 = arith.maximumf %add3A_84, %mul3A_90 : vector<16xf32>
      %add3A_92 = arith.addf %get3A_7, %gather3A_78 : vector<16xf32>
      %add3A_93 = arith.addf %get3A_9, %gather3A_82 : vector<16xf32>
      %mul3A_94 = arith.constant 2.000000e-01 : f32
      %mul3A_95 = vector.broadcast %mul3A_94 : f32 to vector<16xf32>
      %mul3A_96 = arith.mulf %mul3A_95, %add3A_92 : vector<16xf32>
      %max3A_97 = arith.maximumf %add3A_92, %mul3A_96 : vector<16xf32>
      %mul3A_98 = arith.constant 2.000000e-01 : f32
      %mul3A_99 = vector.broadcast %mul3A_98 : f32 to vector<16xf32>
      %mul3A_100 = arith.mulf %mul3A_99, %add3A_93 : vector<16xf32>
      %max3A_101 = arith.maximumf %add3A_93, %mul3A_100 : vector<16xf32>
      %sub3A = arith.subf %max3A, %max3A_97 : vector<16xf32>
      %exp3A = math.exp %sub3A : vector<16xf32>
      %sub3A_102 = arith.subf %max3A_91, %max3A_101 : vector<16xf32>
      %exp3A_103 = math.exp %sub3A_102 : vector<16xf32>
      %add3A_104 = arith.constant 0 : i32
      %add3A_105 = arith.addi %mul3A_63, %add3A_104 : i32
      %add3A_106 = vector.broadcast %add3A_105 : i32 to vector<16xi32>
      %add3A_107 = arith.addi %add3A_106, %iota3A : vector<16xi32>
      %lt3A_108 = arith.constant 330000 : i32
      %lt3A_109 = vector.broadcast %lt3A_108 : i32 to vector<16xi32>
      %lt3A_110 = arith.cmpi slt, %add3A_107, %lt3A_109 : vector<16xi32>
      %jit3A = arith.constant 0.000000e+00 : f32
      %broadcast_in_dim3A_111 = vector.broadcast %jit3A : f32 to vector<16xf32>
      %select_n3A = arith.select %lt3A_110, %exp3A, %broadcast_in_dim3A_111 : vector<16xi1>, vector<16xf32>
      %jit3A_112 = arith.constant 0.000000e+00 : f32
      %broadcast_in_dim3A_113 = vector.broadcast %jit3A_112 : f32 to vector<16xf32>
      %select_n3A_114 = arith.select %lt3A_110, %exp3A_103, %broadcast_in_dim3A_113 : vector<16xi1>, vector<16xf32>
      %swap3A = arith.constant 0 : index
      %swap3A_115 = tpu.vector_load %arg17[%swap3A] {strides = array<i32>} : memref<128xf32, #tpu.memory_space<vmem>>, vector<16xf32>,
      tpu.vector_store %arg17[%swap3A], %select_n3A {strides = array<i32>} : memref<128xf32, #tpu.memory_space<vmem>>, vector<16xf32>,
      %swap3A_116 = arith.constant 0 : index
      %swap3A_117 = tpu.vector_load %arg18[%swap3A_116] {strides = array<i32>} : memref<128xf32, #tpu.memory_space<vmem>>, vector<16xf32>,
      tpu.vector_store %arg18[%swap3A_116], %select_n3A_114 {strides = array<i32>} : memref<128xf32, #tpu.memory_space<vmem>>, vector<16xf32>,
      tpu.vector_store_idx %arg19[%mul3A_73], %select_n3A {add = true} : memref<20480xf32, #tpu.memory_space<vmem>>[vector<16xi32>], vector<16xf32>,
      %add3A_118 = arith.constant 1 : i32
      %add3A_119 = vector.broadcast %add3A_118 : i32 to vector<16xi32>
      %add3A_120 = arith.addi %mul3A_73, %add3A_119 : vector<16xi32>
      tpu.vector_store_idx %arg19[%add3A_120], %select_n3A_114 {add = true} : memref<20480xf32, #tpu.memory_space<vmem>>[vector<16xi32>], vector<16xf32>,
      %get3A_121 = arith.constant 16 : index
      %get3A_122 = tpu.vector_load %arg13[%get3A_121] {strides = array<i32>} : memref<128xi32, #tpu.memory_space<vmem>>, vector<16xi32>,
      %get3A_123 = arith.constant 16 : index
      %get3A_124 = tpu.vector_load %arg15[%get3A_123] {strides = array<i32>} : memref<128xi32, #tpu.memory_space<vmem>>, vector<16xi32>,
      %mul3A_125 = arith.constant 2 : i32
      %mul3A_126 = vector.broadcast %mul3A_125 : i32 to vector<16xi32>
      %mul3A_127 = arith.muli %get3A_122, %mul3A_126 : vector<16xi32>
      %mul3A_128 = arith.constant 2 : i32
      %mul3A_129 = vector.broadcast %mul3A_128 : i32 to vector<16xi32>
      %mul3A_130 = arith.muli %get3A_124, %mul3A_129 : vector<16xi32>
      %gather3A_131 = tpu.vector_load_idx %arg10[%mul3A_127] : memref<20000xf32, #tpu.memory_space<vmem>>[vector<16xi32>], vector<16xf32>,
      %add3A_132 = arith.constant 1 : i32
      %add3A_133 = vector.broadcast %add3A_132 : i32 to vector<16xi32>
      %add3A_134 = arith.addi %mul3A_127, %add3A_133 : vector<16xi32>
      %gather3A_135 = tpu.vector_load_idx %arg10[%add3A_134] : memref<20000xf32, #tpu.memory_space<vmem>>[vector<16xi32>], vector<16xf32>,
      %gather3A_136 = tpu.vector_load_idx %arg11[%mul3A_130] : memref<20000xf32, #tpu.memory_space<vmem>>[vector<16xi32>], vector<16xf32>,
      %add3A_137 = arith.constant 1 : i32
      %add3A_138 = vector.broadcast %add3A_137 : i32 to vector<16xi32>
      %add3A_139 = arith.addi %mul3A_130, %add3A_138 : vector<16xi32>
      %gather3A_140 = tpu.vector_load_idx %arg11[%add3A_139] : memref<20000xf32, #tpu.memory_space<vmem>>[vector<16xi32>], vector<16xf32>,
      %add3A_141 = arith.addf %gather3A_131, %gather3A_136 : vector<16xf32>
      %add3A_142 = arith.addf %gather3A_135, %gather3A_140 : vector<16xf32>
      %mul3A_143 = arith.constant 2.000000e-01 : f32
      %mul3A_144 = vector.broadcast %mul3A_143 : f32 to vector<16xf32>
      %mul3A_145 = arith.mulf %mul3A_144, %add3A_141 : vector<16xf32>
      %max3A_146 = arith.maximumf %add3A_141, %mul3A_145 : vector<16xf32>
      %mul3A_147 = arith.constant 2.000000e-01 : f32
      %mul3A_148 = vector.broadcast %mul3A_147 : f32 to vector<16xf32>
      %mul3A_149 = arith.mulf %mul3A_148, %add3A_142 : vector<16xf32>
      %max3A_150 = arith.maximumf %add3A_142, %mul3A_149 : vector<16xf32>
      %add3A_151 = arith.addf %get3A_7, %gather3A_136 : vector<16xf32>
      %add3A_152 = arith.addf %get3A_9, %gather3A_140 : vector<16xf32>
      %mul3A_153 = arith.constant 2.000000e-01 : f32
      %mul3A_154 = vector.broadcast %mul3A_153 : f32 to vector<16xf32>
      %mul3A_155 = arith.mulf %mul3A_154, %add3A_151 : vector<16xf32>
      %max3A_156 = arith.maximumf %add3A_151, %mul3A_155 : vector<16xf32>
      %mul3A_157 = arith.constant 2.000000e-01 : f32
      %mul3A_158 = vector.broadcast %mul3A_157 : f32 to vector<16xf32>
      %mul3A_159 = arith.mulf %mul3A_158, %add3A_152 : vector<16xf32>
      %max3A_160 = arith.maximumf %add3A_152, %mul3A_159 : vector<16xf32>
      %sub3A_161 = arith.subf %max3A_146, %max3A_156 : vector<16xf32>
      %exp3A_162 = math.exp %sub3A_161 : vector<16xf32>
      %sub3A_163 = arith.subf %max3A_150, %max3A_160 : vector<16xf32>
      %exp3A_164 = math.exp %sub3A_163 : vector<16xf32>
      %add3A_165 = arith.constant 16 : i32
      %add3A_166 = arith.addi %mul3A_63, %add3A_165 : i32
      %add3A_167 = vector.broadcast %add3A_166 : i32 to vector<16xi32>
      %add3A_168 = arith.addi %add3A_167, %iota3A : vector<16xi32>
      %lt3A_169 = arith.constant 330000 : i32
      %lt3A_170 = vector.broadcast %lt3A_169 : i32 to vector<16xi32>
      %lt3A_171 = arith.cmpi slt, %add3A_168, %lt3A_170 : vector<16xi32>
      %jit3A_172 = arith.constant 0.000000e+00 : f32
      %broadcast_in_dim3A_173 = vector.broadcast %jit3A_172 : f32 to vector<16xf32>
      %select_n3A_174 = arith.select %lt3A_171, %exp3A_162, %broadcast_in_dim3A_173 : vector<16xi1>, vector<16xf32>
      %jit3A_175 = arith.constant 0.000000e+00 : f32
      %broadcast_in_dim3A_176 = vector.broadcast %jit3A_175 : f32 to vector<16xf32>
      %select_n3A_177 = arith.select %lt3A_171, %exp3A_164, %broadcast_in_dim3A_176 : vector<16xi1>, vector<16xf32>
      %swap3A_178 = arith.constant 16 : index
      %swap3A_179 = tpu.vector_load %arg17[%swap3A_178] {strides = array<i32>} : memref<128xf32, #tpu.memory_space<vmem>>, vector<16xf32>,
      tpu.vector_store %arg17[%swap3A_178], %select_n3A_174 {strides = array<i32>} : memref<128xf32, #tpu.memory_space<vmem>>, vector<16xf32>,
      %swap3A_180 = arith.constant 16 : index
      %swap3A_181 = tpu.vector_load %arg18[%swap3A_180] {strides = array<i32>} : memref<128xf32, #tpu.memory_space<vmem>>, vector<16xf32>,
      tpu.vector_store %arg18[%swap3A_180], %select_n3A_177 {strides = array<i32>} : memref<128xf32, #tpu.memory_space<vmem>>, vector<16xf32>,
      tpu.vector_store_idx %arg19[%mul3A_130], %select_n3A_174 {add = true} : memref<20480xf32, #tpu.memory_space<vmem>>[vector<16xi32>], vector<16xf32>,
      %add3A_182 = arith.constant 1 : i32
      %add3A_183 = vector.broadcast %add3A_182 : i32 to vector<16xi32>
      %add3A_184 = arith.addi %mul3A_130, %add3A_183 : vector<16xi32>
      tpu.vector_store_idx %arg19[%add3A_184], %select_n3A_177 {add = true} : memref<20480xf32, #tpu.memory_space<vmem>>[vector<16xi32>], vector<16xf32>,
      %get3A_185 = arith.constant 32 : index
      %get3A_186 = tpu.vector_load %arg13[%get3A_185] {strides = array<i32>} : memref<128xi32, #tpu.memory_space<vmem>>, vector<16xi32>,
      %get3A_187 = arith.constant 32 : index
      %get3A_188 = tpu.vector_load %arg15[%get3A_187] {strides = array<i32>} : memref<128xi32, #tpu.memory_space<vmem>>, vector<16xi32>,
      %mul3A_189 = arith.constant 2 : i32
      %mul3A_190 = vector.broadcast %mul3A_189 : i32 to vector<16xi32>
      %mul3A_191 = arith.muli %get3A_186, %mul3A_190 : vector<16xi32>
      %mul3A_192 = arith.constant 2 : i32
      %mul3A_193 = vector.broadcast %mul3A_192 : i32 to vector<16xi32>
      %mul3A_194 = arith.muli %get3A_188, %mul3A_193 : vector<16xi32>
      %gather3A_195 = tpu.vector_load_idx %arg10[%mul3A_191] : memref<20000xf32, #tpu.memory_space<vmem>>[vector<16xi32>], vector<16xf32>,
      %add3A_196 = arith.constant 1 : i32
      %add3A_197 = vector.broadcast %add3A_196 : i32 to vector<16xi32>
      %add3A_198 = arith.addi %mul3A_191, %add3A_197 : vector<16xi32>
      %gather3A_199 = tpu.vector_load_idx %arg10[%add3A_198] : memref<20000xf32, #tpu.memory_space<vmem>>[vector<16xi32>], vector<16xf32>,
      %gather3A_200 = tpu.vector_load_idx %arg11[%mul3A_194] : memref<20000xf32, #tpu.memory_space<vmem>>[vector<16xi32>], vector<16xf32>,
      %add3A_201 = arith.constant 1 : i32
      %add3A_202 = vector.broadcast %add3A_201 : i32 to vector<16xi32>
      %add3A_203 = arith.addi %mul3A_194, %add3A_202 : vector<16xi32>
      %gather3A_204 = tpu.vector_load_idx %arg11[%add3A_203] : memref<20000xf32, #tpu.memory_space<vmem>>[vector<16xi32>], vector<16xf32>,
      %add3A_205 = arith.addf %gather3A_195, %gather3A_200 : vector<16xf32>
      %add3A_206 = arith.addf %gather3A_199, %gather3A_204 : vector<16xf32>
      %mul3A_207 = arith.constant 2.000000e-01 : f32
      %mul3A_208 = vector.broadcast %mul3A_207 : f32 to vector<16xf32>
      %mul3A_209 = arith.mulf %mul3A_208, %add3A_205 : vector<16xf32>
      %max3A_210 = arith.maximumf %add3A_205, %mul3A_209 : vector<16xf32>
      %mul3A_211 = arith.constant 2.000000e-01 : f32
      %mul3A_212 = vector.broadcast %mul3A_211 : f32 to vector<16xf32>
      %mul3A_213 = arith.mulf %mul3A_212, %add3A_206 : vector<16xf32>
      %max3A_214 = arith.maximumf %add3A_206, %mul3A_213 : vector<16xf32>
      %add3A_215 = arith.addf %get3A_7, %gather3A_200 : vector<16xf32>
      %add3A_216 = arith.addf %get3A_9, %gather3A_204 : vector<16xf32>
      %mul3A_217 = arith.constant 2.000000e-01 : f32
      %mul3A_218 = vector.broadcast %mul3A_217 : f32 to vector<16xf32>
      %mul3A_219 = arith.mulf %mul3A_218, %add3A_215 : vector<16xf32>
      %max3A_220 = arith.maximumf %add3A_215, %mul3A_219 : vector<16xf32>
      %mul3A_221 = arith.constant 2.000000e-01 : f32
      %mul3A_222 = vector.broadcast %mul3A_221 : f32 to vector<16xf32>
      %mul3A_223 = arith.mulf %mul3A_222, %add3A_216 : vector<16xf32>
      %max3A_224 = arith.maximumf %add3A_216, %mul3A_223 : vector<16xf32>
      %sub3A_225 = arith.subf %max3A_210, %max3A_220 : vector<16xf32>
      %exp3A_226 = math.exp %sub3A_225 : vector<16xf32>
      %sub3A_227 = arith.subf %max3A_214, %max3A_224 : vector<16xf32>
      %exp3A_228 = math.exp %sub3A_227 : vector<16xf32>
      %add3A_229 = arith.constant 32 : i32
      %add3A_230 = arith.addi %mul3A_63, %add3A_229 : i32
      %add3A_231 = vector.broadcast %add3A_230 : i32 to vector<16xi32>
      %add3A_232 = arith.addi %add3A_231, %iota3A : vector<16xi32>
      %lt3A_233 = arith.constant 330000 : i32
      %lt3A_234 = vector.broadcast %lt3A_233 : i32 to vector<16xi32>
      %lt3A_235 = arith.cmpi slt, %add3A_232, %lt3A_234 : vector<16xi32>
      %jit3A_236 = arith.constant 0.000000e+00 : f32
      %broadcast_in_dim3A_237 = vector.broadcast %jit3A_236 : f32 to vector<16xf32>
      %select_n3A_238 = arith.select %lt3A_235, %exp3A_226, %broadcast_in_dim3A_237 : vector<16xi1>, vector<16xf32>
      %jit3A_239 = arith.constant 0.000000e+00 : f32
      %broadcast_in_dim3A_240 = vector.broadcast %jit3A_239 : f32 to vector<16xf32>
      %select_n3A_241 = arith.select %lt3A_235, %exp3A_228, %broadcast_in_dim3A_240 : vector<16xi1>, vector<16xf32>
      %swap3A_242 = arith.constant 32 : index
      %swap3A_243 = tpu.vector_load %arg17[%swap3A_242] {strides = array<i32>} : memref<128xf32, #tpu.memory_space<vmem>>, vector<16xf32>,
      tpu.vector_store %arg17[%swap3A_242], %select_n3A_238 {strides = array<i32>} : memref<128xf32, #tpu.memory_space<vmem>>, vector<16xf32>,
      %swap3A_244 = arith.constant 32 : index
      %swap3A_245 = tpu.vector_load %arg18[%swap3A_244] {strides = array<i32>} : memref<128xf32, #tpu.memory_space<vmem>>, vector<16xf32>,
      tpu.vector_store %arg18[%swap3A_244], %select_n3A_241 {strides = array<i32>} : memref<128xf32, #tpu.memory_space<vmem>>, vector<16xf32>,
      tpu.vector_store_idx %arg19[%mul3A_194], %select_n3A_238 {add = true} : memref<20480xf32, #tpu.memory_space<vmem>>[vector<16xi32>], vector<16xf32>,
      %add3A_246 = arith.constant 1 : i32
      %add3A_247 = vector.broadcast %add3A_246 : i32 to vector<16xi32>
      %add3A_248 = arith.addi %mul3A_194, %add3A_247 : vector<16xi32>
      tpu.vector_store_idx %arg19[%add3A_248], %select_n3A_241 {add = true} : memref<20480xf32, #tpu.memory_space<vmem>>[vector<16xi32>], vector<16xf32>,
      %get3A_249 = arith.constant 48 : index
      %get3A_250 = tpu.vector_load %arg13[%get3A_249] {strides = array<i32>} : memref<128xi32, #tpu.memory_space<vmem>>, vector<16xi32>,
      %get3A_251 = arith.constant 48 : index
      %get3A_252 = tpu.vector_load %arg15[%get3A_251] {strides = array<i32>} : memref<128xi32, #tpu.memory_space<vmem>>, vector<16xi32>,
      %mul3A_253 = arith.constant 2 : i32
      %mul3A_254 = vector.broadcast %mul3A_253 : i32 to vector<16xi32>
      %mul3A_255 = arith.muli %get3A_250, %mul3A_254 : vector<16xi32>
      %mul3A_256 = arith.constant 2 : i32
      %mul3A_257 = vector.broadcast %mul3A_256 : i32 to vector<16xi32>
      %mul3A_258 = arith.muli %get3A_252, %mul3A_257 : vector<16xi32>
      %gather3A_259 = tpu.vector_load_idx %arg10[%mul3A_255] : memref<20000xf32, #tpu.memory_space<vmem>>[vector<16xi32>], vector<16xf32>,
      %add3A_260 = arith.constant 1 : i32
      %add3A_261 = vector.broadcast %add3A_260 : i32 to vector<16xi32>
      %add3A_262 = arith.addi %mul3A_255, %add3A_261 : vector<16xi32>
      %gather3A_263 = tpu.vector_load_idx %arg10[%add3A_262] : memref<20000xf32, #tpu.memory_space<vmem>>[vector<16xi32>], vector<16xf32>,
      %gather3A_264 = tpu.vector_load_idx %arg11[%mul3A_258] : memref<20000xf32, #tpu.memory_space<vmem>>[vector<16xi32>], vector<16xf32>,
      %add3A_265 = arith.constant 1 : i32
      %add3A_266 = vector.broadcast %add3A_265 : i32 to vector<16xi32>
      %add3A_267 = arith.addi %mul3A_258, %add3A_266 : vector<16xi32>
      %gather3A_268 = tpu.vector_load_idx %arg11[%add3A_267] : memref<20000xf32, #tpu.memory_space<vmem>>[vector<16xi32>], vector<16xf32>,
      %add3A_269 = arith.addf %gather3A_259, %gather3A_264 : vector<16xf32>
      %add3A_270 = arith.addf %gather3A_263, %gather3A_268 : vector<16xf32>
      %mul3A_271 = arith.constant 2.000000e-01 : f32
      %mul3A_272 = vector.broadcast %mul3A_271 : f32 to vector<16xf32>
      %mul3A_273 = arith.mulf %mul3A_272, %add3A_269 : vector<16xf32>
      %max3A_274 = arith.maximumf %add3A_269, %mul3A_273 : vector<16xf32>
      %mul3A_275 = arith.constant 2.000000e-01 : f32
      %mul3A_276 = vector.broadcast %mul3A_275 : f32 to vector<16xf32>
      %mul3A_277 = arith.mulf %mul3A_276, %add3A_270 : vector<16xf32>
      %max3A_278 = arith.maximumf %add3A_270, %mul3A_277 : vector<16xf32>
      %add3A_279 = arith.addf %get3A_7, %gather3A_264 : vector<16xf32>
      %add3A_280 = arith.addf %get3A_9, %gather3A_268 : vector<16xf32>
      %mul3A_281 = arith.constant 2.000000e-01 : f32
      %mul3A_282 = vector.broadcast %mul3A_281 : f32 to vector<16xf32>
      %mul3A_283 = arith.mulf %mul3A_282, %add3A_279 : vector<16xf32>
      %max3A_284 = arith.maximumf %add3A_279, %mul3A_283 : vector<16xf32>
      %mul3A_285 = arith.constant 2.000000e-01 : f32
      %mul3A_286 = vector.broadcast %mul3A_285 : f32 to vector<16xf32>
      %mul3A_287 = arith.mulf %mul3A_286, %add3A_280 : vector<16xf32>
      %max3A_288 = arith.maximumf %add3A_280, %mul3A_287 : vector<16xf32>
      %sub3A_289 = arith.subf %max3A_274, %max3A_284 : vector<16xf32>
      %exp3A_290 = math.exp %sub3A_289 : vector<16xf32>
      %sub3A_291 = arith.subf %max3A_278, %max3A_288 : vector<16xf32>
      %exp3A_292 = math.exp %sub3A_291 : vector<16xf32>
      %add3A_293 = arith.constant 48 : i32
      %add3A_294 = arith.addi %mul3A_63, %add3A_293 : i32
      %add3A_295 = vector.broadcast %add3A_294 : i32 to vector<16xi32>
      %add3A_296 = arith.addi %add3A_295, %iota3A : vector<16xi32>
      %lt3A_297 = arith.constant 330000 : i32
      %lt3A_298 = vector.broadcast %lt3A_297 : i32 to vector<16xi32>
      %lt3A_299 = arith.cmpi slt, %add3A_296, %lt3A_298 : vector<16xi32>
      %jit3A_300 = arith.constant 0.000000e+00 : f32
      %broadcast_in_dim3A_301 = vector.broadcast %jit3A_300 : f32 to vector<16xf32>
      %select_n3A_302 = arith.select %lt3A_299, %exp3A_290, %broadcast_in_dim3A_301 : vector<16xi1>, vector<16xf32>
      %jit3A_303 = arith.constant 0.000000e+00 : f32
      %broadcast_in_dim3A_304 = vector.broadcast %jit3A_303 : f32 to vector<16xf32>
      %select_n3A_305 = arith.select %lt3A_299, %exp3A_292, %broadcast_in_dim3A_304 : vector<16xi1>, vector<16xf32>
      %swap3A_306 = arith.constant 48 : index
      %swap3A_307 = tpu.vector_load %arg17[%swap3A_306] {strides = array<i32>} : memref<128xf32, #tpu.memory_space<vmem>>, vector<16xf32>,
      tpu.vector_store %arg17[%swap3A_306], %select_n3A_302 {strides = array<i32>} : memref<128xf32, #tpu.memory_space<vmem>>, vector<16xf32>,
      %swap3A_308 = arith.constant 48 : index
      %swap3A_309 = tpu.vector_load %arg18[%swap3A_308] {strides = array<i32>} : memref<128xf32, #tpu.memory_space<vmem>>, vector<16xf32>,
      tpu.vector_store %arg18[%swap3A_308], %select_n3A_305 {strides = array<i32>} : memref<128xf32, #tpu.memory_space<vmem>>, vector<16xf32>,
      tpu.vector_store_idx %arg19[%mul3A_258], %select_n3A_302 {add = true} : memref<20480xf32, #tpu.memory_space<vmem>>[vector<16xi32>], vector<16xf32>,
      %add3A_310 = arith.constant 1 : i32
      %add3A_311 = vector.broadcast %add3A_310 : i32 to vector<16xi32>
      %add3A_312 = arith.addi %mul3A_258, %add3A_311 : vector<16xi32>
      tpu.vector_store_idx %arg19[%add3A_312], %select_n3A_305 {add = true} : memref<20480xf32, #tpu.memory_space<vmem>>[vector<16xi32>], vector<16xf32>,
      %get3A_313 = arith.constant 64 : index
      %get3A_314 = tpu.vector_load %arg13[%get3A_313] {strides = array<i32>} : memref<128xi32, #tpu.memory_space<vmem>>, vector<16xi32>,
      %get3A_315 = arith.constant 64 : index
      %get3A_316 = tpu.vector_load %arg15[%get3A_315] {strides = array<i32>} : memref<128xi32, #tpu.memory_space<vmem>>, vector<16xi32>,
      %mul3A_317 = arith.constant 2 : i32
      %mul3A_318 = vector.broadcast %mul3A_317 : i32 to vector<16xi32>
      %mul3A_319 = arith.muli %get3A_314, %mul3A_318 : vector<16xi32>
      %mul3A_320 = arith.constant 2 : i32
      %mul3A_321 = vector.broadcast %mul3A_320 : i32 to vector<16xi32>
      %mul3A_322 = arith.muli %get3A_316, %mul3A_321 : vector<16xi32>
      %gather3A_323 = tpu.vector_load_idx %arg10[%mul3A_319] : memref<20000xf32, #tpu.memory_space<vmem>>[vector<16xi32>], vector<16xf32>,
      %add3A_324 = arith.constant 1 : i32
      %add3A_325 = vector.broadcast %add3A_324 : i32 to vector<16xi32>
      %add3A_326 = arith.addi %mul3A_319, %add3A_325 : vector<16xi32>
      %gather3A_327 = tpu.vector_load_idx %arg10[%add3A_326] : memref<20000xf32, #tpu.memory_space<vmem>>[vector<16xi32>], vector<16xf32>,
      %gather3A_328 = tpu.vector_load_idx %arg11[%mul3A_322] : memref<20000xf32, #tpu.memory_space<vmem>>[vector<16xi32>], vector<16xf32>,
      %add3A_329 = arith.constant 1 : i32
      %add3A_330 = vector.broadcast %add3A_329 : i32 to vector<16xi32>
      %add3A_331 = arith.addi %mul3A_322, %add3A_330 : vector<16xi32>
      %gather3A_332 = tpu.vector_load_idx %arg11[%add3A_331] : memref<20000xf32, #tpu.memory_space<vmem>>[vector<16xi32>], vector<16xf32>,
      %add3A_333 = arith.addf %gather3A_323, %gather3A_328 : vector<16xf32>
      %add3A_334 = arith.addf %gather3A_327, %gather3A_332 : vector<16xf32>
      %mul3A_335 = arith.constant 2.000000e-01 : f32
      %mul3A_336 = vector.broadcast %mul3A_335 : f32 to vector<16xf32>
      %mul3A_337 = arith.mulf %mul3A_336, %add3A_333 : vector<16xf32>
      %max3A_338 = arith.maximumf %add3A_333, %mul3A_337 : vector<16xf32>
      %mul3A_339 = arith.constant 2.000000e-01 : f32
      %mul3A_340 = vector.broadcast %mul3A_339 : f32 to vector<16xf32>
      %mul3A_341 = arith.mulf %mul3A_340, %add3A_334 : vector<16xf32>
      %max3A_342 = arith.maximumf %add3A_334, %mul3A_341 : vector<16xf32>
      %add3A_343 = arith.addf %get3A_7, %gather3A_328 : vector<16xf32>
      %add3A_344 = arith.addf %get3A_9, %gather3A_332 : vector<16xf32>
      %mul3A_345 = arith.constant 2.000000e-01 : f32
      %mul3A_346 = vector.broadcast %mul3A_345 : f32 to vector<16xf32>
      %mul3A_347 = arith.mulf %mul3A_346, %add3A_343 : vector<16xf32>
      %max3A_348 = arith.maximumf %add3A_343, %mul3A_347 : vector<16xf32>
      %mul3A_349 = arith.constant 2.000000e-01 : f32
      %mul3A_350 = vector.broadcast %mul3A_349 : f32 to vector<16xf32>
      %mul3A_351 = arith.mulf %mul3A_350, %add3A_344 : vector<16xf32>
      %max3A_352 = arith.maximumf %add3A_344, %mul3A_351 : vector<16xf32>
      %sub3A_353 = arith.subf %max3A_338, %max3A_348 : vector<16xf32>
      %exp3A_354 = math.exp %sub3A_353 : vector<16xf32>
      %sub3A_355 = arith.subf %max3A_342, %max3A_352 : vector<16xf32>
      %exp3A_356 = math.exp %sub3A_355 : vector<16xf32>
      %add3A_357 = arith.constant 64 : i32
      %add3A_358 = arith.addi %mul3A_63, %add3A_357 : i32
      %add3A_359 = vector.broadcast %add3A_358 : i32 to vector<16xi32>
      %add3A_360 = arith.addi %add3A_359, %iota3A : vector<16xi32>
      %lt3A_361 = arith.constant 330000 : i32
      %lt3A_362 = vector.broadcast %lt3A_361 : i32 to vector<16xi32>
      %lt3A_363 = arith.cmpi slt, %add3A_360, %lt3A_362 : vector<16xi32>
      %jit3A_364 = arith.constant 0.000000e+00 : f32
      %broadcast_in_dim3A_365 = vector.broadcast %jit3A_364 : f32 to vector<16xf32>
      %select_n3A_366 = arith.select %lt3A_363, %exp3A_354, %broadcast_in_dim3A_365 : vector<16xi1>, vector<16xf32>
      %jit3A_367 = arith.constant 0.000000e+00 : f32
      %broadcast_in_dim3A_368 = vector.broadcast %jit3A_367 : f32 to vector<16xf32>
      %select_n3A_369 = arith.select %lt3A_363, %exp3A_356, %broadcast_in_dim3A_368 : vector<16xi1>, vector<16xf32>
      %swap3A_370 = arith.constant 64 : index
      %swap3A_371 = tpu.vector_load %arg17[%swap3A_370] {strides = array<i32>} : memref<128xf32, #tpu.memory_space<vmem>>, vector<16xf32>,
      tpu.vector_store %arg17[%swap3A_370], %select_n3A_366 {strides = array<i32>} : memref<128xf32, #tpu.memory_space<vmem>>, vector<16xf32>,
      %swap3A_372 = arith.constant 64 : index
      %swap3A_373 = tpu.vector_load %arg18[%swap3A_372] {strides = array<i32>} : memref<128xf32, #tpu.memory_space<vmem>>, vector<16xf32>,
      tpu.vector_store %arg18[%swap3A_372], %select_n3A_369 {strides = array<i32>} : memref<128xf32, #tpu.memory_space<vmem>>, vector<16xf32>,
      tpu.vector_store_idx %arg19[%mul3A_322], %select_n3A_366 {add = true} : memref<20480xf32, #tpu.memory_space<vmem>>[vector<16xi32>], vector<16xf32>,
      %add3A_374 = arith.constant 1 : i32
      %add3A_375 = vector.broadcast %add3A_374 : i32 to vector<16xi32>
      %add3A_376 = arith.addi %mul3A_322, %add3A_375 : vector<16xi32>
      tpu.vector_store_idx %arg19[%add3A_376], %select_n3A_369 {add = true} : memref<20480xf32, #tpu.memory_space<vmem>>[vector<16xi32>], vector<16xf32>,
      %get3A_377 = arith.constant 80 : index
      %get3A_378 = tpu.vector_load %arg13[%get3A_377] {strides = array<i32>} : memref<128xi32, #tpu.memory_space<vmem>>, vector<16xi32>,
      %get3A_379 = arith.constant 80 : index
      %get3A_380 = tpu.vector_load %arg15[%get3A_379] {strides = array<i32>} : memref<128xi32, #tpu.memory_space<vmem>>, vector<16xi32>,
      %mul3A_381 = arith.constant 2 : i32
      %mul3A_382 = vector.broadcast %mul3A_381 : i32 to vector<16xi32>
      %mul3A_383 = arith.muli %get3A_378, %mul3A_382 : vector<16xi32>
      %mul3A_384 = arith.constant 2 : i32
      %mul3A_385 = vector.broadcast %mul3A_384 : i32 to vector<16xi32>
      %mul3A_386 = arith.muli %get3A_380, %mul3A_385 : vector<16xi32>
      %gather3A_387 = tpu.vector_load_idx %arg10[%mul3A_383] : memref<20000xf32, #tpu.memory_space<vmem>>[vector<16xi32>], vector<16xf32>,
      %add3A_388 = arith.constant 1 : i32
      %add3A_389 = vector.broadcast %add3A_388 : i32 to vector<16xi32>
      %add3A_390 = arith.addi %mul3A_383, %add3A_389 : vector<16xi32>
      %gather3A_391 = tpu.vector_load_idx %arg10[%add3A_390] : memref<20000xf32, #tpu.memory_space<vmem>>[vector<16xi32>], vector<16xf32>,
      %gather3A_392 = tpu.vector_load_idx %arg11[%mul3A_386] : memref<20000xf32, #tpu.memory_space<vmem>>[vector<16xi32>], vector<16xf32>,
      %add3A_393 = arith.constant 1 : i32
      %add3A_394 = vector.broadcast %add3A_393 : i32 to vector<16xi32>
      %add3A_395 = arith.addi %mul3A_386, %add3A_394 : vector<16xi32>
      %gather3A_396 = tpu.vector_load_idx %arg11[%add3A_395] : memref<20000xf32, #tpu.memory_space<vmem>>[vector<16xi32>], vector<16xf32>,
      %add3A_397 = arith.addf %gather3A_387, %gather3A_392 : vector<16xf32>
      %add3A_398 = arith.addf %gather3A_391, %gather3A_396 : vector<16xf32>
      %mul3A_399 = arith.constant 2.000000e-01 : f32
      %mul3A_400 = vector.broadcast %mul3A_399 : f32 to vector<16xf32>
      %mul3A_401 = arith.mulf %mul3A_400, %add3A_397 : vector<16xf32>
      %max3A_402 = arith.maximumf %add3A_397, %mul3A_401 : vector<16xf32>
      %mul3A_403 = arith.constant 2.000000e-01 : f32
      %mul3A_404 = vector.broadcast %mul3A_403 : f32 to vector<16xf32>
      %mul3A_405 = arith.mulf %mul3A_404, %add3A_398 : vector<16xf32>
      %max3A_406 = arith.maximumf %add3A_398, %mul3A_405 : vector<16xf32>
      %add3A_407 = arith.addf %get3A_7, %gather3A_392 : vector<16xf32>
      %add3A_408 = arith.addf %get3A_9, %gather3A_396 : vector<16xf32>
      %mul3A_409 = arith.constant 2.000000e-01 : f32
      %mul3A_410 = vector.broadcast %mul3A_409 : f32 to vector<16xf32>
      %mul3A_411 = arith.mulf %mul3A_410, %add3A_407 : vector<16xf32>
      %max3A_412 = arith.maximumf %add3A_407, %mul3A_411 : vector<16xf32>
      %mul3A_413 = arith.constant 2.000000e-01 : f32
      %mul3A_414 = vector.broadcast %mul3A_413 : f32 to vector<16xf32>
      %mul3A_415 = arith.mulf %mul3A_414, %add3A_408 : vector<16xf32>
      %max3A_416 = arith.maximumf %add3A_408, %mul3A_415 : vector<16xf32>
      %sub3A_417 = arith.subf %max3A_402, %max3A_412 : vector<16xf32>
      %exp3A_418 = math.exp %sub3A_417 : vector<16xf32>
      %sub3A_419 = arith.subf %max3A_406, %max3A_416 : vector<16xf32>
      %exp3A_420 = math.exp %sub3A_419 : vector<16xf32>
      %add3A_421 = arith.constant 80 : i32
      %add3A_422 = arith.addi %mul3A_63, %add3A_421 : i32
      %add3A_423 = vector.broadcast %add3A_422 : i32 to vector<16xi32>
      %add3A_424 = arith.addi %add3A_423, %iota3A : vector<16xi32>
      %lt3A_425 = arith.constant 330000 : i32
      %lt3A_426 = vector.broadcast %lt3A_425 : i32 to vector<16xi32>
      %lt3A_427 = arith.cmpi slt, %add3A_424, %lt3A_426 : vector<16xi32>
      %jit3A_428 = arith.constant 0.000000e+00 : f32
      %broadcast_in_dim3A_429 = vector.broadcast %jit3A_428 : f32 to vector<16xf32>
      %select_n3A_430 = arith.select %lt3A_427, %exp3A_418, %broadcast_in_dim3A_429 : vector<16xi1>, vector<16xf32>
      %jit3A_431 = arith.constant 0.000000e+00 : f32
      %broadcast_in_dim3A_432 = vector.broadcast %jit3A_431 : f32 to vector<16xf32>
      %select_n3A_433 = arith.select %lt3A_427, %exp3A_420, %broadcast_in_dim3A_432 : vector<16xi1>, vector<16xf32>
      %swap3A_434 = arith.constant 80 : index
      %swap3A_435 = tpu.vector_load %arg17[%swap3A_434] {strides = array<i32>} : memref<128xf32, #tpu.memory_space<vmem>>, vector<16xf32>,
      tpu.vector_store %arg17[%swap3A_434], %select_n3A_430 {strides = array<i32>} : memref<128xf32, #tpu.memory_space<vmem>>, vector<16xf32>,
      %swap3A_436 = arith.constant 80 : index
      %swap3A_437 = tpu.vector_load %arg18[%swap3A_436] {strides = array<i32>} : memref<128xf32, #tpu.memory_space<vmem>>, vector<16xf32>,
      tpu.vector_store %arg18[%swap3A_436], %select_n3A_433 {strides = array<i32>} : memref<128xf32, #tpu.memory_space<vmem>>, vector<16xf32>,
      tpu.vector_store_idx %arg19[%mul3A_386], %select_n3A_430 {add = true} : memref<20480xf32, #tpu.memory_space<vmem>>[vector<16xi32>], vector<16xf32>,
      %add3A_438 = arith.constant 1 : i32
      %add3A_439 = vector.broadcast %add3A_438 : i32 to vector<16xi32>
      %add3A_440 = arith.addi %mul3A_386, %add3A_439 : vector<16xi32>
      tpu.vector_store_idx %arg19[%add3A_440], %select_n3A_433 {add = true} : memref<20480xf32, #tpu.memory_space<vmem>>[vector<16xi32>], vector<16xf32>,
      %get3A_441 = arith.constant 96 : index
      %get3A_442 = tpu.vector_load %arg13[%get3A_441] {strides = array<i32>} : memref<128xi32, #tpu.memory_space<vmem>>, vector<16xi32>,
      %get3A_443 = arith.constant 96 : index
      %get3A_444 = tpu.vector_load %arg15[%get3A_443] {strides = array<i32>} : memref<128xi32, #tpu.memory_space<vmem>>, vector<16xi32>,
      %mul3A_445 = arith.constant 2 : i32
      %mul3A_446 = vector.broadcast %mul3A_445 : i32 to vector<16xi32>
      %mul3A_447 = arith.muli %get3A_442, %mul3A_446 : vector<16xi32>
      %mul3A_448 = arith.constant 2 : i32
      %mul3A_449 = vector.broadcast %mul3A_448 : i32 to vector<16xi32>
      %mul3A_450 = arith.muli %get3A_444, %mul3A_449 : vector<16xi32>
      %gather3A_451 = tpu.vector_load_idx %arg10[%mul3A_447] : memref<20000xf32, #tpu.memory_space<vmem>>[vector<16xi32>], vector<16xf32>,
      %add3A_452 = arith.constant 1 : i32
      %add3A_453 = vector.broadcast %add3A_452 : i32 to vector<16xi32>
      %add3A_454 = arith.addi %mul3A_447, %add3A_453 : vector<16xi32>
      %gather3A_455 = tpu.vector_load_idx %arg10[%add3A_454] : memref<20000xf32, #tpu.memory_space<vmem>>[vector<16xi32>], vector<16xf32>,
      %gather3A_456 = tpu.vector_load_idx %arg11[%mul3A_450] : memref<20000xf32, #tpu.memory_space<vmem>>[vector<16xi32>], vector<16xf32>,
      %add3A_457 = arith.constant 1 : i32
      %add3A_458 = vector.broadcast %add3A_457 : i32 to vector<16xi32>
      %add3A_459 = arith.addi %mul3A_450, %add3A_458 : vector<16xi32>
      %gather3A_460 = tpu.vector_load_idx %arg11[%add3A_459] : memref<20000xf32, #tpu.memory_space<vmem>>[vector<16xi32>], vector<16xf32>,
      %add3A_461 = arith.addf %gather3A_451, %gather3A_456 : vector<16xf32>
      %add3A_462 = arith.addf %gather3A_455, %gather3A_460 : vector<16xf32>
      %mul3A_463 = arith.constant 2.000000e-01 : f32
      %mul3A_464 = vector.broadcast %mul3A_463 : f32 to vector<16xf32>
      %mul3A_465 = arith.mulf %mul3A_464, %add3A_461 : vector<16xf32>
      %max3A_466 = arith.maximumf %add3A_461, %mul3A_465 : vector<16xf32>
      %mul3A_467 = arith.constant 2.000000e-01 : f32
      %mul3A_468 = vector.broadcast %mul3A_467 : f32 to vector<16xf32>
      %mul3A_469 = arith.mulf %mul3A_468, %add3A_462 : vector<16xf32>
      %max3A_470 = arith.maximumf %add3A_462, %mul3A_469 : vector<16xf32>
      %add3A_471 = arith.addf %get3A_7, %gather3A_456 : vector<16xf32>
      %add3A_472 = arith.addf %get3A_9, %gather3A_460 : vector<16xf32>
      %mul3A_473 = arith.constant 2.000000e-01 : f32
      %mul3A_474 = vector.broadcast %mul3A_473 : f32 to vector<16xf32>
      %mul3A_475 = arith.mulf %mul3A_474, %add3A_471 : vector<16xf32>
      %max3A_476 = arith.maximumf %add3A_471, %mul3A_475 : vector<16xf32>
      %mul3A_477 = arith.constant 2.000000e-01 : f32
      %mul3A_478 = vector.broadcast %mul3A_477 : f32 to vector<16xf32>
      %mul3A_479 = arith.mulf %mul3A_478, %add3A_472 : vector<16xf32>
      %max3A_480 = arith.maximumf %add3A_472, %mul3A_479 : vector<16xf32>
      %sub3A_481 = arith.subf %max3A_466, %max3A_476 : vector<16xf32>
      %exp3A_482 = math.exp %sub3A_481 : vector<16xf32>
      %sub3A_483 = arith.subf %max3A_470, %max3A_480 : vector<16xf32>
      %exp3A_484 = math.exp %sub3A_483 : vector<16xf32>
      %add3A_485 = arith.constant 96 : i32
      %add3A_486 = arith.addi %mul3A_63, %add3A_485 : i32
      %add3A_487 = vector.broadcast %add3A_486 : i32 to vector<16xi32>
      %add3A_488 = arith.addi %add3A_487, %iota3A : vector<16xi32>
      %lt3A_489 = arith.constant 330000 : i32
      %lt3A_490 = vector.broadcast %lt3A_489 : i32 to vector<16xi32>
      %lt3A_491 = arith.cmpi slt, %add3A_488, %lt3A_490 : vector<16xi32>
      %jit3A_492 = arith.constant 0.000000e+00 : f32
      %broadcast_in_dim3A_493 = vector.broadcast %jit3A_492 : f32 to vector<16xf32>
      %select_n3A_494 = arith.select %lt3A_491, %exp3A_482, %broadcast_in_dim3A_493 : vector<16xi1>, vector<16xf32>
      %jit3A_495 = arith.constant 0.000000e+00 : f32
      %broadcast_in_dim3A_496 = vector.broadcast %jit3A_495 : f32 to vector<16xf32>
      %select_n3A_497 = arith.select %lt3A_491, %exp3A_484, %broadcast_in_dim3A_496 : vector<16xi1>, vector<16xf32>
      %swap3A_498 = arith.constant 96 : index
      %swap3A_499 = tpu.vector_load %arg17[%swap3A_498] {strides = array<i32>} : memref<128xf32, #tpu.memory_space<vmem>>, vector<16xf32>,
      tpu.vector_store %arg17[%swap3A_498], %select_n3A_494 {strides = array<i32>} : memref<128xf32, #tpu.memory_space<vmem>>, vector<16xf32>,
      %swap3A_500 = arith.constant 96 : index
      %swap3A_501 = tpu.vector_load %arg18[%swap3A_500] {strides = array<i32>} : memref<128xf32, #tpu.memory_space<vmem>>, vector<16xf32>,
      tpu.vector_store %arg18[%swap3A_500], %select_n3A_497 {strides = array<i32>} : memref<128xf32, #tpu.memory_space<vmem>>, vector<16xf32>,
      tpu.vector_store_idx %arg19[%mul3A_450], %select_n3A_494 {add = true} : memref<20480xf32, #tpu.memory_space<vmem>>[vector<16xi32>], vector<16xf32>,
      %add3A_502 = arith.constant 1 : i32
      %add3A_503 = vector.broadcast %add3A_502 : i32 to vector<16xi32>
      %add3A_504 = arith.addi %mul3A_450, %add3A_503 : vector<16xi32>
      tpu.vector_store_idx %arg19[%add3A_504], %select_n3A_497 {add = true} : memref<20480xf32, #tpu.memory_space<vmem>>[vector<16xi32>], vector<16xf32>,
      %get3A_505 = arith.constant 112 : index
      %get3A_506 = tpu.vector_load %arg13[%get3A_505] {strides = array<i32>} : memref<128xi32, #tpu.memory_space<vmem>>, vector<16xi32>,
      %get3A_507 = arith.constant 112 : index
      %get3A_508 = tpu.vector_load %arg15[%get3A_507] {strides = array<i32>} : memref<128xi32, #tpu.memory_space<vmem>>, vector<16xi32>,
      %mul3A_509 = arith.constant 2 : i32
      %mul3A_510 = vector.broadcast %mul3A_509 : i32 to vector<16xi32>
      %mul3A_511 = arith.muli %get3A_506, %mul3A_510 : vector<16xi32>
      %mul3A_512 = arith.constant 2 : i32
      %mul3A_513 = vector.broadcast %mul3A_512 : i32 to vector<16xi32>
      %mul3A_514 = arith.muli %get3A_508, %mul3A_513 : vector<16xi32>
      %gather3A_515 = tpu.vector_load_idx %arg10[%mul3A_511] : memref<20000xf32, #tpu.memory_space<vmem>>[vector<16xi32>], vector<16xf32>,
      %add3A_516 = arith.constant 1 : i32
      %add3A_517 = vector.broadcast %add3A_516 : i32 to vector<16xi32>
      %add3A_518 = arith.addi %mul3A_511, %add3A_517 : vector<16xi32>
      %gather3A_519 = tpu.vector_load_idx %arg10[%add3A_518] : memref<20000xf32, #tpu.memory_space<vmem>>[vector<16xi32>], vector<16xf32>,
      %gather3A_520 = tpu.vector_load_idx %arg11[%mul3A_514] : memref<20000xf32, #tpu.memory_space<vmem>>[vector<16xi32>], vector<16xf32>,
      %add3A_521 = arith.constant 1 : i32
      %add3A_522 = vector.broadcast %add3A_521 : i32 to vector<16xi32>
      %add3A_523 = arith.addi %mul3A_514, %add3A_522 : vector<16xi32>
      %gather3A_524 = tpu.vector_load_idx %arg11[%add3A_523] : memref<20000xf32, #tpu.memory_space<vmem>>[vector<16xi32>], vector<16xf32>,
      %add3A_525 = arith.addf %gather3A_515, %gather3A_520 : vector<16xf32>
      %add3A_526 = arith.addf %gather3A_519, %gather3A_524 : vector<16xf32>
      %mul3A_527 = arith.constant 2.000000e-01 : f32
      %mul3A_528 = vector.broadcast %mul3A_527 : f32 to vector<16xf32>
      %mul3A_529 = arith.mulf %mul3A_528, %add3A_525 : vector<16xf32>
      %max3A_530 = arith.maximumf %add3A_525, %mul3A_529 : vector<16xf32>
      %mul3A_531 = arith.constant 2.000000e-01 : f32
      %mul3A_532 = vector.broadcast %mul3A_531 : f32 to vector<16xf32>
      %mul3A_533 = arith.mulf %mul3A_532, %add3A_526 : vector<16xf32>
      %max3A_534 = arith.maximumf %add3A_526, %mul3A_533 : vector<16xf32>
      %add3A_535 = arith.addf %get3A_7, %gather3A_520 : vector<16xf32>
      %add3A_536 = arith.addf %get3A_9, %gather3A_524 : vector<16xf32>
      %mul3A_537 = arith.constant 2.000000e-01 : f32
      %mul3A_538 = vector.broadcast %mul3A_537 : f32 to vector<16xf32>
      %mul3A_539 = arith.mulf %mul3A_538, %add3A_535 : vector<16xf32>
      %max3A_540 = arith.maximumf %add3A_535, %mul3A_539 : vector<16xf32>
      %mul3A_541 = arith.constant 2.000000e-01 : f32
      %mul3A_542 = vector.broadcast %mul3A_541 : f32 to vector<16xf32>
      %mul3A_543 = arith.mulf %mul3A_542, %add3A_536 : vector<16xf32>
      %max3A_544 = arith.maximumf %add3A_536, %mul3A_543 : vector<16xf32>
      %sub3A_545 = arith.subf %max3A_530, %max3A_540 : vector<16xf32>
      %exp3A_546 = math.exp %sub3A_545 : vector<16xf32>
      %sub3A_547 = arith.subf %max3A_534, %max3A_544 : vector<16xf32>
      %exp3A_548 = math.exp %sub3A_547 : vector<16xf32>
      %add3A_549 = arith.constant 112 : i32
      %add3A_550 = arith.addi %mul3A_63, %add3A_549 : i32
      %add3A_551 = vector.broadcast %add3A_550 : i32 to vector<16xi32>
      %add3A_552 = arith.addi %add3A_551, %iota3A : vector<16xi32>
      %lt3A_553 = arith.constant 330000 : i32
      %lt3A_554 = vector.broadcast %lt3A_553 : i32 to vector<16xi32>
      %lt3A_555 = arith.cmpi slt, %add3A_552, %lt3A_554 : vector<16xi32>
      %jit3A_556 = arith.constant 0.000000e+00 : f32
      %broadcast_in_dim3A_557 = vector.broadcast %jit3A_556 : f32 to vector<16xf32>
      %select_n3A_558 = arith.select %lt3A_555, %exp3A_546, %broadcast_in_dim3A_557 : vector<16xi1>, vector<16xf32>
      %jit3A_559 = arith.constant 0.000000e+00 : f32
      %broadcast_in_dim3A_560 = vector.broadcast %jit3A_559 : f32 to vector<16xf32>
      %select_n3A_561 = arith.select %lt3A_555, %exp3A_548, %broadcast_in_dim3A_560 : vector<16xi1>, vector<16xf32>
      %swap3A_562 = arith.constant 112 : index
      %swap3A_563 = tpu.vector_load %arg17[%swap3A_562] {strides = array<i32>} : memref<128xf32, #tpu.memory_space<vmem>>, vector<16xf32>,
      tpu.vector_store %arg17[%swap3A_562], %select_n3A_558 {strides = array<i32>} : memref<128xf32, #tpu.memory_space<vmem>>, vector<16xf32>,
      %swap3A_564 = arith.constant 112 : index
      %swap3A_565 = tpu.vector_load %arg18[%swap3A_564] {strides = array<i32>} : memref<128xf32, #tpu.memory_space<vmem>>, vector<16xf32>,
      tpu.vector_store %arg18[%swap3A_564], %select_n3A_561 {strides = array<i32>} : memref<128xf32, #tpu.memory_space<vmem>>, vector<16xf32>,
      tpu.vector_store_idx %arg19[%mul3A_514], %select_n3A_558 {add = true} : memref<20480xf32, #tpu.memory_space<vmem>>[vector<16xi32>], vector<16xf32>,
      %add3A_566 = arith.constant 1 : i32
      %add3A_567 = vector.broadcast %add3A_566 : i32 to vector<16xi32>
      %add3A_568 = arith.addi %mul3A_514, %add3A_567 : vector<16xi32>
      tpu.vector_store_idx %arg19[%add3A_568], %select_n3A_561 {add = true} : memref<20480xf32, #tpu.memory_space<vmem>>[vector<16xi32>], vector<16xf32>,
      "tpu.region"() ({
        %run_scoped3A = tpu.sem_alloc : memref<!tpu.dma_semaphore, #tpu.memory_space<semaphore_mem>>
        %dma_start3A_1097 = tpu.memref_slice %arg7[%mul3A_63] : memref<335872xf32, #tpu.memory_space<hbm>> -> memref<128xf32, #tpu.memory_space<hbm>>
        %dma_start3A_1098 = tpu.memref_slice %arg7[%mul3A_63] : memref<335872xf32, #tpu.memory_space<hbm>> -> memref<128xf32, #tpu.memory_space<hbm>>
        tpu.enqueue_dma source(%arg17 : memref<128xf32, #tpu.memory_space<vmem>>) target(%dma_start3A_1098 : memref<128xf32, #tpu.memory_space<hbm>>) target_semaphore(%run_scoped3A : memref<!tpu.dma_semaphore, #tpu.memory_space<semaphore_mem>>)
        %dma_wait3A_1099 = tpu.memref_slice %arg7[%mul3A_63] : memref<335872xf32, #tpu.memory_space<hbm>> -> memref<128xf32, #tpu.memory_space<hbm>>
        %dma_wait3A_1100 = tpu.memref_slice %arg7[%mul3A_63] : memref<335872xf32, #tpu.memory_space<hbm>> -> memref<128xf32, #tpu.memory_space<hbm>>
        tpu.wait_dma2 semaphore(%run_scoped3A : memref<!tpu.dma_semaphore, #tpu.memory_space<semaphore_mem>>) src(%arg17 : memref<128xf32, #tpu.memory_space<vmem>>) dst(%dma_wait3A_1100 : memref<128xf32, #tpu.memory_space<hbm>>)
        tpu.yield
      }) : () -> ()
      "tpu.region"() ({
        %run_scoped3A = tpu.sem_alloc : memref<!tpu.dma_semaphore, #tpu.memory_space<semaphore_mem>>
        %dma_start3A_1097 = tpu.memref_slice %arg8[%mul3A_63] : memref<335872xf32, #tpu.memory_space<hbm>> -> memref<128xf32, #tpu.memory_space<hbm>>
        %dma_start3A_1098 = tpu.memref_slice %arg8[%mul3A_63] : memref<335872xf32, #tpu.memory_space<hbm>> -> memref<128xf32, #tpu.memory_space<hbm>>
        tpu.enqueue_dma source(%arg18 : memref<128xf32, #tpu.memory_space<vmem>>) target(%dma_start3A_1098 : memref<128xf32, #tpu.memory_space<hbm>>) target_semaphore(%run_scoped3A : memref<!tpu.dma_semaphore, #tpu.memory_space<semaphore_mem>>)
        %dma_wait3A_1099 = tpu.memref_slice %arg8[%mul3A_63] : memref<335872xf32, #tpu.memory_space<hbm>> -> memref<128xf32, #tpu.memory_space<hbm>>
        %dma_wait3A_1100 = tpu.memref_slice %arg8[%mul3A_63] : memref<335872xf32, #tpu.memory_space<hbm>> -> memref<128xf32, #tpu.memory_space<hbm>>
        tpu.wait_dma2 semaphore(%run_scoped3A : memref<!tpu.dma_semaphore, #tpu.memory_space<semaphore_mem>>) src(%arg18 : memref<128xf32, #tpu.memory_space<vmem>>) dst(%dma_wait3A_1100 : memref<128xf32, #tpu.memory_space<hbm>>)
        tpu.yield
      }) : () -> ()
      %convert_element_type3A = arith.extui %lt3A_54 : i1 to i32
      %cond3A = arith.constant 0 : i32
      %cond3A_569 = arith.cmpi ne, %convert_element_type3A, %cond3A : i32
      scf.if %cond3A_569 {
        %add3A_1097 = arith.constant 2 : i32
        %add3A_1098 = arith.addi %add3A_53, %add3A_1097 : i32
        %mul3A_1099 = arith.constant 128 : i32
        %mul3A_1100 = arith.muli %add3A_1098, %mul3A_1099 : i32
        %dma_start3A_1101 = tpu.memref_slice %arg5[%mul3A_1100] : memref<335872xi32, #tpu.memory_space<hbm>> -> memref<128xi32, #tpu.memory_space<hbm>>
        %dma_start3A_1102 = tpu.memref_slice %arg5[%mul3A_1100] : memref<335872xi32, #tpu.memory_space<hbm>> -> memref<128xi32, #tpu.memory_space<hbm>>
        tpu.enqueue_dma source(%dma_start3A_1102 : memref<128xi32, #tpu.memory_space<hbm>>) target(%arg13 : memref<128xi32, #tpu.memory_space<vmem>>) target_semaphore(%arg23 : memref<!tpu.dma_semaphore, #tpu.memory_space<semaphore_mem>>)
        %dma_start3A_1103 = tpu.memref_slice %arg6[%mul3A_1100] : memref<335872xi32, #tpu.memory_space<hbm>> -> memref<128xi32, #tpu.memory_space<hbm>>
        %dma_start3A_1104 = tpu.memref_slice %arg6[%mul3A_1100] : memref<335872xi32, #tpu.memory_space<hbm>> -> memref<128xi32, #tpu.memory_space<hbm>>
        tpu.enqueue_dma source(%dma_start3A_1104 : memref<128xi32, #tpu.memory_space<hbm>>) target(%arg15 : memref<128xi32, #tpu.memory_space<vmem>>) target_semaphore(%arg23 : memref<!tpu.dma_semaphore, #tpu.memory_space<semaphore_mem>>)
      } else {
      }
      %dma_wait3A_570 = arith.constant 0 : i32
      %dma_wait3A_571 = tpu.memref_slice %arg5[%dma_wait3A_570] : memref<335872xi32, #tpu.memory_space<hbm>> -> memref<128xi32, #tpu.memory_space<hbm>>
      %dma_wait3A_572 = arith.constant 0 : i32
      %dma_wait3A_573 = tpu.memref_slice %arg5[%dma_wait3A_572] : memref<335872xi32, #tpu.memory_space<hbm>> -> memref<128xi32, #tpu.memory_space<hbm>>
      tpu.wait_dma2 semaphore(%arg24 : memref<!tpu.dma_semaphore, #tpu.memory_space<semaphore_mem>>) src(%dma_wait3A_573 : memref<128xi32, #tpu.memory_space<hbm>>) dst(%arg14 : memref<128xi32, #tpu.memory_space<vmem>>)
      %dma_wait3A_574 = arith.constant 0 : i32
      %dma_wait3A_575 = tpu.memref_slice %arg6[%dma_wait3A_574] : memref<335872xi32, #tpu.memory_space<hbm>> -> memref<128xi32, #tpu.memory_space<hbm>>
      %dma_wait3A_576 = arith.constant 0 : i32
      %dma_wait3A_577 = tpu.memref_slice %arg6[%dma_wait3A_576] : memref<335872xi32, #tpu.memory_space<hbm>> -> memref<128xi32, #tpu.memory_space<hbm>>
      tpu.wait_dma2 semaphore(%arg24 : memref<!tpu.dma_semaphore, #tpu.memory_space<semaphore_mem>>) src(%dma_wait3A_577 : memref<128xi32, #tpu.memory_space<hbm>>) dst(%arg16 : memref<128xi32, #tpu.memory_space<vmem>>)
      %add3A_578 = arith.constant 1 : i32
      %add3A_579 = arith.addi %add3A_53, %add3A_578 : i32
      %mul3A_580 = arith.constant 128 : i32
      %mul3A_581 = arith.muli %add3A_579, %mul3A_580 : i32
      %get3A_582 = arith.constant 0 : index
      %get3A_583 = tpu.vector_load %arg14[%get3A_582] {strides = array<i32>} : memref<128xi32, #tpu.memory_space<vmem>>, vector<16xi32>,
      %get3A_584 = arith.constant 0 : index
      %get3A_585 = tpu.vector_load %arg16[%get3A_584] {strides = array<i32>} : memref<128xi32, #tpu.memory_space<vmem>>, vector<16xi32>,
      %mul3A_586 = arith.constant 2 : i32
      %mul3A_587 = vector.broadcast %mul3A_586 : i32 to vector<16xi32>
      %mul3A_588 = arith.muli %get3A_583, %mul3A_587 : vector<16xi32>
      %mul3A_589 = arith.constant 2 : i32
      %mul3A_590 = vector.broadcast %mul3A_589 : i32 to vector<16xi32>
      %mul3A_591 = arith.muli %get3A_585, %mul3A_590 : vector<16xi32>
      %gather3A_592 = tpu.vector_load_idx %arg10[%mul3A_588] : memref<20000xf32, #tpu.memory_space<vmem>>[vector<16xi32>], vector<16xf32>,
      %add3A_593 = arith.constant 1 : i32
      %add3A_594 = vector.broadcast %add3A_593 : i32 to vector<16xi32>
      %add3A_595 = arith.addi %mul3A_588, %add3A_594 : vector<16xi32>
      %gather3A_596 = tpu.vector_load_idx %arg10[%add3A_595] : memref<20000xf32, #tpu.memory_space<vmem>>[vector<16xi32>], vector<16xf32>,
      %gather3A_597 = tpu.vector_load_idx %arg11[%mul3A_591] : memref<20000xf32, #tpu.memory_space<vmem>>[vector<16xi32>], vector<16xf32>,
      %add3A_598 = arith.constant 1 : i32
      %add3A_599 = vector.broadcast %add3A_598 : i32 to vector<16xi32>
      %add3A_600 = arith.addi %mul3A_591, %add3A_599 : vector<16xi32>
      %gather3A_601 = tpu.vector_load_idx %arg11[%add3A_600] : memref<20000xf32, #tpu.memory_space<vmem>>[vector<16xi32>], vector<16xf32>,
      %add3A_602 = arith.addf %gather3A_592, %gather3A_597 : vector<16xf32>
      %add3A_603 = arith.addf %gather3A_596, %gather3A_601 : vector<16xf32>
      %mul3A_604 = arith.constant 2.000000e-01 : f32
      %mul3A_605 = vector.broadcast %mul3A_604 : f32 to vector<16xf32>
      %mul3A_606 = arith.mulf %mul3A_605, %add3A_602 : vector<16xf32>
      %max3A_607 = arith.maximumf %add3A_602, %mul3A_606 : vector<16xf32>
      %mul3A_608 = arith.constant 2.000000e-01 : f32
      %mul3A_609 = vector.broadcast %mul3A_608 : f32 to vector<16xf32>
      %mul3A_610 = arith.mulf %mul3A_609, %add3A_603 : vector<16xf32>
      %max3A_611 = arith.maximumf %add3A_603, %mul3A_610 : vector<16xf32>
      %add3A_612 = arith.addf %get3A_7, %gather3A_597 : vector<16xf32>
      %add3A_613 = arith.addf %get3A_9, %gather3A_601 : vector<16xf32>
      %mul3A_614 = arith.constant 2.000000e-01 : f32
      %mul3A_615 = vector.broadcast %mul3A_614 : f32 to vector<16xf32>
      %mul3A_616 = arith.mulf %mul3A_615, %add3A_612 : vector<16xf32>
      %max3A_617 = arith.maximumf %add3A_612, %mul3A_616 : vector<16xf32>
      %mul3A_618 = arith.constant 2.000000e-01 : f32
      %mul3A_619 = vector.broadcast %mul3A_618 : f32 to vector<16xf32>
      %mul3A_620 = arith.mulf %mul3A_619, %add3A_613 : vector<16xf32>
      %max3A_621 = arith.maximumf %add3A_613, %mul3A_620 : vector<16xf32>
      %sub3A_622 = arith.subf %max3A_607, %max3A_617 : vector<16xf32>
      %exp3A_623 = math.exp %sub3A_622 : vector<16xf32>
      %sub3A_624 = arith.subf %max3A_611, %max3A_621 : vector<16xf32>
      %exp3A_625 = math.exp %sub3A_624 : vector<16xf32>
      %add3A_626 = arith.constant 0 : i32
      %add3A_627 = arith.addi %mul3A_581, %add3A_626 : i32
      %add3A_628 = vector.broadcast %add3A_627 : i32 to vector<16xi32>
      %add3A_629 = arith.addi %add3A_628, %iota3A : vector<16xi32>
      %lt3A_630 = arith.constant 330000 : i32
      %lt3A_631 = vector.broadcast %lt3A_630 : i32 to vector<16xi32>
      %lt3A_632 = arith.cmpi slt, %add3A_629, %lt3A_631 : vector<16xi32>
      %jit3A_633 = arith.constant 0.000000e+00 : f32
      %broadcast_in_dim3A_634 = vector.broadcast %jit3A_633 : f32 to vector<16xf32>
      %select_n3A_635 = arith.select %lt3A_632, %exp3A_623, %broadcast_in_dim3A_634 : vector<16xi1>, vector<16xf32>
      %jit3A_636 = arith.constant 0.000000e+00 : f32
      %broadcast_in_dim3A_637 = vector.broadcast %jit3A_636 : f32 to vector<16xf32>
      %select_n3A_638 = arith.select %lt3A_632, %exp3A_625, %broadcast_in_dim3A_637 : vector<16xi1>, vector<16xf32>
      %swap3A_639 = arith.constant 0 : index
      %swap3A_640 = tpu.vector_load %arg17[%swap3A_639] {strides = array<i32>} : memref<128xf32, #tpu.memory_space<vmem>>, vector<16xf32>,
      tpu.vector_store %arg17[%swap3A_639], %select_n3A_635 {strides = array<i32>} : memref<128xf32, #tpu.memory_space<vmem>>, vector<16xf32>,
      %swap3A_641 = arith.constant 0 : index
      %swap3A_642 = tpu.vector_load %arg18[%swap3A_641] {strides = array<i32>} : memref<128xf32, #tpu.memory_space<vmem>>, vector<16xf32>,
      tpu.vector_store %arg18[%swap3A_641], %select_n3A_638 {strides = array<i32>} : memref<128xf32, #tpu.memory_space<vmem>>, vector<16xf32>,
      tpu.vector_store_idx %arg19[%mul3A_591], %select_n3A_635 {add = true} : memref<20480xf32, #tpu.memory_space<vmem>>[vector<16xi32>], vector<16xf32>,
      %add3A_643 = arith.constant 1 : i32
      %add3A_644 = vector.broadcast %add3A_643 : i32 to vector<16xi32>
      %add3A_645 = arith.addi %mul3A_591, %add3A_644 : vector<16xi32>
      tpu.vector_store_idx %arg19[%add3A_645], %select_n3A_638 {add = true} : memref<20480xf32, #tpu.memory_space<vmem>>[vector<16xi32>], vector<16xf32>,
      %get3A_646 = arith.constant 16 : index
      %get3A_647 = tpu.vector_load %arg14[%get3A_646] {strides = array<i32>} : memref<128xi32, #tpu.memory_space<vmem>>, vector<16xi32>,
      %get3A_648 = arith.constant 16 : index
      %get3A_649 = tpu.vector_load %arg16[%get3A_648] {strides = array<i32>} : memref<128xi32, #tpu.memory_space<vmem>>, vector<16xi32>,
      %mul3A_650 = arith.constant 2 : i32
      %mul3A_651 = vector.broadcast %mul3A_650 : i32 to vector<16xi32>
      %mul3A_652 = arith.muli %get3A_647, %mul3A_651 : vector<16xi32>
      %mul3A_653 = arith.constant 2 : i32
      %mul3A_654 = vector.broadcast %mul3A_653 : i32 to vector<16xi32>
      %mul3A_655 = arith.muli %get3A_649, %mul3A_654 : vector<16xi32>
      %gather3A_656 = tpu.vector_load_idx %arg10[%mul3A_652] : memref<20000xf32, #tpu.memory_space<vmem>>[vector<16xi32>], vector<16xf32>,
      %add3A_657 = arith.constant 1 : i32
      %add3A_658 = vector.broadcast %add3A_657 : i32 to vector<16xi32>
      %add3A_659 = arith.addi %mul3A_652, %add3A_658 : vector<16xi32>
      %gather3A_660 = tpu.vector_load_idx %arg10[%add3A_659] : memref<20000xf32, #tpu.memory_space<vmem>>[vector<16xi32>], vector<16xf32>,
      %gather3A_661 = tpu.vector_load_idx %arg11[%mul3A_655] : memref<20000xf32, #tpu.memory_space<vmem>>[vector<16xi32>], vector<16xf32>,
      %add3A_662 = arith.constant 1 : i32
      %add3A_663 = vector.broadcast %add3A_662 : i32 to vector<16xi32>
      %add3A_664 = arith.addi %mul3A_655, %add3A_663 : vector<16xi32>
      %gather3A_665 = tpu.vector_load_idx %arg11[%add3A_664] : memref<20000xf32, #tpu.memory_space<vmem>>[vector<16xi32>], vector<16xf32>,
      %add3A_666 = arith.addf %gather3A_656, %gather3A_661 : vector<16xf32>
      %add3A_667 = arith.addf %gather3A_660, %gather3A_665 : vector<16xf32>
      %mul3A_668 = arith.constant 2.000000e-01 : f32
      %mul3A_669 = vector.broadcast %mul3A_668 : f32 to vector<16xf32>
      %mul3A_670 = arith.mulf %mul3A_669, %add3A_666 : vector<16xf32>
      %max3A_671 = arith.maximumf %add3A_666, %mul3A_670 : vector<16xf32>
      %mul3A_672 = arith.constant 2.000000e-01 : f32
      %mul3A_673 = vector.broadcast %mul3A_672 : f32 to vector<16xf32>
      %mul3A_674 = arith.mulf %mul3A_673, %add3A_667 : vector<16xf32>
      %max3A_675 = arith.maximumf %add3A_667, %mul3A_674 : vector<16xf32>
      %add3A_676 = arith.addf %get3A_7, %gather3A_661 : vector<16xf32>
      %add3A_677 = arith.addf %get3A_9, %gather3A_665 : vector<16xf32>
      %mul3A_678 = arith.constant 2.000000e-01 : f32
      %mul3A_679 = vector.broadcast %mul3A_678 : f32 to vector<16xf32>
      %mul3A_680 = arith.mulf %mul3A_679, %add3A_676 : vector<16xf32>
      %max3A_681 = arith.maximumf %add3A_676, %mul3A_680 : vector<16xf32>
      %mul3A_682 = arith.constant 2.000000e-01 : f32
      %mul3A_683 = vector.broadcast %mul3A_682 : f32 to vector<16xf32>
      %mul3A_684 = arith.mulf %mul3A_683, %add3A_677 : vector<16xf32>
      %max3A_685 = arith.maximumf %add3A_677, %mul3A_684 : vector<16xf32>
      %sub3A_686 = arith.subf %max3A_671, %max3A_681 : vector<16xf32>
      %exp3A_687 = math.exp %sub3A_686 : vector<16xf32>
      %sub3A_688 = arith.subf %max3A_675, %max3A_685 : vector<16xf32>
      %exp3A_689 = math.exp %sub3A_688 : vector<16xf32>
      %add3A_690 = arith.constant 16 : i32
      %add3A_691 = arith.addi %mul3A_581, %add3A_690 : i32
      %add3A_692 = vector.broadcast %add3A_691 : i32 to vector<16xi32>
      %add3A_693 = arith.addi %add3A_692, %iota3A : vector<16xi32>
      %lt3A_694 = arith.constant 330000 : i32
      %lt3A_695 = vector.broadcast %lt3A_694 : i32 to vector<16xi32>
      %lt3A_696 = arith.cmpi slt, %add3A_693, %lt3A_695 : vector<16xi32>
      %jit3A_697 = arith.constant 0.000000e+00 : f32
      %broadcast_in_dim3A_698 = vector.broadcast %jit3A_697 : f32 to vector<16xf32>
      %select_n3A_699 = arith.select %lt3A_696, %exp3A_687, %broadcast_in_dim3A_698 : vector<16xi1>, vector<16xf32>
      %jit3A_700 = arith.constant 0.000000e+00 : f32
      %broadcast_in_dim3A_701 = vector.broadcast %jit3A_700 : f32 to vector<16xf32>
      %select_n3A_702 = arith.select %lt3A_696, %exp3A_689, %broadcast_in_dim3A_701 : vector<16xi1>, vector<16xf32>
      %swap3A_703 = arith.constant 16 : index
      %swap3A_704 = tpu.vector_load %arg17[%swap3A_703] {strides = array<i32>} : memref<128xf32, #tpu.memory_space<vmem>>, vector<16xf32>,
      tpu.vector_store %arg17[%swap3A_703], %select_n3A_699 {strides = array<i32>} : memref<128xf32, #tpu.memory_space<vmem>>, vector<16xf32>,
      %swap3A_705 = arith.constant 16 : index
      %swap3A_706 = tpu.vector_load %arg18[%swap3A_705] {strides = array<i32>} : memref<128xf32, #tpu.memory_space<vmem>>, vector<16xf32>,
      tpu.vector_store %arg18[%swap3A_705], %select_n3A_702 {strides = array<i32>} : memref<128xf32, #tpu.memory_space<vmem>>, vector<16xf32>,
      tpu.vector_store_idx %arg19[%mul3A_655], %select_n3A_699 {add = true} : memref<20480xf32, #tpu.memory_space<vmem>>[vector<16xi32>], vector<16xf32>,
      %add3A_707 = arith.constant 1 : i32
      %add3A_708 = vector.broadcast %add3A_707 : i32 to vector<16xi32>
      %add3A_709 = arith.addi %mul3A_655, %add3A_708 : vector<16xi32>
      tpu.vector_store_idx %arg19[%add3A_709], %select_n3A_702 {add = true} : memref<20480xf32, #tpu.memory_space<vmem>>[vector<16xi32>], vector<16xf32>,
      %get3A_710 = arith.constant 32 : index
      %get3A_711 = tpu.vector_load %arg14[%get3A_710] {strides = array<i32>} : memref<128xi32, #tpu.memory_space<vmem>>, vector<16xi32>,
      %get3A_712 = arith.constant 32 : index
      %get3A_713 = tpu.vector_load %arg16[%get3A_712] {strides = array<i32>} : memref<128xi32, #tpu.memory_space<vmem>>, vector<16xi32>,
      %mul3A_714 = arith.constant 2 : i32
      %mul3A_715 = vector.broadcast %mul3A_714 : i32 to vector<16xi32>
      %mul3A_716 = arith.muli %get3A_711, %mul3A_715 : vector<16xi32>
      %mul3A_717 = arith.constant 2 : i32
      %mul3A_718 = vector.broadcast %mul3A_717 : i32 to vector<16xi32>
      %mul3A_719 = arith.muli %get3A_713, %mul3A_718 : vector<16xi32>
      %gather3A_720 = tpu.vector_load_idx %arg10[%mul3A_716] : memref<20000xf32, #tpu.memory_space<vmem>>[vector<16xi32>], vector<16xf32>,
      %add3A_721 = arith.constant 1 : i32
      %add3A_722 = vector.broadcast %add3A_721 : i32 to vector<16xi32>
      %add3A_723 = arith.addi %mul3A_716, %add3A_722 : vector<16xi32>
      %gather3A_724 = tpu.vector_load_idx %arg10[%add3A_723] : memref<20000xf32, #tpu.memory_space<vmem>>[vector<16xi32>], vector<16xf32>,
      %gather3A_725 = tpu.vector_load_idx %arg11[%mul3A_719] : memref<20000xf32, #tpu.memory_space<vmem>>[vector<16xi32>], vector<16xf32>,
      %add3A_726 = arith.constant 1 : i32
      %add3A_727 = vector.broadcast %add3A_726 : i32 to vector<16xi32>
      %add3A_728 = arith.addi %mul3A_719, %add3A_727 : vector<16xi32>
      %gather3A_729 = tpu.vector_load_idx %arg11[%add3A_728] : memref<20000xf32, #tpu.memory_space<vmem>>[vector<16xi32>], vector<16xf32>,
      %add3A_730 = arith.addf %gather3A_720, %gather3A_725 : vector<16xf32>
      %add3A_731 = arith.addf %gather3A_724, %gather3A_729 : vector<16xf32>
      %mul3A_732 = arith.constant 2.000000e-01 : f32
      %mul3A_733 = vector.broadcast %mul3A_732 : f32 to vector<16xf32>
      %mul3A_734 = arith.mulf %mul3A_733, %add3A_730 : vector<16xf32>
      %max3A_735 = arith.maximumf %add3A_730, %mul3A_734 : vector<16xf32>
      %mul3A_736 = arith.constant 2.000000e-01 : f32
      %mul3A_737 = vector.broadcast %mul3A_736 : f32 to vector<16xf32>
      %mul3A_738 = arith.mulf %mul3A_737, %add3A_731 : vector<16xf32>
      %max3A_739 = arith.maximumf %add3A_731, %mul3A_738 : vector<16xf32>
      %add3A_740 = arith.addf %get3A_7, %gather3A_725 : vector<16xf32>
      %add3A_741 = arith.addf %get3A_9, %gather3A_729 : vector<16xf32>
      %mul3A_742 = arith.constant 2.000000e-01 : f32
      %mul3A_743 = vector.broadcast %mul3A_742 : f32 to vector<16xf32>
      %mul3A_744 = arith.mulf %mul3A_743, %add3A_740 : vector<16xf32>
      %max3A_745 = arith.maximumf %add3A_740, %mul3A_744 : vector<16xf32>
      %mul3A_746 = arith.constant 2.000000e-01 : f32
      %mul3A_747 = vector.broadcast %mul3A_746 : f32 to vector<16xf32>
      %mul3A_748 = arith.mulf %mul3A_747, %add3A_741 : vector<16xf32>
      %max3A_749 = arith.maximumf %add3A_741, %mul3A_748 : vector<16xf32>
      %sub3A_750 = arith.subf %max3A_735, %max3A_745 : vector<16xf32>
      %exp3A_751 = math.exp %sub3A_750 : vector<16xf32>
      %sub3A_752 = arith.subf %max3A_739, %max3A_749 : vector<16xf32>
      %exp3A_753 = math.exp %sub3A_752 : vector<16xf32>
      %add3A_754 = arith.constant 32 : i32
      %add3A_755 = arith.addi %mul3A_581, %add3A_754 : i32
      %add3A_756 = vector.broadcast %add3A_755 : i32 to vector<16xi32>
      %add3A_757 = arith.addi %add3A_756, %iota3A : vector<16xi32>
      %lt3A_758 = arith.constant 330000 : i32
      %lt3A_759 = vector.broadcast %lt3A_758 : i32 to vector<16xi32>
      %lt3A_760 = arith.cmpi slt, %add3A_757, %lt3A_759 : vector<16xi32>
      %jit3A_761 = arith.constant 0.000000e+00 : f32
      %broadcast_in_dim3A_762 = vector.broadcast %jit3A_761 : f32 to vector<16xf32>
      %select_n3A_763 = arith.select %lt3A_760, %exp3A_751, %broadcast_in_dim3A_762 : vector<16xi1>, vector<16xf32>
      %jit3A_764 = arith.constant 0.000000e+00 : f32
      %broadcast_in_dim3A_765 = vector.broadcast %jit3A_764 : f32 to vector<16xf32>
      %select_n3A_766 = arith.select %lt3A_760, %exp3A_753, %broadcast_in_dim3A_765 : vector<16xi1>, vector<16xf32>
      %swap3A_767 = arith.constant 32 : index
      %swap3A_768 = tpu.vector_load %arg17[%swap3A_767] {strides = array<i32>} : memref<128xf32, #tpu.memory_space<vmem>>, vector<16xf32>,
      tpu.vector_store %arg17[%swap3A_767], %select_n3A_763 {strides = array<i32>} : memref<128xf32, #tpu.memory_space<vmem>>, vector<16xf32>,
      %swap3A_769 = arith.constant 32 : index
      %swap3A_770 = tpu.vector_load %arg18[%swap3A_769] {strides = array<i32>} : memref<128xf32, #tpu.memory_space<vmem>>, vector<16xf32>,
      tpu.vector_store %arg18[%swap3A_769], %select_n3A_766 {strides = array<i32>} : memref<128xf32, #tpu.memory_space<vmem>>, vector<16xf32>,
      tpu.vector_store_idx %arg19[%mul3A_719], %select_n3A_763 {add = true} : memref<20480xf32, #tpu.memory_space<vmem>>[vector<16xi32>], vector<16xf32>,
      %add3A_771 = arith.constant 1 : i32
      %add3A_772 = vector.broadcast %add3A_771 : i32 to vector<16xi32>
      %add3A_773 = arith.addi %mul3A_719, %add3A_772 : vector<16xi32>
      tpu.vector_store_idx %arg19[%add3A_773], %select_n3A_766 {add = true} : memref<20480xf32, #tpu.memory_space<vmem>>[vector<16xi32>], vector<16xf32>,
      %get3A_774 = arith.constant 48 : index
      %get3A_775 = tpu.vector_load %arg14[%get3A_774] {strides = array<i32>} : memref<128xi32, #tpu.memory_space<vmem>>, vector<16xi32>,
      %get3A_776 = arith.constant 48 : index
      %get3A_777 = tpu.vector_load %arg16[%get3A_776] {strides = array<i32>} : memref<128xi32, #tpu.memory_space<vmem>>, vector<16xi32>,
      %mul3A_778 = arith.constant 2 : i32
      %mul3A_779 = vector.broadcast %mul3A_778 : i32 to vector<16xi32>
      %mul3A_780 = arith.muli %get3A_775, %mul3A_779 : vector<16xi32>
      %mul3A_781 = arith.constant 2 : i32
      %mul3A_782 = vector.broadcast %mul3A_781 : i32 to vector<16xi32>
      %mul3A_783 = arith.muli %get3A_777, %mul3A_782 : vector<16xi32>
      %gather3A_784 = tpu.vector_load_idx %arg10[%mul3A_780] : memref<20000xf32, #tpu.memory_space<vmem>>[vector<16xi32>], vector<16xf32>,
      %add3A_785 = arith.constant 1 : i32
      %add3A_786 = vector.broadcast %add3A_785 : i32 to vector<16xi32>
      %add3A_787 = arith.addi %mul3A_780, %add3A_786 : vector<16xi32>
      %gather3A_788 = tpu.vector_load_idx %arg10[%add3A_787] : memref<20000xf32, #tpu.memory_space<vmem>>[vector<16xi32>], vector<16xf32>,
      %gather3A_789 = tpu.vector_load_idx %arg11[%mul3A_783] : memref<20000xf32, #tpu.memory_space<vmem>>[vector<16xi32>], vector<16xf32>,
      %add3A_790 = arith.constant 1 : i32
      %add3A_791 = vector.broadcast %add3A_790 : i32 to vector<16xi32>
      %add3A_792 = arith.addi %mul3A_783, %add3A_791 : vector<16xi32>
      %gather3A_793 = tpu.vector_load_idx %arg11[%add3A_792] : memref<20000xf32, #tpu.memory_space<vmem>>[vector<16xi32>], vector<16xf32>,
      %add3A_794 = arith.addf %gather3A_784, %gather3A_789 : vector<16xf32>
      %add3A_795 = arith.addf %gather3A_788, %gather3A_793 : vector<16xf32>
      %mul3A_796 = arith.constant 2.000000e-01 : f32
      %mul3A_797 = vector.broadcast %mul3A_796 : f32 to vector<16xf32>
      %mul3A_798 = arith.mulf %mul3A_797, %add3A_794 : vector<16xf32>
      %max3A_799 = arith.maximumf %add3A_794, %mul3A_798 : vector<16xf32>
      %mul3A_800 = arith.constant 2.000000e-01 : f32
      %mul3A_801 = vector.broadcast %mul3A_800 : f32 to vector<16xf32>
      %mul3A_802 = arith.mulf %mul3A_801, %add3A_795 : vector<16xf32>
      %max3A_803 = arith.maximumf %add3A_795, %mul3A_802 : vector<16xf32>
      %add3A_804 = arith.addf %get3A_7, %gather3A_789 : vector<16xf32>
      %add3A_805 = arith.addf %get3A_9, %gather3A_793 : vector<16xf32>
      %mul3A_806 = arith.constant 2.000000e-01 : f32
      %mul3A_807 = vector.broadcast %mul3A_806 : f32 to vector<16xf32>
      %mul3A_808 = arith.mulf %mul3A_807, %add3A_804 : vector<16xf32>
      %max3A_809 = arith.maximumf %add3A_804, %mul3A_808 : vector<16xf32>
      %mul3A_810 = arith.constant 2.000000e-01 : f32
      %mul3A_811 = vector.broadcast %mul3A_810 : f32 to vector<16xf32>
      %mul3A_812 = arith.mulf %mul3A_811, %add3A_805 : vector<16xf32>
      %max3A_813 = arith.maximumf %add3A_805, %mul3A_812 : vector<16xf32>
      %sub3A_814 = arith.subf %max3A_799, %max3A_809 : vector<16xf32>
      %exp3A_815 = math.exp %sub3A_814 : vector<16xf32>
      %sub3A_816 = arith.subf %max3A_803, %max3A_813 : vector<16xf32>
      %exp3A_817 = math.exp %sub3A_816 : vector<16xf32>
      %add3A_818 = arith.constant 48 : i32
      %add3A_819 = arith.addi %mul3A_581, %add3A_818 : i32
      %add3A_820 = vector.broadcast %add3A_819 : i32 to vector<16xi32>
      %add3A_821 = arith.addi %add3A_820, %iota3A : vector<16xi32>
      %lt3A_822 = arith.constant 330000 : i32
      %lt3A_823 = vector.broadcast %lt3A_822 : i32 to vector<16xi32>
      %lt3A_824 = arith.cmpi slt, %add3A_821, %lt3A_823 : vector<16xi32>
      %jit3A_825 = arith.constant 0.000000e+00 : f32
      %broadcast_in_dim3A_826 = vector.broadcast %jit3A_825 : f32 to vector<16xf32>
      %select_n3A_827 = arith.select %lt3A_824, %exp3A_815, %broadcast_in_dim3A_826 : vector<16xi1>, vector<16xf32>
      %jit3A_828 = arith.constant 0.000000e+00 : f32
      %broadcast_in_dim3A_829 = vector.broadcast %jit3A_828 : f32 to vector<16xf32>
      %select_n3A_830 = arith.select %lt3A_824, %exp3A_817, %broadcast_in_dim3A_829 : vector<16xi1>, vector<16xf32>
      %swap3A_831 = arith.constant 48 : index
      %swap3A_832 = tpu.vector_load %arg17[%swap3A_831] {strides = array<i32>} : memref<128xf32, #tpu.memory_space<vmem>>, vector<16xf32>,
      tpu.vector_store %arg17[%swap3A_831], %select_n3A_827 {strides = array<i32>} : memref<128xf32, #tpu.memory_space<vmem>>, vector<16xf32>,
      %swap3A_833 = arith.constant 48 : index
      %swap3A_834 = tpu.vector_load %arg18[%swap3A_833] {strides = array<i32>} : memref<128xf32, #tpu.memory_space<vmem>>, vector<16xf32>,
      tpu.vector_store %arg18[%swap3A_833], %select_n3A_830 {strides = array<i32>} : memref<128xf32, #tpu.memory_space<vmem>>, vector<16xf32>,
      tpu.vector_store_idx %arg19[%mul3A_783], %select_n3A_827 {add = true} : memref<20480xf32, #tpu.memory_space<vmem>>[vector<16xi32>], vector<16xf32>,
      %add3A_835 = arith.constant 1 : i32
      %add3A_836 = vector.broadcast %add3A_835 : i32 to vector<16xi32>
      %add3A_837 = arith.addi %mul3A_783, %add3A_836 : vector<16xi32>
      tpu.vector_store_idx %arg19[%add3A_837], %select_n3A_830 {add = true} : memref<20480xf32, #tpu.memory_space<vmem>>[vector<16xi32>], vector<16xf32>,
      %get3A_838 = arith.constant 64 : index
      %get3A_839 = tpu.vector_load %arg14[%get3A_838] {strides = array<i32>} : memref<128xi32, #tpu.memory_space<vmem>>, vector<16xi32>,
      %get3A_840 = arith.constant 64 : index
      %get3A_841 = tpu.vector_load %arg16[%get3A_840] {strides = array<i32>} : memref<128xi32, #tpu.memory_space<vmem>>, vector<16xi32>,
      %mul3A_842 = arith.constant 2 : i32
      %mul3A_843 = vector.broadcast %mul3A_842 : i32 to vector<16xi32>
      %mul3A_844 = arith.muli %get3A_839, %mul3A_843 : vector<16xi32>
      %mul3A_845 = arith.constant 2 : i32
      %mul3A_846 = vector.broadcast %mul3A_845 : i32 to vector<16xi32>
      %mul3A_847 = arith.muli %get3A_841, %mul3A_846 : vector<16xi32>
      %gather3A_848 = tpu.vector_load_idx %arg10[%mul3A_844] : memref<20000xf32, #tpu.memory_space<vmem>>[vector<16xi32>], vector<16xf32>,
      %add3A_849 = arith.constant 1 : i32
      %add3A_850 = vector.broadcast %add3A_849 : i32 to vector<16xi32>
      %add3A_851 = arith.addi %mul3A_844, %add3A_850 : vector<16xi32>
      %gather3A_852 = tpu.vector_load_idx %arg10[%add3A_851] : memref<20000xf32, #tpu.memory_space<vmem>>[vector<16xi32>], vector<16xf32>,
      %gather3A_853 = tpu.vector_load_idx %arg11[%mul3A_847] : memref<20000xf32, #tpu.memory_space<vmem>>[vector<16xi32>], vector<16xf32>,
      %add3A_854 = arith.constant 1 : i32
      %add3A_855 = vector.broadcast %add3A_854 : i32 to vector<16xi32>
      %add3A_856 = arith.addi %mul3A_847, %add3A_855 : vector<16xi32>
      %gather3A_857 = tpu.vector_load_idx %arg11[%add3A_856] : memref<20000xf32, #tpu.memory_space<vmem>>[vector<16xi32>], vector<16xf32>,
      %add3A_858 = arith.addf %gather3A_848, %gather3A_853 : vector<16xf32>
      %add3A_859 = arith.addf %gather3A_852, %gather3A_857 : vector<16xf32>
      %mul3A_860 = arith.constant 2.000000e-01 : f32
      %mul3A_861 = vector.broadcast %mul3A_860 : f32 to vector<16xf32>
      %mul3A_862 = arith.mulf %mul3A_861, %add3A_858 : vector<16xf32>
      %max3A_863 = arith.maximumf %add3A_858, %mul3A_862 : vector<16xf32>
      %mul3A_864 = arith.constant 2.000000e-01 : f32
      %mul3A_865 = vector.broadcast %mul3A_864 : f32 to vector<16xf32>
      %mul3A_866 = arith.mulf %mul3A_865, %add3A_859 : vector<16xf32>
      %max3A_867 = arith.maximumf %add3A_859, %mul3A_866 : vector<16xf32>
      %add3A_868 = arith.addf %get3A_7, %gather3A_853 : vector<16xf32>
      %add3A_869 = arith.addf %get3A_9, %gather3A_857 : vector<16xf32>
      %mul3A_870 = arith.constant 2.000000e-01 : f32
      %mul3A_871 = vector.broadcast %mul3A_870 : f32 to vector<16xf32>
      %mul3A_872 = arith.mulf %mul3A_871, %add3A_868 : vector<16xf32>
      %max3A_873 = arith.maximumf %add3A_868, %mul3A_872 : vector<16xf32>
      %mul3A_874 = arith.constant 2.000000e-01 : f32
      %mul3A_875 = vector.broadcast %mul3A_874 : f32 to vector<16xf32>
      %mul3A_876 = arith.mulf %mul3A_875, %add3A_869 : vector<16xf32>
      %max3A_877 = arith.maximumf %add3A_869, %mul3A_876 : vector<16xf32>
      %sub3A_878 = arith.subf %max3A_863, %max3A_873 : vector<16xf32>
      %exp3A_879 = math.exp %sub3A_878 : vector<16xf32>
      %sub3A_880 = arith.subf %max3A_867, %max3A_877 : vector<16xf32>
      %exp3A_881 = math.exp %sub3A_880 : vector<16xf32>
      %add3A_882 = arith.constant 64 : i32
      %add3A_883 = arith.addi %mul3A_581, %add3A_882 : i32
      %add3A_884 = vector.broadcast %add3A_883 : i32 to vector<16xi32>
      %add3A_885 = arith.addi %add3A_884, %iota3A : vector<16xi32>
      %lt3A_886 = arith.constant 330000 : i32
      %lt3A_887 = vector.broadcast %lt3A_886 : i32 to vector<16xi32>
      %lt3A_888 = arith.cmpi slt, %add3A_885, %lt3A_887 : vector<16xi32>
      %jit3A_889 = arith.constant 0.000000e+00 : f32
      %broadcast_in_dim3A_890 = vector.broadcast %jit3A_889 : f32 to vector<16xf32>
      %select_n3A_891 = arith.select %lt3A_888, %exp3A_879, %broadcast_in_dim3A_890 : vector<16xi1>, vector<16xf32>
      %jit3A_892 = arith.constant 0.000000e+00 : f32
      %broadcast_in_dim3A_893 = vector.broadcast %jit3A_892 : f32 to vector<16xf32>
      %select_n3A_894 = arith.select %lt3A_888, %exp3A_881, %broadcast_in_dim3A_893 : vector<16xi1>, vector<16xf32>
      %swap3A_895 = arith.constant 64 : index
      %swap3A_896 = tpu.vector_load %arg17[%swap3A_895] {strides = array<i32>} : memref<128xf32, #tpu.memory_space<vmem>>, vector<16xf32>,
      tpu.vector_store %arg17[%swap3A_895], %select_n3A_891 {strides = array<i32>} : memref<128xf32, #tpu.memory_space<vmem>>, vector<16xf32>,
      %swap3A_897 = arith.constant 64 : index
      %swap3A_898 = tpu.vector_load %arg18[%swap3A_897] {strides = array<i32>} : memref<128xf32, #tpu.memory_space<vmem>>, vector<16xf32>,
      tpu.vector_store %arg18[%swap3A_897], %select_n3A_894 {strides = array<i32>} : memref<128xf32, #tpu.memory_space<vmem>>, vector<16xf32>,
      tpu.vector_store_idx %arg19[%mul3A_847], %select_n3A_891 {add = true} : memref<20480xf32, #tpu.memory_space<vmem>>[vector<16xi32>], vector<16xf32>,
      %add3A_899 = arith.constant 1 : i32
      %add3A_900 = vector.broadcast %add3A_899 : i32 to vector<16xi32>
      %add3A_901 = arith.addi %mul3A_847, %add3A_900 : vector<16xi32>
      tpu.vector_store_idx %arg19[%add3A_901], %select_n3A_894 {add = true} : memref<20480xf32, #tpu.memory_space<vmem>>[vector<16xi32>], vector<16xf32>,
      %get3A_902 = arith.constant 80 : index
      %get3A_903 = tpu.vector_load %arg14[%get3A_902] {strides = array<i32>} : memref<128xi32, #tpu.memory_space<vmem>>, vector<16xi32>,
      %get3A_904 = arith.constant 80 : index
      %get3A_905 = tpu.vector_load %arg16[%get3A_904] {strides = array<i32>} : memref<128xi32, #tpu.memory_space<vmem>>, vector<16xi32>,
      %mul3A_906 = arith.constant 2 : i32
      %mul3A_907 = vector.broadcast %mul3A_906 : i32 to vector<16xi32>
      %mul3A_908 = arith.muli %get3A_903, %mul3A_907 : vector<16xi32>
      %mul3A_909 = arith.constant 2 : i32
      %mul3A_910 = vector.broadcast %mul3A_909 : i32 to vector<16xi32>
      %mul3A_911 = arith.muli %get3A_905, %mul3A_910 : vector<16xi32>
      %gather3A_912 = tpu.vector_load_idx %arg10[%mul3A_908] : memref<20000xf32, #tpu.memory_space<vmem>>[vector<16xi32>], vector<16xf32>,
      %add3A_913 = arith.constant 1 : i32
      %add3A_914 = vector.broadcast %add3A_913 : i32 to vector<16xi32>
      %add3A_915 = arith.addi %mul3A_908, %add3A_914 : vector<16xi32>
      %gather3A_916 = tpu.vector_load_idx %arg10[%add3A_915] : memref<20000xf32, #tpu.memory_space<vmem>>[vector<16xi32>], vector<16xf32>,
      %gather3A_917 = tpu.vector_load_idx %arg11[%mul3A_911] : memref<20000xf32, #tpu.memory_space<vmem>>[vector<16xi32>], vector<16xf32>,
      %add3A_918 = arith.constant 1 : i32
      %add3A_919 = vector.broadcast %add3A_918 : i32 to vector<16xi32>
      %add3A_920 = arith.addi %mul3A_911, %add3A_919 : vector<16xi32>
      %gather3A_921 = tpu.vector_load_idx %arg11[%add3A_920] : memref<20000xf32, #tpu.memory_space<vmem>>[vector<16xi32>], vector<16xf32>,
      %add3A_922 = arith.addf %gather3A_912, %gather3A_917 : vector<16xf32>
      %add3A_923 = arith.addf %gather3A_916, %gather3A_921 : vector<16xf32>
      %mul3A_924 = arith.constant 2.000000e-01 : f32
      %mul3A_925 = vector.broadcast %mul3A_924 : f32 to vector<16xf32>
      %mul3A_926 = arith.mulf %mul3A_925, %add3A_922 : vector<16xf32>
      %max3A_927 = arith.maximumf %add3A_922, %mul3A_926 : vector<16xf32>
      %mul3A_928 = arith.constant 2.000000e-01 : f32
      %mul3A_929 = vector.broadcast %mul3A_928 : f32 to vector<16xf32>
      %mul3A_930 = arith.mulf %mul3A_929, %add3A_923 : vector<16xf32>
      %max3A_931 = arith.maximumf %add3A_923, %mul3A_930 : vector<16xf32>
      %add3A_932 = arith.addf %get3A_7, %gather3A_917 : vector<16xf32>
      %add3A_933 = arith.addf %get3A_9, %gather3A_921 : vector<16xf32>
      %mul3A_934 = arith.constant 2.000000e-01 : f32
      %mul3A_935 = vector.broadcast %mul3A_934 : f32 to vector<16xf32>
      %mul3A_936 = arith.mulf %mul3A_935, %add3A_932 : vector<16xf32>
      %max3A_937 = arith.maximumf %add3A_932, %mul3A_936 : vector<16xf32>
      %mul3A_938 = arith.constant 2.000000e-01 : f32
      %mul3A_939 = vector.broadcast %mul3A_938 : f32 to vector<16xf32>
      %mul3A_940 = arith.mulf %mul3A_939, %add3A_933 : vector<16xf32>
      %max3A_941 = arith.maximumf %add3A_933, %mul3A_940 : vector<16xf32>
      %sub3A_942 = arith.subf %max3A_927, %max3A_937 : vector<16xf32>
      %exp3A_943 = math.exp %sub3A_942 : vector<16xf32>
      %sub3A_944 = arith.subf %max3A_931, %max3A_941 : vector<16xf32>
      %exp3A_945 = math.exp %sub3A_944 : vector<16xf32>
      %add3A_946 = arith.constant 80 : i32
      %add3A_947 = arith.addi %mul3A_581, %add3A_946 : i32
      %add3A_948 = vector.broadcast %add3A_947 : i32 to vector<16xi32>
      %add3A_949 = arith.addi %add3A_948, %iota3A : vector<16xi32>
      %lt3A_950 = arith.constant 330000 : i32
      %lt3A_951 = vector.broadcast %lt3A_950 : i32 to vector<16xi32>
      %lt3A_952 = arith.cmpi slt, %add3A_949, %lt3A_951 : vector<16xi32>
      %jit3A_953 = arith.constant 0.000000e+00 : f32
      %broadcast_in_dim3A_954 = vector.broadcast %jit3A_953 : f32 to vector<16xf32>
      %select_n3A_955 = arith.select %lt3A_952, %exp3A_943, %broadcast_in_dim3A_954 : vector<16xi1>, vector<16xf32>
      %jit3A_956 = arith.constant 0.000000e+00 : f32
      %broadcast_in_dim3A_957 = vector.broadcast %jit3A_956 : f32 to vector<16xf32>
      %select_n3A_958 = arith.select %lt3A_952, %exp3A_945, %broadcast_in_dim3A_957 : vector<16xi1>, vector<16xf32>
      %swap3A_959 = arith.constant 80 : index
      %swap3A_960 = tpu.vector_load %arg17[%swap3A_959] {strides = array<i32>} : memref<128xf32, #tpu.memory_space<vmem>>, vector<16xf32>,
      tpu.vector_store %arg17[%swap3A_959], %select_n3A_955 {strides = array<i32>} : memref<128xf32, #tpu.memory_space<vmem>>, vector<16xf32>,
      %swap3A_961 = arith.constant 80 : index
      %swap3A_962 = tpu.vector_load %arg18[%swap3A_961] {strides = array<i32>} : memref<128xf32, #tpu.memory_space<vmem>>, vector<16xf32>,
      tpu.vector_store %arg18[%swap3A_961], %select_n3A_958 {strides = array<i32>} : memref<128xf32, #tpu.memory_space<vmem>>, vector<16xf32>,
      tpu.vector_store_idx %arg19[%mul3A_911], %select_n3A_955 {add = true} : memref<20480xf32, #tpu.memory_space<vmem>>[vector<16xi32>], vector<16xf32>,
      %add3A_963 = arith.constant 1 : i32
      %add3A_964 = vector.broadcast %add3A_963 : i32 to vector<16xi32>
      %add3A_965 = arith.addi %mul3A_911, %add3A_964 : vector<16xi32>
      tpu.vector_store_idx %arg19[%add3A_965], %select_n3A_958 {add = true} : memref<20480xf32, #tpu.memory_space<vmem>>[vector<16xi32>], vector<16xf32>,
      %get3A_966 = arith.constant 96 : index
      %get3A_967 = tpu.vector_load %arg14[%get3A_966] {strides = array<i32>} : memref<128xi32, #tpu.memory_space<vmem>>, vector<16xi32>,
      %get3A_968 = arith.constant 96 : index
      %get3A_969 = tpu.vector_load %arg16[%get3A_968] {strides = array<i32>} : memref<128xi32, #tpu.memory_space<vmem>>, vector<16xi32>,
      %mul3A_970 = arith.constant 2 : i32
      %mul3A_971 = vector.broadcast %mul3A_970 : i32 to vector<16xi32>
      %mul3A_972 = arith.muli %get3A_967, %mul3A_971 : vector<16xi32>
      %mul3A_973 = arith.constant 2 : i32
      %mul3A_974 = vector.broadcast %mul3A_973 : i32 to vector<16xi32>
      %mul3A_975 = arith.muli %get3A_969, %mul3A_974 : vector<16xi32>
      %gather3A_976 = tpu.vector_load_idx %arg10[%mul3A_972] : memref<20000xf32, #tpu.memory_space<vmem>>[vector<16xi32>], vector<16xf32>,
      %add3A_977 = arith.constant 1 : i32
      %add3A_978 = vector.broadcast %add3A_977 : i32 to vector<16xi32>
      %add3A_979 = arith.addi %mul3A_972, %add3A_978 : vector<16xi32>
      %gather3A_980 = tpu.vector_load_idx %arg10[%add3A_979] : memref<20000xf32, #tpu.memory_space<vmem>>[vector<16xi32>], vector<16xf32>,
      %gather3A_981 = tpu.vector_load_idx %arg11[%mul3A_975] : memref<20000xf32, #tpu.memory_space<vmem>>[vector<16xi32>], vector<16xf32>,
      %add3A_982 = arith.constant 1 : i32
      %add3A_983 = vector.broadcast %add3A_982 : i32 to vector<16xi32>
      %add3A_984 = arith.addi %mul3A_975, %add3A_983 : vector<16xi32>
      %gather3A_985 = tpu.vector_load_idx %arg11[%add3A_984] : memref<20000xf32, #tpu.memory_space<vmem>>[vector<16xi32>], vector<16xf32>,
      %add3A_986 = arith.addf %gather3A_976, %gather3A_981 : vector<16xf32>
      %add3A_987 = arith.addf %gather3A_980, %gather3A_985 : vector<16xf32>
      %mul3A_988 = arith.constant 2.000000e-01 : f32
      %mul3A_989 = vector.broadcast %mul3A_988 : f32 to vector<16xf32>
      %mul3A_990 = arith.mulf %mul3A_989, %add3A_986 : vector<16xf32>
      %max3A_991 = arith.maximumf %add3A_986, %mul3A_990 : vector<16xf32>
      %mul3A_992 = arith.constant 2.000000e-01 : f32
      %mul3A_993 = vector.broadcast %mul3A_992 : f32 to vector<16xf32>
      %mul3A_994 = arith.mulf %mul3A_993, %add3A_987 : vector<16xf32>
      %max3A_995 = arith.maximumf %add3A_987, %mul3A_994 : vector<16xf32>
      %add3A_996 = arith.addf %get3A_7, %gather3A_981 : vector<16xf32>
      %add3A_997 = arith.addf %get3A_9, %gather3A_985 : vector<16xf32>
      %mul3A_998 = arith.constant 2.000000e-01 : f32
      %mul3A_999 = vector.broadcast %mul3A_998 : f32 to vector<16xf32>
      %mul3A_1000 = arith.mulf %mul3A_999, %add3A_996 : vector<16xf32>
      %max3A_1001 = arith.maximumf %add3A_996, %mul3A_1000 : vector<16xf32>
      %mul3A_1002 = arith.constant 2.000000e-01 : f32
      %mul3A_1003 = vector.broadcast %mul3A_1002 : f32 to vector<16xf32>
      %mul3A_1004 = arith.mulf %mul3A_1003, %add3A_997 : vector<16xf32>
      %max3A_1005 = arith.maximumf %add3A_997, %mul3A_1004 : vector<16xf32>
      %sub3A_1006 = arith.subf %max3A_991, %max3A_1001 : vector<16xf32>
      %exp3A_1007 = math.exp %sub3A_1006 : vector<16xf32>
      %sub3A_1008 = arith.subf %max3A_995, %max3A_1005 : vector<16xf32>
      %exp3A_1009 = math.exp %sub3A_1008 : vector<16xf32>
      %add3A_1010 = arith.constant 96 : i32
      %add3A_1011 = arith.addi %mul3A_581, %add3A_1010 : i32
      %add3A_1012 = vector.broadcast %add3A_1011 : i32 to vector<16xi32>
      %add3A_1013 = arith.addi %add3A_1012, %iota3A : vector<16xi32>
      %lt3A_1014 = arith.constant 330000 : i32
      %lt3A_1015 = vector.broadcast %lt3A_1014 : i32 to vector<16xi32>
      %lt3A_1016 = arith.cmpi slt, %add3A_1013, %lt3A_1015 : vector<16xi32>
      %jit3A_1017 = arith.constant 0.000000e+00 : f32
      %broadcast_in_dim3A_1018 = vector.broadcast %jit3A_1017 : f32 to vector<16xf32>
      %select_n3A_1019 = arith.select %lt3A_1016, %exp3A_1007, %broadcast_in_dim3A_1018 : vector<16xi1>, vector<16xf32>
      %jit3A_1020 = arith.constant 0.000000e+00 : f32
      %broadcast_in_dim3A_1021 = vector.broadcast %jit3A_1020 : f32 to vector<16xf32>
      %select_n3A_1022 = arith.select %lt3A_1016, %exp3A_1009, %broadcast_in_dim3A_1021 : vector<16xi1>, vector<16xf32>
      %swap3A_1023 = arith.constant 96 : index
      %swap3A_1024 = tpu.vector_load %arg17[%swap3A_1023] {strides = array<i32>} : memref<128xf32, #tpu.memory_space<vmem>>, vector<16xf32>,
      tpu.vector_store %arg17[%swap3A_1023], %select_n3A_1019 {strides = array<i32>} : memref<128xf32, #tpu.memory_space<vmem>>, vector<16xf32>,
      %swap3A_1025 = arith.constant 96 : index
      %swap3A_1026 = tpu.vector_load %arg18[%swap3A_1025] {strides = array<i32>} : memref<128xf32, #tpu.memory_space<vmem>>, vector<16xf32>,
      tpu.vector_store %arg18[%swap3A_1025], %select_n3A_1022 {strides = array<i32>} : memref<128xf32, #tpu.memory_space<vmem>>, vector<16xf32>,
      tpu.vector_store_idx %arg19[%mul3A_975], %select_n3A_1019 {add = true} : memref<20480xf32, #tpu.memory_space<vmem>>[vector<16xi32>], vector<16xf32>,
      %add3A_1027 = arith.constant 1 : i32
      %add3A_1028 = vector.broadcast %add3A_1027 : i32 to vector<16xi32>
      %add3A_1029 = arith.addi %mul3A_975, %add3A_1028 : vector<16xi32>
      tpu.vector_store_idx %arg19[%add3A_1029], %select_n3A_1022 {add = true} : memref<20480xf32, #tpu.memory_space<vmem>>[vector<16xi32>], vector<16xf32>,
      %get3A_1030 = arith.constant 112 : index
      %get3A_1031 = tpu.vector_load %arg14[%get3A_1030] {strides = array<i32>} : memref<128xi32, #tpu.memory_space<vmem>>, vector<16xi32>,
      %get3A_1032 = arith.constant 112 : index
      %get3A_1033 = tpu.vector_load %arg16[%get3A_1032] {strides = array<i32>} : memref<128xi32, #tpu.memory_space<vmem>>, vector<16xi32>,
      %mul3A_1034 = arith.constant 2 : i32
      %mul3A_1035 = vector.broadcast %mul3A_1034 : i32 to vector<16xi32>
      %mul3A_1036 = arith.muli %get3A_1031, %mul3A_1035 : vector<16xi32>
      %mul3A_1037 = arith.constant 2 : i32
      %mul3A_1038 = vector.broadcast %mul3A_1037 : i32 to vector<16xi32>
      %mul3A_1039 = arith.muli %get3A_1033, %mul3A_1038 : vector<16xi32>
      %gather3A_1040 = tpu.vector_load_idx %arg10[%mul3A_1036] : memref<20000xf32, #tpu.memory_space<vmem>>[vector<16xi32>], vector<16xf32>,
      %add3A_1041 = arith.constant 1 : i32
      %add3A_1042 = vector.broadcast %add3A_1041 : i32 to vector<16xi32>
      %add3A_1043 = arith.addi %mul3A_1036, %add3A_1042 : vector<16xi32>
      %gather3A_1044 = tpu.vector_load_idx %arg10[%add3A_1043] : memref<20000xf32, #tpu.memory_space<vmem>>[vector<16xi32>], vector<16xf32>,
      %gather3A_1045 = tpu.vector_load_idx %arg11[%mul3A_1039] : memref<20000xf32, #tpu.memory_space<vmem>>[vector<16xi32>], vector<16xf32>,
      %add3A_1046 = arith.constant 1 : i32
      %add3A_1047 = vector.broadcast %add3A_1046 : i32 to vector<16xi32>
      %add3A_1048 = arith.addi %mul3A_1039, %add3A_1047 : vector<16xi32>
      %gather3A_1049 = tpu.vector_load_idx %arg11[%add3A_1048] : memref<20000xf32, #tpu.memory_space<vmem>>[vector<16xi32>], vector<16xf32>,
      %add3A_1050 = arith.addf %gather3A_1040, %gather3A_1045 : vector<16xf32>
      %add3A_1051 = arith.addf %gather3A_1044, %gather3A_1049 : vector<16xf32>
      %mul3A_1052 = arith.constant 2.000000e-01 : f32
      %mul3A_1053 = vector.broadcast %mul3A_1052 : f32 to vector<16xf32>
      %mul3A_1054 = arith.mulf %mul3A_1053, %add3A_1050 : vector<16xf32>
      %max3A_1055 = arith.maximumf %add3A_1050, %mul3A_1054 : vector<16xf32>
      %mul3A_1056 = arith.constant 2.000000e-01 : f32
      %mul3A_1057 = vector.broadcast %mul3A_1056 : f32 to vector<16xf32>
      %mul3A_1058 = arith.mulf %mul3A_1057, %add3A_1051 : vector<16xf32>
      %max3A_1059 = arith.maximumf %add3A_1051, %mul3A_1058 : vector<16xf32>
      %add3A_1060 = arith.addf %get3A_7, %gather3A_1045 : vector<16xf32>
      %add3A_1061 = arith.addf %get3A_9, %gather3A_1049 : vector<16xf32>
      %mul3A_1062 = arith.constant 2.000000e-01 : f32
      %mul3A_1063 = vector.broadcast %mul3A_1062 : f32 to vector<16xf32>
      %mul3A_1064 = arith.mulf %mul3A_1063, %add3A_1060 : vector<16xf32>
      %max3A_1065 = arith.maximumf %add3A_1060, %mul3A_1064 : vector<16xf32>
      %mul3A_1066 = arith.constant 2.000000e-01 : f32
      %mul3A_1067 = vector.broadcast %mul3A_1066 : f32 to vector<16xf32>
      %mul3A_1068 = arith.mulf %mul3A_1067, %add3A_1061 : vector<16xf32>
      %max3A_1069 = arith.maximumf %add3A_1061, %mul3A_1068 : vector<16xf32>
      %sub3A_1070 = arith.subf %max3A_1055, %max3A_1065 : vector<16xf32>
      %exp3A_1071 = math.exp %sub3A_1070 : vector<16xf32>
      %sub3A_1072 = arith.subf %max3A_1059, %max3A_1069 : vector<16xf32>
      %exp3A_1073 = math.exp %sub3A_1072 : vector<16xf32>
      %add3A_1074 = arith.constant 112 : i32
      %add3A_1075 = arith.addi %mul3A_581, %add3A_1074 : i32
      %add3A_1076 = vector.broadcast %add3A_1075 : i32 to vector<16xi32>
      %add3A_1077 = arith.addi %add3A_1076, %iota3A : vector<16xi32>
      %lt3A_1078 = arith.constant 330000 : i32
      %lt3A_1079 = vector.broadcast %lt3A_1078 : i32 to vector<16xi32>
      %lt3A_1080 = arith.cmpi slt, %add3A_1077, %lt3A_1079 : vector<16xi32>
      %jit3A_1081 = arith.constant 0.000000e+00 : f32
      %broadcast_in_dim3A_1082 = vector.broadcast %jit3A_1081 : f32 to vector<16xf32>
      %select_n3A_1083 = arith.select %lt3A_1080, %exp3A_1071, %broadcast_in_dim3A_1082 : vector<16xi1>, vector<16xf32>
      %jit3A_1084 = arith.constant 0.000000e+00 : f32
      %broadcast_in_dim3A_1085 = vector.broadcast %jit3A_1084 : f32 to vector<16xf32>
      %select_n3A_1086 = arith.select %lt3A_1080, %exp3A_1073, %broadcast_in_dim3A_1085 : vector<16xi1>, vector<16xf32>
      %swap3A_1087 = arith.constant 112 : index
      %swap3A_1088 = tpu.vector_load %arg17[%swap3A_1087] {strides = array<i32>} : memref<128xf32, #tpu.memory_space<vmem>>, vector<16xf32>,
      tpu.vector_store %arg17[%swap3A_1087], %select_n3A_1083 {strides = array<i32>} : memref<128xf32, #tpu.memory_space<vmem>>, vector<16xf32>,
      %swap3A_1089 = arith.constant 112 : index
      %swap3A_1090 = tpu.vector_load %arg18[%swap3A_1089] {strides = array<i32>} : memref<128xf32, #tpu.memory_space<vmem>>, vector<16xf32>,
      tpu.vector_store %arg18[%swap3A_1089], %select_n3A_1086 {strides = array<i32>} : memref<128xf32, #tpu.memory_space<vmem>>, vector<16xf32>,
      tpu.vector_store_idx %arg19[%mul3A_1039], %select_n3A_1083 {add = true} : memref<20480xf32, #tpu.memory_space<vmem>>[vector<16xi32>], vector<16xf32>,
      %add3A_1091 = arith.constant 1 : i32
      %add3A_1092 = vector.broadcast %add3A_1091 : i32 to vector<16xi32>
      %add3A_1093 = arith.addi %mul3A_1039, %add3A_1092 : vector<16xi32>
      tpu.vector_store_idx %arg19[%add3A_1093], %select_n3A_1086 {add = true} : memref<20480xf32, #tpu.memory_space<vmem>>[vector<16xi32>], vector<16xf32>,
      "tpu.region"() ({
        %run_scoped3A = tpu.sem_alloc : memref<!tpu.dma_semaphore, #tpu.memory_space<semaphore_mem>>
        %dma_start3A_1097 = tpu.memref_slice %arg7[%mul3A_581] : memref<335872xf32, #tpu.memory_space<hbm>> -> memref<128xf32, #tpu.memory_space<hbm>>
        %dma_start3A_1098 = tpu.memref_slice %arg7[%mul3A_581] : memref<335872xf32, #tpu.memory_space<hbm>> -> memref<128xf32, #tpu.memory_space<hbm>>
        tpu.enqueue_dma source(%arg17 : memref<128xf32, #tpu.memory_space<vmem>>) target(%dma_start3A_1098 : memref<128xf32, #tpu.memory_space<hbm>>) target_semaphore(%run_scoped3A : memref<!tpu.dma_semaphore, #tpu.memory_space<semaphore_mem>>)
        %dma_wait3A_1099 = tpu.memref_slice %arg7[%mul3A_581] : memref<335872xf32, #tpu.memory_space<hbm>> -> memref<128xf32, #tpu.memory_space<hbm>>
        %dma_wait3A_1100 = tpu.memref_slice %arg7[%mul3A_581] : memref<335872xf32, #tpu.memory_space<hbm>> -> memref<128xf32, #tpu.memory_space<hbm>>
        tpu.wait_dma2 semaphore(%run_scoped3A : memref<!tpu.dma_semaphore, #tpu.memory_space<semaphore_mem>>) src(%arg17 : memref<128xf32, #tpu.memory_space<vmem>>) dst(%dma_wait3A_1100 : memref<128xf32, #tpu.memory_space<hbm>>)
        tpu.yield
      }) : () -> ()
      "tpu.region"() ({
        %run_scoped3A = tpu.sem_alloc : memref<!tpu.dma_semaphore, #tpu.memory_space<semaphore_mem>>
        %dma_start3A_1097 = tpu.memref_slice %arg8[%mul3A_581] : memref<335872xf32, #tpu.memory_space<hbm>> -> memref<128xf32, #tpu.memory_space<hbm>>
        %dma_start3A_1098 = tpu.memref_slice %arg8[%mul3A_581] : memref<335872xf32, #tpu.memory_space<hbm>> -> memref<128xf32, #tpu.memory_space<hbm>>
        tpu.enqueue_dma source(%arg18 : memref<128xf32, #tpu.memory_space<vmem>>) target(%dma_start3A_1098 : memref<128xf32, #tpu.memory_space<hbm>>) target_semaphore(%run_scoped3A : memref<!tpu.dma_semaphore, #tpu.memory_space<semaphore_mem>>)
        %dma_wait3A_1099 = tpu.memref_slice %arg8[%mul3A_581] : memref<335872xf32, #tpu.memory_space<hbm>> -> memref<128xf32, #tpu.memory_space<hbm>>
        %dma_wait3A_1100 = tpu.memref_slice %arg8[%mul3A_581] : memref<335872xf32, #tpu.memory_space<hbm>> -> memref<128xf32, #tpu.memory_space<hbm>>
        tpu.wait_dma2 semaphore(%run_scoped3A : memref<!tpu.dma_semaphore, #tpu.memory_space<semaphore_mem>>) src(%arg18 : memref<128xf32, #tpu.memory_space<vmem>>) dst(%dma_wait3A_1100 : memref<128xf32, #tpu.memory_space<hbm>>)
        tpu.yield
      }) : () -> ()
      %convert_element_type3A_1094 = arith.extui %lt3A_54 : i1 to i32
      %cond3A_1095 = arith.constant 0 : i32
      %cond3A_1096 = arith.cmpi ne, %convert_element_type3A_1094, %cond3A_1095 : i32
      scf.if %cond3A_1096 {
        %add3A_1097 = arith.constant 3 : i32
        %add3A_1098 = arith.addi %add3A_53, %add3A_1097 : i32
        %mul3A_1099 = arith.constant 128 : i32
        %mul3A_1100 = arith.muli %add3A_1098, %mul3A_1099 : i32
        %dma_start3A_1101 = tpu.memref_slice %arg5[%mul3A_1100] : memref<335872xi32, #tpu.memory_space<hbm>> -> memref<128xi32, #tpu.memory_space<hbm>>
        %dma_start3A_1102 = tpu.memref_slice %arg5[%mul3A_1100] : memref<335872xi32, #tpu.memory_space<hbm>> -> memref<128xi32, #tpu.memory_space<hbm>>
        tpu.enqueue_dma source(%dma_start3A_1102 : memref<128xi32, #tpu.memory_space<hbm>>) target(%arg14 : memref<128xi32, #tpu.memory_space<vmem>>) target_semaphore(%arg24 : memref<!tpu.dma_semaphore, #tpu.memory_space<semaphore_mem>>)
        %dma_start3A_1103 = tpu.memref_slice %arg6[%mul3A_1100] : memref<335872xi32, #tpu.memory_space<hbm>> -> memref<128xi32, #tpu.memory_space<hbm>>
        %dma_start3A_1104 = tpu.memref_slice %arg6[%mul3A_1100] : memref<335872xi32, #tpu.memory_space<hbm>> -> memref<128xi32, #tpu.memory_space<hbm>>
        tpu.enqueue_dma source(%dma_start3A_1104 : memref<128xi32, #tpu.memory_space<hbm>>) target(%arg16 : memref<128xi32, #tpu.memory_space<vmem>>) target_semaphore(%arg24 : memref<!tpu.dma_semaphore, #tpu.memory_space<semaphore_mem>>)
      } else {
      }
    }
    %scan3A_30 = arith.constant 41 : i32
    %mul3A_31 = arith.constant 20480 : i32
    %mul3A_32 = arith.muli %arg1, %mul3A_31 : i32
    "tpu.region"() ({
      %run_scoped3A = tpu.sem_alloc : memref<!tpu.dma_semaphore, #tpu.memory_space<semaphore_mem>>
      %dma_start3A_50 = tpu.memref_slice %arg22[%mul3A_32] : memref<327680xf32, #tpu.memory_space<vmem_shared>> -> memref<20480xf32, #tpu.memory_space<vmem_shared>>
      %dma_start3A_51 = tpu.memref_slice %arg22[%mul3A_32] : memref<327680xf32, #tpu.memory_space<vmem_shared>> -> memref<20480xf32, #tpu.memory_space<vmem_shared>>
      tpu.enqueue_dma source(%arg19 : memref<20480xf32, #tpu.memory_space<vmem>>) target(%dma_start3A_51 : memref<20480xf32, #tpu.memory_space<vmem_shared>>) target_semaphore(%run_scoped3A : memref<!tpu.dma_semaphore, #tpu.memory_space<semaphore_mem>>)
      %dma_wait3A = tpu.memref_slice %arg22[%mul3A_32] : memref<327680xf32, #tpu.memory_space<vmem_shared>> -> memref<20480xf32, #tpu.memory_space<vmem_shared>>
      %dma_wait3A_52 = tpu.memref_slice %arg22[%mul3A_32] : memref<327680xf32, #tpu.memory_space<vmem_shared>> -> memref<20480xf32, #tpu.memory_space<vmem_shared>>
      tpu.wait_dma2 semaphore(%run_scoped3A : memref<!tpu.dma_semaphore, #tpu.memory_space<semaphore_mem>>) src(%arg19 : memref<20480xf32, #tpu.memory_space<vmem>>) dst(%dma_wait3A_52 : memref<20480xf32, #tpu.memory_space<vmem_shared>>)
      tpu.yield
    }) : () -> ()
    %barrier3A = arith.constant 0 : index
    tpu.barrier barrier_id(%barrier3A)
    %mul3A_33 = arith.constant 1280 : i32
    %mul3A_34 = arith.muli %arg1, %mul3A_33 : i32
    %scan3A_35 = arith.constant 0 : i32
    %scan3A_36 = arith.constant 0 : i32
    %scan3A_37 = arith.constant 80 : i32
    %scan3A_38 = arith.addi %scan3A_36, %scan3A_37 : i32
    %scan3A_39 = arith.constant 1 : i32
    scf.for %scan3A_50 = %scan3A_36 to %scan3A_38 step %scan3A_39  : i32 {
      %mul3A_51 = arith.constant 16 : i32
      %mul3A_52 = arith.muli %scan3A_50, %mul3A_51 : i32
      %swap3A = arith.index_cast %mul3A_52 : i32 to index
      %swap3A_53 = tpu.vector_load %arg20[%swap3A] {strides = array<i32>} : memref<1280xf32, #tpu.memory_space<vmem>>, vector<16xf32>,
      tpu.vector_store %arg20[%swap3A], %broadcast_in_dim3A_1 {strides = array<i32>} : memref<1280xf32, #tpu.memory_space<vmem>>, vector<16xf32>,
    }
    %scan3A_40 = arith.constant 80 : i32
    %scan3A_41 = arith.constant 0 : i32
    %scan3A_42 = arith.constant 0 : i32
    %scan3A_43 = arith.constant 16 : i32
    %scan3A_44 = arith.addi %scan3A_42, %scan3A_43 : i32
    %scan3A_45 = arith.constant 1 : i32
    scf.for %scan3A_50 = %scan3A_42 to %scan3A_44 step %scan3A_45  : i32 {
      %mul3A_51 = arith.constant 20480 : i32
      %mul3A_52 = arith.muli %scan3A_50, %mul3A_51 : i32
      %add3A_53 = arith.addi %mul3A_52, %mul3A_34 : i32
      "tpu.region"() ({
        %run_scoped3A = tpu.sem_alloc : memref<!tpu.dma_semaphore, #tpu.memory_space<semaphore_mem>>
        %dma_start3A_60 = tpu.memref_slice %arg22[%add3A_53] : memref<327680xf32, #tpu.memory_space<vmem_shared>> -> memref<1280xf32, #tpu.memory_space<vmem_shared>>
        %dma_start3A_61 = tpu.memref_slice %arg22[%add3A_53] : memref<327680xf32, #tpu.memory_space<vmem_shared>> -> memref<1280xf32, #tpu.memory_space<vmem_shared>>
        tpu.enqueue_dma source(%dma_start3A_61 : memref<1280xf32, #tpu.memory_space<vmem_shared>>) target(%arg21 : memref<1280xf32, #tpu.memory_space<vmem>>) target_semaphore(%run_scoped3A : memref<!tpu.dma_semaphore, #tpu.memory_space<semaphore_mem>>)
        %dma_wait3A = tpu.memref_slice %arg22[%add3A_53] : memref<327680xf32, #tpu.memory_space<vmem_shared>> -> memref<1280xf32, #tpu.memory_space<vmem_shared>>
        %dma_wait3A_62 = tpu.memref_slice %arg22[%add3A_53] : memref<327680xf32, #tpu.memory_space<vmem_shared>> -> memref<1280xf32, #tpu.memory_space<vmem_shared>>
        tpu.wait_dma2 semaphore(%run_scoped3A : memref<!tpu.dma_semaphore, #tpu.memory_space<semaphore_mem>>) src(%dma_wait3A_62 : memref<1280xf32, #tpu.memory_space<vmem_shared>>) dst(%arg21 : memref<1280xf32, #tpu.memory_space<vmem>>)
        tpu.yield
      }) : () -> ()
      %scan3A_54 = arith.constant 0 : i32
      %scan3A_55 = arith.constant 0 : i32
      %scan3A_56 = arith.constant 80 : i32
      %scan3A_57 = arith.addi %scan3A_55, %scan3A_56 : i32
      %scan3A_58 = arith.constant 1 : i32
      scf.for %scan3A_60 = %scan3A_55 to %scan3A_57 step %scan3A_58  : i32 {
        %mul3A_61 = arith.constant 16 : i32
        %mul3A_62 = arith.muli %scan3A_60, %mul3A_61 : i32
        %get3A_63 = arith.index_cast %mul3A_62 : i32 to index
        %get3A_64 = tpu.vector_load %arg20[%get3A_63] {strides = array<i32>} : memref<1280xf32, #tpu.memory_space<vmem>>, vector<16xf32>,
        %get3A_65 = arith.index_cast %mul3A_62 : i32 to index
        %get3A_66 = tpu.vector_load %arg21[%get3A_65] {strides = array<i32>} : memref<1280xf32, #tpu.memory_space<vmem>>, vector<16xf32>,
        %add3A_67 = arith.addf %get3A_64, %get3A_66 : vector<16xf32>
        %swap3A = arith.index_cast %mul3A_62 : i32 to index
        %swap3A_68 = tpu.vector_load %arg20[%swap3A] {strides = array<i32>} : memref<1280xf32, #tpu.memory_space<vmem>>, vector<16xf32>,
        tpu.vector_store %arg20[%swap3A], %add3A_67 {strides = array<i32>} : memref<1280xf32, #tpu.memory_space<vmem>>, vector<16xf32>,
      }
      %scan3A_59 = arith.constant 80 : i32
    }
    %scan3A_46 = arith.constant 16 : i32
    %mul3A_47 = arith.constant 20480 : i32
    %mul3A_48 = arith.muli %arg0, %mul3A_47 : i32
    %add3A_49 = arith.addi %mul3A_48, %mul3A_34 : i32
    "tpu.region"() ({
      %run_scoped3A = tpu.sem_alloc : memref<!tpu.dma_semaphore, #tpu.memory_space<semaphore_mem>>
      %dma_start3A_50 = tpu.memref_slice %arg9[%add3A_49] : memref<40960xf32, #tpu.memory_space<hbm>> -> memref<1280xf32, #tpu.memory_space<hbm>>
      %dma_start3A_51 = tpu.memref_slice %arg9[%add3A_49] : memref<40960xf32, #tpu.memory_space<hbm>> -> memref<1280xf32, #tpu.memory_space<hbm>>
      tpu.enqueue_dma source(%arg20 : memref<1280xf32, #tpu.memory_space<vmem>>) target(%dma_start3A_51 : memref<1280xf32, #tpu.memory_space<hbm>>) target_semaphore(%run_scoped3A : memref<!tpu.dma_semaphore, #tpu.memory_space<semaphore_mem>>)
      %dma_wait3A = tpu.memref_slice %arg9[%add3A_49] : memref<40960xf32, #tpu.memory_space<hbm>> -> memref<1280xf32, #tpu.memory_space<hbm>>
      %dma_wait3A_52 = tpu.memref_slice %arg9[%add3A_49] : memref<40960xf32, #tpu.memory_space<hbm>> -> memref<1280xf32, #tpu.memory_space<hbm>>
      tpu.wait_dma2 semaphore(%run_scoped3A : memref<!tpu.dma_semaphore, #tpu.memory_space<semaphore_mem>>) src(%arg20 : memref<1280xf32, #tpu.memory_space<vmem>>) dst(%dma_wait3A_52 : memref<1280xf32, #tpu.memory_space<hbm>>)
      tpu.yield
    }) : () -> ()
    return
  }
}

#map = affine_map<(d0, d1) -> (0, 0)>
#map1 = affine_map<(d0, d1) -> (0)>
module attributes {stable_mosaic.version = 14 : i64} {
  func.func @k(%arg0: i32, %arg1: i32, %arg2: memref<10000x128xf32, #tpu.memory_space<hbm>>, %arg3: memref<335872xi32, #tpu.memory_space<hbm>>, %arg4: memref<335872xi32, #tpu.memory_space<hbm>>, %arg5: memref<335872xf32, #tpu.memory_space<hbm>>, %arg6: memref<335872xf32, #tpu.memory_space<hbm>>, %arg7: memref<10000x128xf32, #tpu.memory_space<hbm>>, %arg8: memref<20000x128xf32, #tpu.memory_space<hbm>>, %arg9: memref<128xi32, #tpu.memory_space<vmem>>, %arg10: memref<128xi32, #tpu.memory_space<vmem>>, %arg11: memref<128xi32, #tpu.memory_space<vmem>>, %arg12: memref<128xi32, #tpu.memory_space<vmem>>, %arg13: memref<128xf32, #tpu.memory_space<vmem>>, %arg14: memref<128xf32, #tpu.memory_space<vmem>>, %arg15: memref<128xf32, #tpu.memory_space<vmem>>, %arg16: memref<128xf32, #tpu.memory_space<vmem>>, %arg17: memref<128x128xf32, #tpu.memory_space<vmem>>, %arg18: memref<128x128xf32, #tpu.memory_space<vmem>>, %arg19: memref<10000x128xf32, #tpu.memory_space<vmem_shared>>, %arg20: memref<!tpu.dma_semaphore, #tpu.memory_space<semaphore_mem>>, %arg21: memref<!tpu.dma_semaphore, #tpu.memory_space<semaphore_mem>>, %arg22: memref<!tpu.dma_semaphore, #tpu.memory_space<semaphore_mem>>, %arg23: memref<!tpu.dma_semaphore, #tpu.memory_space<semaphore_mem>>) attributes {dimension_semantics = [#tpu.dimension_semantics<core_parallel>, #tpu.dimension_semantics<subcore_parallel>], iteration_bounds = array<i64: 2, 16>, scalar_prefetch = 0 : i64, scratch_operands = 15 : i64, tpu.core_type = #tpu.core_type<sc_vector_subcore>, window_params = [{transform_indices = #map}, {transform_indices = #map1}, {transform_indices = #map1}, {transform_indices = #map1}, {transform_indices = #map1}, {transform_indices = #map}, {transform_indices = #map}]} {
    %mul3A = arith.constant 16 : i32
    %mul3A_0 = arith.muli %arg0, %mul3A : i32
    %add3A = arith.addi %mul3A_0, %arg1 : i32
    %mul3A_1 = arith.constant 624 : i32
    %mul3A_2 = arith.muli %arg1, %mul3A_1 : i32
    "tpu.region"() ({
      %run_scoped3A = tpu.sem_alloc : memref<!tpu.dma_semaphore, #tpu.memory_space<semaphore_mem>>
      %dma_start3A_60 = arith.constant 0 : i32
      %dma_start3A_61 = tpu.memref_slice %arg19[%mul3A_2, %dma_start3A_60] : memref<10000x128xf32, #tpu.memory_space<vmem_shared>> -> memref<624x128xf32, #tpu.memory_space<vmem_shared>>
      %dma_start3A_62 = arith.constant 0 : i32
      %dma_start3A_63 = tpu.memref_slice %arg7[%mul3A_2, %dma_start3A_62] : memref<10000x128xf32, #tpu.memory_space<hbm>> -> memref<624x128xf32, #tpu.memory_space<hbm>>
      tpu.enqueue_dma source(%dma_start3A_63 : memref<624x128xf32, #tpu.memory_space<hbm>>) target(%dma_start3A_61 : memref<624x128xf32, #tpu.memory_space<vmem_shared>>) target_semaphore(%run_scoped3A : memref<!tpu.dma_semaphore, #tpu.memory_space<semaphore_mem>>)
      %dma_wait3A_64 = arith.constant 0 : i32
      %dma_wait3A_65 = tpu.memref_slice %arg19[%mul3A_2, %dma_wait3A_64] : memref<10000x128xf32, #tpu.memory_space<vmem_shared>> -> memref<624x128xf32, #tpu.memory_space<vmem_shared>>
      %dma_wait3A_66 = arith.constant 0 : i32
      %dma_wait3A_67 = tpu.memref_slice %arg7[%mul3A_2, %dma_wait3A_66] : memref<10000x128xf32, #tpu.memory_space<hbm>> -> memref<624x128xf32, #tpu.memory_space<hbm>>
      tpu.wait_dma2 semaphore(%run_scoped3A : memref<!tpu.dma_semaphore, #tpu.memory_space<semaphore_mem>>) src(%dma_wait3A_67 : memref<624x128xf32, #tpu.memory_space<hbm>>) dst(%dma_wait3A_65 : memref<624x128xf32, #tpu.memory_space<vmem_shared>>)
      tpu.yield
    }) : () -> ()
    %eq3A = arith.constant 15 : i32
    %eq3A_3 = arith.cmpi eq, %arg1, %eq3A : i32
    %convert_element_type3A = arith.extui %eq3A_3 : i1 to i32
    %cond3A = arith.constant 0 : i32
    %cond3A_4 = arith.cmpi ne, %convert_element_type3A, %cond3A : i32
    scf.if %cond3A_4 {
      "tpu.region"() ({
        %run_scoped3A = tpu.sem_alloc : memref<!tpu.dma_semaphore, #tpu.memory_space<semaphore_mem>>
        %dma_start3A_60 = arith.constant 9984 : i32
        %dma_start3A_61 = arith.constant 0 : i32
        %dma_start3A_62 = tpu.memref_slice %arg19[%dma_start3A_60, %dma_start3A_61] : memref<10000x128xf32, #tpu.memory_space<vmem_shared>> -> memref<16x128xf32, #tpu.memory_space<vmem_shared>>
        %dma_start3A_63 = arith.constant 9984 : i32
        %dma_start3A_64 = arith.constant 0 : i32
        %dma_start3A_65 = tpu.memref_slice %arg7[%dma_start3A_63, %dma_start3A_64] : memref<10000x128xf32, #tpu.memory_space<hbm>> -> memref<16x128xf32, #tpu.memory_space<hbm>>
        tpu.enqueue_dma source(%dma_start3A_65 : memref<16x128xf32, #tpu.memory_space<hbm>>) target(%dma_start3A_62 : memref<16x128xf32, #tpu.memory_space<vmem_shared>>) target_semaphore(%run_scoped3A : memref<!tpu.dma_semaphore, #tpu.memory_space<semaphore_mem>>)
        %dma_wait3A_66 = arith.constant 9984 : i32
        %dma_wait3A_67 = arith.constant 0 : i32
        %dma_wait3A_68 = tpu.memref_slice %arg19[%dma_wait3A_66, %dma_wait3A_67] : memref<10000x128xf32, #tpu.memory_space<vmem_shared>> -> memref<16x128xf32, #tpu.memory_space<vmem_shared>>
        %dma_wait3A_69 = arith.constant 9984 : i32
        %dma_wait3A_70 = arith.constant 0 : i32
        %dma_wait3A_71 = tpu.memref_slice %arg7[%dma_wait3A_69, %dma_wait3A_70] : memref<10000x128xf32, #tpu.memory_space<hbm>> -> memref<16x128xf32, #tpu.memory_space<hbm>>
        tpu.wait_dma2 semaphore(%run_scoped3A : memref<!tpu.dma_semaphore, #tpu.memory_space<semaphore_mem>>) src(%dma_wait3A_71 : memref<16x128xf32, #tpu.memory_space<hbm>>) dst(%dma_wait3A_68 : memref<16x128xf32, #tpu.memory_space<vmem_shared>>)
        tpu.yield
      }) : () -> ()
    } else {
    }
    %barrier3A = arith.constant 0 : index
    tpu.barrier barrier_id(%barrier3A)
    %mul3A_5 = arith.constant 82 : i32
    %mul3A_6 = arith.muli %add3A, %mul3A_5 : i32
    %mul3A_7 = arith.constant 128 : i32
    %mul3A_8 = arith.muli %mul3A_6, %mul3A_7 : i32
    %dma_start3A = tpu.memref_slice %arg3[%mul3A_8] : memref<335872xi32, #tpu.memory_space<hbm>> -> memref<128xi32, #tpu.memory_space<hbm>>
    %dma_start3A_9 = tpu.memref_slice %arg3[%mul3A_8] : memref<335872xi32, #tpu.memory_space<hbm>> -> memref<128xi32, #tpu.memory_space<hbm>>
    tpu.enqueue_dma source(%dma_start3A_9 : memref<128xi32, #tpu.memory_space<hbm>>) target(%arg9 : memref<128xi32, #tpu.memory_space<vmem>>) target_semaphore(%arg20 : memref<!tpu.dma_semaphore, #tpu.memory_space<semaphore_mem>>)
    %dma_start3A_10 = tpu.memref_slice %arg4[%mul3A_8] : memref<335872xi32, #tpu.memory_space<hbm>> -> memref<128xi32, #tpu.memory_space<hbm>>
    %dma_start3A_11 = tpu.memref_slice %arg4[%mul3A_8] : memref<335872xi32, #tpu.memory_space<hbm>> -> memref<128xi32, #tpu.memory_space<hbm>>
    tpu.enqueue_dma source(%dma_start3A_11 : memref<128xi32, #tpu.memory_space<hbm>>) target(%arg11 : memref<128xi32, #tpu.memory_space<vmem>>) target_semaphore(%arg20 : memref<!tpu.dma_semaphore, #tpu.memory_space<semaphore_mem>>)
    %dma_start3A_12 = tpu.memref_slice %arg5[%mul3A_8] : memref<335872xf32, #tpu.memory_space<hbm>> -> memref<128xf32, #tpu.memory_space<hbm>>
    %dma_start3A_13 = tpu.memref_slice %arg5[%mul3A_8] : memref<335872xf32, #tpu.memory_space<hbm>> -> memref<128xf32, #tpu.memory_space<hbm>>
    tpu.enqueue_dma source(%dma_start3A_13 : memref<128xf32, #tpu.memory_space<hbm>>) target(%arg13 : memref<128xf32, #tpu.memory_space<vmem>>) target_semaphore(%arg20 : memref<!tpu.dma_semaphore, #tpu.memory_space<semaphore_mem>>)
    %dma_start3A_14 = tpu.memref_slice %arg6[%mul3A_8] : memref<335872xf32, #tpu.memory_space<hbm>> -> memref<128xf32, #tpu.memory_space<hbm>>
    %dma_start3A_15 = tpu.memref_slice %arg6[%mul3A_8] : memref<335872xf32, #tpu.memory_space<hbm>> -> memref<128xf32, #tpu.memory_space<hbm>>
    tpu.enqueue_dma source(%dma_start3A_15 : memref<128xf32, #tpu.memory_space<hbm>>) target(%arg14 : memref<128xf32, #tpu.memory_space<vmem>>) target_semaphore(%arg20 : memref<!tpu.dma_semaphore, #tpu.memory_space<semaphore_mem>>)
    %add3A_16 = arith.constant 1 : i32
    %add3A_17 = arith.addi %mul3A_6, %add3A_16 : i32
    %mul3A_18 = arith.constant 128 : i32
    %mul3A_19 = arith.muli %add3A_17, %mul3A_18 : i32
    %dma_start3A_20 = tpu.memref_slice %arg3[%mul3A_19] : memref<335872xi32, #tpu.memory_space<hbm>> -> memref<128xi32, #tpu.memory_space<hbm>>
    %dma_start3A_21 = tpu.memref_slice %arg3[%mul3A_19] : memref<335872xi32, #tpu.memory_space<hbm>> -> memref<128xi32, #tpu.memory_space<hbm>>
    tpu.enqueue_dma source(%dma_start3A_21 : memref<128xi32, #tpu.memory_space<hbm>>) target(%arg10 : memref<128xi32, #tpu.memory_space<vmem>>) target_semaphore(%arg21 : memref<!tpu.dma_semaphore, #tpu.memory_space<semaphore_mem>>)
    %dma_start3A_22 = tpu.memref_slice %arg4[%mul3A_19] : memref<335872xi32, #tpu.memory_space<hbm>> -> memref<128xi32, #tpu.memory_space<hbm>>
    %dma_start3A_23 = tpu.memref_slice %arg4[%mul3A_19] : memref<335872xi32, #tpu.memory_space<hbm>> -> memref<128xi32, #tpu.memory_space<hbm>>
    tpu.enqueue_dma source(%dma_start3A_23 : memref<128xi32, #tpu.memory_space<hbm>>) target(%arg12 : memref<128xi32, #tpu.memory_space<vmem>>) target_semaphore(%arg21 : memref<!tpu.dma_semaphore, #tpu.memory_space<semaphore_mem>>)
    %dma_start3A_24 = tpu.memref_slice %arg5[%mul3A_19] : memref<335872xf32, #tpu.memory_space<hbm>> -> memref<128xf32, #tpu.memory_space<hbm>>
    %dma_start3A_25 = tpu.memref_slice %arg5[%mul3A_19] : memref<335872xf32, #tpu.memory_space<hbm>> -> memref<128xf32, #tpu.memory_space<hbm>>
    tpu.enqueue_dma source(%dma_start3A_25 : memref<128xf32, #tpu.memory_space<hbm>>) target(%arg15 : memref<128xf32, #tpu.memory_space<vmem>>) target_semaphore(%arg21 : memref<!tpu.dma_semaphore, #tpu.memory_space<semaphore_mem>>)
    %dma_start3A_26 = tpu.memref_slice %arg6[%mul3A_19] : memref<335872xf32, #tpu.memory_space<hbm>> -> memref<128xf32, #tpu.memory_space<hbm>>
    %dma_start3A_27 = tpu.memref_slice %arg6[%mul3A_19] : memref<335872xf32, #tpu.memory_space<hbm>> -> memref<128xf32, #tpu.memory_space<hbm>>
    tpu.enqueue_dma source(%dma_start3A_27 : memref<128xf32, #tpu.memory_space<hbm>>) target(%arg16 : memref<128xf32, #tpu.memory_space<vmem>>) target_semaphore(%arg21 : memref<!tpu.dma_semaphore, #tpu.memory_space<semaphore_mem>>)
    %dma_wait3A = arith.constant 0 : i32
    %dma_wait3A_28 = tpu.memref_slice %arg3[%dma_wait3A] : memref<335872xi32, #tpu.memory_space<hbm>> -> memref<128xi32, #tpu.memory_space<hbm>>
    %dma_wait3A_29 = arith.constant 0 : i32
    %dma_wait3A_30 = tpu.memref_slice %arg3[%dma_wait3A_29] : memref<335872xi32, #tpu.memory_space<hbm>> -> memref<128xi32, #tpu.memory_space<hbm>>
    tpu.wait_dma2 semaphore(%arg20 : memref<!tpu.dma_semaphore, #tpu.memory_space<semaphore_mem>>) src(%dma_wait3A_30 : memref<128xi32, #tpu.memory_space<hbm>>) dst(%arg9 : memref<128xi32, #tpu.memory_space<vmem>>)
    %dma_wait3A_31 = arith.constant 0 : i32
    %dma_wait3A_32 = tpu.memref_slice %arg4[%dma_wait3A_31] : memref<335872xi32, #tpu.memory_space<hbm>> -> memref<128xi32, #tpu.memory_space<hbm>>
    %dma_wait3A_33 = arith.constant 0 : i32
    %dma_wait3A_34 = tpu.memref_slice %arg4[%dma_wait3A_33] : memref<335872xi32, #tpu.memory_space<hbm>> -> memref<128xi32, #tpu.memory_space<hbm>>
    tpu.wait_dma2 semaphore(%arg20 : memref<!tpu.dma_semaphore, #tpu.memory_space<semaphore_mem>>) src(%dma_wait3A_34 : memref<128xi32, #tpu.memory_space<hbm>>) dst(%arg11 : memref<128xi32, #tpu.memory_space<vmem>>)
    %dma_wait3A_35 = arith.constant 0 : i32
    %dma_wait3A_36 = tpu.memref_slice %arg5[%dma_wait3A_35] : memref<335872xf32, #tpu.memory_space<hbm>> -> memref<128xf32, #tpu.memory_space<hbm>>
    %dma_wait3A_37 = arith.constant 0 : i32
    %dma_wait3A_38 = tpu.memref_slice %arg5[%dma_wait3A_37] : memref<335872xf32, #tpu.memory_space<hbm>> -> memref<128xf32, #tpu.memory_space<hbm>>
    tpu.wait_dma2 semaphore(%arg20 : memref<!tpu.dma_semaphore, #tpu.memory_space<semaphore_mem>>) src(%dma_wait3A_38 : memref<128xf32, #tpu.memory_space<hbm>>) dst(%arg13 : memref<128xf32, #tpu.memory_space<vmem>>)
    %dma_wait3A_39 = arith.constant 0 : i32
    %dma_wait3A_40 = tpu.memref_slice %arg6[%dma_wait3A_39] : memref<335872xf32, #tpu.memory_space<hbm>> -> memref<128xf32, #tpu.memory_space<hbm>>
    %dma_wait3A_41 = arith.constant 0 : i32
    %dma_wait3A_42 = tpu.memref_slice %arg6[%dma_wait3A_41] : memref<335872xf32, #tpu.memory_space<hbm>> -> memref<128xf32, #tpu.memory_space<hbm>>
    tpu.wait_dma2 semaphore(%arg20 : memref<!tpu.dma_semaphore, #tpu.memory_space<semaphore_mem>>) src(%dma_wait3A_42 : memref<128xf32, #tpu.memory_space<hbm>>) dst(%arg14 : memref<128xf32, #tpu.memory_space<vmem>>)
    %dma_start3A_43 = arith.constant 0 : i32
    %dma_start3A_44 = arith.constant 0 : i32
    %dma_start3A_45 = tpu.memref_slice %arg2[%dma_start3A_43, %dma_start3A_44] : memref<10000x128xf32, #tpu.memory_space<hbm>> -> memref<10000x128xf32, #tpu.memory_space<hbm>>
    tpu.enqueue_indirect_dma source(%dma_start3A_45 : memref<10000x128xf32, #tpu.memory_space<hbm>>) target(%arg17 : memref<128x128xf32, #tpu.memory_space<vmem>>) offsets(%arg9 : memref<128xi32, #tpu.memory_space<vmem>>) semaphore(%arg22 : memref<!tpu.dma_semaphore, #tpu.memory_space<semaphore_mem>>)
    %scan3A = arith.constant 0 : i32
    %scan3A_46 = arith.constant 0 : i32
    %scan3A_47 = arith.constant 41 : i32
    %scan3A_48 = arith.addi %scan3A_46, %scan3A_47 : i32
    %scan3A_49 = arith.constant 1 : i32
    scf.for %scan3A_60 = %scan3A_46 to %scan3A_48 step %scan3A_49  : i32 {
      %mul3A_61 = arith.constant 2 : i32
      %mul3A_62 = arith.muli %mul3A_61, %scan3A_60 : i32
      %add3A_63 = arith.addi %mul3A_6, %mul3A_62 : i32
      %lt3A = arith.constant 40 : i32
      %lt3A_64 = arith.cmpi slt, %scan3A_60, %lt3A : i32
      %dma_wait3A_65 = arith.constant 0 : i32
      %dma_wait3A_66 = tpu.memref_slice %arg3[%dma_wait3A_65] : memref<335872xi32, #tpu.memory_space<hbm>> -> memref<128xi32, #tpu.memory_space<hbm>>
      %dma_wait3A_67 = arith.constant 0 : i32
      %dma_wait3A_68 = tpu.memref_slice %arg3[%dma_wait3A_67] : memref<335872xi32, #tpu.memory_space<hbm>> -> memref<128xi32, #tpu.memory_space<hbm>>
      tpu.wait_dma2 semaphore(%arg21 : memref<!tpu.dma_semaphore, #tpu.memory_space<semaphore_mem>>) src(%dma_wait3A_68 : memref<128xi32, #tpu.memory_space<hbm>>) dst(%arg10 : memref<128xi32, #tpu.memory_space<vmem>>)
      %dma_wait3A_69 = arith.constant 0 : i32
      %dma_wait3A_70 = tpu.memref_slice %arg4[%dma_wait3A_69] : memref<335872xi32, #tpu.memory_space<hbm>> -> memref<128xi32, #tpu.memory_space<hbm>>
      %dma_wait3A_71 = arith.constant 0 : i32
      %dma_wait3A_72 = tpu.memref_slice %arg4[%dma_wait3A_71] : memref<335872xi32, #tpu.memory_space<hbm>> -> memref<128xi32, #tpu.memory_space<hbm>>
      tpu.wait_dma2 semaphore(%arg21 : memref<!tpu.dma_semaphore, #tpu.memory_space<semaphore_mem>>) src(%dma_wait3A_72 : memref<128xi32, #tpu.memory_space<hbm>>) dst(%arg12 : memref<128xi32, #tpu.memory_space<vmem>>)
      %dma_wait3A_73 = arith.constant 0 : i32
      %dma_wait3A_74 = tpu.memref_slice %arg5[%dma_wait3A_73] : memref<335872xf32, #tpu.memory_space<hbm>> -> memref<128xf32, #tpu.memory_space<hbm>>
      %dma_wait3A_75 = arith.constant 0 : i32
      %dma_wait3A_76 = tpu.memref_slice %arg5[%dma_wait3A_75] : memref<335872xf32, #tpu.memory_space<hbm>> -> memref<128xf32, #tpu.memory_space<hbm>>
      tpu.wait_dma2 semaphore(%arg21 : memref<!tpu.dma_semaphore, #tpu.memory_space<semaphore_mem>>) src(%dma_wait3A_76 : memref<128xf32, #tpu.memory_space<hbm>>) dst(%arg15 : memref<128xf32, #tpu.memory_space<vmem>>)
      %dma_wait3A_77 = arith.constant 0 : i32
      %dma_wait3A_78 = tpu.memref_slice %arg6[%dma_wait3A_77] : memref<335872xf32, #tpu.memory_space<hbm>> -> memref<128xf32, #tpu.memory_space<hbm>>
      %dma_wait3A_79 = arith.constant 0 : i32
      %dma_wait3A_80 = tpu.memref_slice %arg6[%dma_wait3A_79] : memref<335872xf32, #tpu.memory_space<hbm>> -> memref<128xf32, #tpu.memory_space<hbm>>
      tpu.wait_dma2 semaphore(%arg21 : memref<!tpu.dma_semaphore, #tpu.memory_space<semaphore_mem>>) src(%dma_wait3A_80 : memref<128xf32, #tpu.memory_space<hbm>>) dst(%arg16 : memref<128xf32, #tpu.memory_space<vmem>>)
      %add3A_81 = arith.constant 1 : i32
      %add3A_82 = arith.addi %add3A_63, %add3A_81 : i32
      %mul3A_83 = arith.constant 128 : i32
      %mul3A_84 = arith.muli %add3A_82, %mul3A_83 : i32
      %lt3A_85 = arith.constant 330000 : i32
      %lt3A_86 = arith.cmpi slt, %mul3A_84, %lt3A_85 : i32
      %convert_element_type3A_87 = arith.extui %lt3A_86 : i1 to i32
      %cond3A_88 = arith.constant 0 : i32
      %cond3A_89 = arith.cmpi ne, %convert_element_type3A_87, %cond3A_88 : i32
      scf.if %cond3A_89 {
        %dma_start3A_112 = arith.constant 0 : i32
        %dma_start3A_113 = arith.constant 0 : i32
        %dma_start3A_114 = tpu.memref_slice %arg2[%dma_start3A_112, %dma_start3A_113] : memref<10000x128xf32, #tpu.memory_space<hbm>> -> memref<10000x128xf32, #tpu.memory_space<hbm>>
        tpu.enqueue_indirect_dma source(%dma_start3A_114 : memref<10000x128xf32, #tpu.memory_space<hbm>>) target(%arg18 : memref<128x128xf32, #tpu.memory_space<vmem>>) offsets(%arg10 : memref<128xi32, #tpu.memory_space<vmem>>) semaphore(%arg23 : memref<!tpu.dma_semaphore, #tpu.memory_space<semaphore_mem>>)
      } else {
      }
      %mul3A_90 = arith.constant 128 : i32
      %mul3A_91 = arith.muli %add3A_63, %mul3A_90 : i32
      %lt3A_92 = arith.constant 330000 : i32
      %lt3A_93 = arith.cmpi slt, %mul3A_91, %lt3A_92 : i32
      %convert_element_type3A_94 = arith.extui %lt3A_93 : i1 to i32
      %cond3A_95 = arith.constant 0 : i32
      %cond3A_96 = arith.cmpi ne, %convert_element_type3A_94, %cond3A_95 : i32
      scf.if %cond3A_96 {
        %dma_wait3A_112 = arith.constant 0 : i32
        %dma_wait3A_113 = arith.constant 0 : i32
        %dma_wait3A_114 = tpu.memref_slice %arg2[%dma_wait3A_112, %dma_wait3A_113] : memref<10000x128xf32, #tpu.memory_space<hbm>> -> memref<10000x128xf32, #tpu.memory_space<hbm>>
        tpu.wait_indirect_dma semaphore(%arg22 : memref<!tpu.dma_semaphore, #tpu.memory_space<semaphore_mem>>) src(%dma_wait3A_114 : memref<10000x128xf32, #tpu.memory_space<hbm>>) dst(%arg17 : memref<128x128xf32, #tpu.memory_space<vmem>>)
        %scan3A_115 = arith.constant 0 : i32
        %scan3A_116 = arith.constant 0 : i32
        %scan3A_117 = arith.constant 128 : i32
        %scan3A_118 = arith.addi %scan3A_116, %scan3A_117 : i32
        %scan3A_119 = arith.constant 1 : i32
        scf.for %scan3A_121 = %scan3A_116 to %scan3A_118 step %scan3A_119  : i32 {
          %broadcast_in_dim3A = vector.broadcast %scan3A_121 : i32 to vector<16xi32>
          %gather3A = tpu.vector_load_idx %arg13[%broadcast_in_dim3A] : memref<128xf32, #tpu.memory_space<vmem>>[vector<16xi32>], vector<16xf32>,
          %gather3A_122 = tpu.vector_load_idx %arg14[%broadcast_in_dim3A] : memref<128xf32, #tpu.memory_space<vmem>>[vector<16xi32>], vector<16xf32>,
          %get3A = arith.index_cast %scan3A_121 : i32 to index
          %get3A_123 = arith.constant 0 : index
          %get3A_124 = tpu.vector_load %arg17[%get3A, %get3A_123] {strides = array<i32>} : memref<128x128xf32, #tpu.memory_space<vmem>>, vector<16xf32>,
          %mul3A_125 = arith.mulf %get3A_124, %gather3A : vector<16xf32>
          %swap3A = arith.index_cast %scan3A_121 : i32 to index
          %swap3A_126 = arith.constant 0 : index
          %swap3A_127 = tpu.vector_load %arg17[%swap3A, %swap3A_126] {strides = array<i32>} : memref<128x128xf32, #tpu.memory_space<vmem>>, vector<16xf32>,
          tpu.vector_store %arg17[%swap3A, %swap3A_126], %mul3A_125 {strides = array<i32>} : memref<128x128xf32, #tpu.memory_space<vmem>>, vector<16xf32>,
          %get3A_128 = arith.index_cast %scan3A_121 : i32 to index
          %get3A_129 = arith.constant 16 : index
          %get3A_130 = tpu.vector_load %arg17[%get3A_128, %get3A_129] {strides = array<i32>} : memref<128x128xf32, #tpu.memory_space<vmem>>, vector<16xf32>,
          %mul3A_131 = arith.mulf %get3A_130, %gather3A : vector<16xf32>
          %swap3A_132 = arith.index_cast %scan3A_121 : i32 to index
          %swap3A_133 = arith.constant 16 : index
          %swap3A_134 = tpu.vector_load %arg17[%swap3A_132, %swap3A_133] {strides = array<i32>} : memref<128x128xf32, #tpu.memory_space<vmem>>, vector<16xf32>,
          tpu.vector_store %arg17[%swap3A_132, %swap3A_133], %mul3A_131 {strides = array<i32>} : memref<128x128xf32, #tpu.memory_space<vmem>>, vector<16xf32>,
          %get3A_135 = arith.index_cast %scan3A_121 : i32 to index
          %get3A_136 = arith.constant 32 : index
          %get3A_137 = tpu.vector_load %arg17[%get3A_135, %get3A_136] {strides = array<i32>} : memref<128x128xf32, #tpu.memory_space<vmem>>, vector<16xf32>,
          %mul3A_138 = arith.mulf %get3A_137, %gather3A : vector<16xf32>
          %swap3A_139 = arith.index_cast %scan3A_121 : i32 to index
          %swap3A_140 = arith.constant 32 : index
          %swap3A_141 = tpu.vector_load %arg17[%swap3A_139, %swap3A_140] {strides = array<i32>} : memref<128x128xf32, #tpu.memory_space<vmem>>, vector<16xf32>,
          tpu.vector_store %arg17[%swap3A_139, %swap3A_140], %mul3A_138 {strides = array<i32>} : memref<128x128xf32, #tpu.memory_space<vmem>>, vector<16xf32>,
          %get3A_142 = arith.index_cast %scan3A_121 : i32 to index
          %get3A_143 = arith.constant 48 : index
          %get3A_144 = tpu.vector_load %arg17[%get3A_142, %get3A_143] {strides = array<i32>} : memref<128x128xf32, #tpu.memory_space<vmem>>, vector<16xf32>,
          %mul3A_145 = arith.mulf %get3A_144, %gather3A : vector<16xf32>
          %swap3A_146 = arith.index_cast %scan3A_121 : i32 to index
          %swap3A_147 = arith.constant 48 : index
          %swap3A_148 = tpu.vector_load %arg17[%swap3A_146, %swap3A_147] {strides = array<i32>} : memref<128x128xf32, #tpu.memory_space<vmem>>, vector<16xf32>,
          tpu.vector_store %arg17[%swap3A_146, %swap3A_147], %mul3A_145 {strides = array<i32>} : memref<128x128xf32, #tpu.memory_space<vmem>>, vector<16xf32>,
          %get3A_149 = arith.index_cast %scan3A_121 : i32 to index
          %get3A_150 = arith.constant 64 : index
          %get3A_151 = tpu.vector_load %arg17[%get3A_149, %get3A_150] {strides = array<i32>} : memref<128x128xf32, #tpu.memory_space<vmem>>, vector<16xf32>,
          %mul3A_152 = arith.mulf %get3A_151, %gather3A_122 : vector<16xf32>
          %swap3A_153 = arith.index_cast %scan3A_121 : i32 to index
          %swap3A_154 = arith.constant 64 : index
          %swap3A_155 = tpu.vector_load %arg17[%swap3A_153, %swap3A_154] {strides = array<i32>} : memref<128x128xf32, #tpu.memory_space<vmem>>, vector<16xf32>,
          tpu.vector_store %arg17[%swap3A_153, %swap3A_154], %mul3A_152 {strides = array<i32>} : memref<128x128xf32, #tpu.memory_space<vmem>>, vector<16xf32>,
          %get3A_156 = arith.index_cast %scan3A_121 : i32 to index
          %get3A_157 = arith.constant 80 : index
          %get3A_158 = tpu.vector_load %arg17[%get3A_156, %get3A_157] {strides = array<i32>} : memref<128x128xf32, #tpu.memory_space<vmem>>, vector<16xf32>,
          %mul3A_159 = arith.mulf %get3A_158, %gather3A_122 : vector<16xf32>
          %swap3A_160 = arith.index_cast %scan3A_121 : i32 to index
          %swap3A_161 = arith.constant 80 : index
          %swap3A_162 = tpu.vector_load %arg17[%swap3A_160, %swap3A_161] {strides = array<i32>} : memref<128x128xf32, #tpu.memory_space<vmem>>, vector<16xf32>,
          tpu.vector_store %arg17[%swap3A_160, %swap3A_161], %mul3A_159 {strides = array<i32>} : memref<128x128xf32, #tpu.memory_space<vmem>>, vector<16xf32>,
          %get3A_163 = arith.index_cast %scan3A_121 : i32 to index
          %get3A_164 = arith.constant 96 : index
          %get3A_165 = tpu.vector_load %arg17[%get3A_163, %get3A_164] {strides = array<i32>} : memref<128x128xf32, #tpu.memory_space<vmem>>, vector<16xf32>,
          %mul3A_166 = arith.mulf %get3A_165, %gather3A_122 : vector<16xf32>
          %swap3A_167 = arith.index_cast %scan3A_121 : i32 to index
          %swap3A_168 = arith.constant 96 : index
          %swap3A_169 = tpu.vector_load %arg17[%swap3A_167, %swap3A_168] {strides = array<i32>} : memref<128x128xf32, #tpu.memory_space<vmem>>, vector<16xf32>,
          tpu.vector_store %arg17[%swap3A_167, %swap3A_168], %mul3A_166 {strides = array<i32>} : memref<128x128xf32, #tpu.memory_space<vmem>>, vector<16xf32>,
          %get3A_170 = arith.index_cast %scan3A_121 : i32 to index
          %get3A_171 = arith.constant 112 : index
          %get3A_172 = tpu.vector_load %arg17[%get3A_170, %get3A_171] {strides = array<i32>} : memref<128x128xf32, #tpu.memory_space<vmem>>, vector<16xf32>,
          %mul3A_173 = arith.mulf %get3A_172, %gather3A_122 : vector<16xf32>
          %swap3A_174 = arith.index_cast %scan3A_121 : i32 to index
          %swap3A_175 = arith.constant 112 : index
          %swap3A_176 = tpu.vector_load %arg17[%swap3A_174, %swap3A_175] {strides = array<i32>} : memref<128x128xf32, #tpu.memory_space<vmem>>, vector<16xf32>,
          tpu.vector_store %arg17[%swap3A_174, %swap3A_175], %mul3A_173 {strides = array<i32>} : memref<128x128xf32, #tpu.memory_space<vmem>>, vector<16xf32>,
        }
        %scan3A_120 = arith.constant 128 : i32
        "tpu.region"() ({
          %run_scoped3A = tpu.sem_alloc : memref<!tpu.dma_semaphore, #tpu.memory_space<semaphore_mem>>
          %dma_start3A_121 = arith.constant 0 : i32
          %dma_start3A_122 = arith.constant 0 : i32
          %dma_start3A_123 = tpu.memref_slice %arg19[%dma_start3A_121, %dma_start3A_122] : memref<10000x128xf32, #tpu.memory_space<vmem_shared>> -> memref<10000x128xf32, #tpu.memory_space<vmem_shared>>
          tpu.enqueue_indirect_dma source(%arg17 : memref<128x128xf32, #tpu.memory_space<vmem>>) target(%dma_start3A_123 : memref<10000x128xf32, #tpu.memory_space<vmem_shared>>) offsets(%arg11 : memref<128xi32, #tpu.memory_space<vmem>>) semaphore(%run_scoped3A : memref<!tpu.dma_semaphore, #tpu.memory_space<semaphore_mem>>) {add = true}
          %dma_wait3A_124 = arith.constant 0 : i32
          %dma_wait3A_125 = arith.constant 0 : i32
          %dma_wait3A_126 = tpu.memref_slice %arg19[%dma_wait3A_124, %dma_wait3A_125] : memref<10000x128xf32, #tpu.memory_space<vmem_shared>> -> memref<10000x128xf32, #tpu.memory_space<vmem_shared>>
          tpu.wait_indirect_dma semaphore(%run_scoped3A : memref<!tpu.dma_semaphore, #tpu.memory_space<semaphore_mem>>) src(%arg17 : memref<128x128xf32, #tpu.memory_space<vmem>>) dst(%dma_wait3A_126 : memref<10000x128xf32, #tpu.memory_space<vmem_shared>>)
          tpu.yield
        }) : () -> ()
      } else {
      }
      %convert_element_type3A_97 = arith.extui %lt3A_64 : i1 to i32
      %cond3A_98 = arith.constant 0 : i32
      %cond3A_99 = arith.cmpi ne, %convert_element_type3A_97, %cond3A_98 : i32
      scf.if %cond3A_99 {
        %add3A_112 = arith.constant 2 : i32
        %add3A_113 = arith.addi %add3A_63, %add3A_112 : i32
        %mul3A_114 = arith.constant 128 : i32
        %mul3A_115 = arith.muli %add3A_113, %mul3A_114 : i32
        %dma_start3A_116 = tpu.memref_slice %arg3[%mul3A_115] : memref<335872xi32, #tpu.memory_space<hbm>> -> memref<128xi32, #tpu.memory_space<hbm>>
        %dma_start3A_117 = tpu.memref_slice %arg3[%mul3A_115] : memref<335872xi32, #tpu.memory_space<hbm>> -> memref<128xi32, #tpu.memory_space<hbm>>
        tpu.enqueue_dma source(%dma_start3A_117 : memref<128xi32, #tpu.memory_space<hbm>>) target(%arg9 : memref<128xi32, #tpu.memory_space<vmem>>) target_semaphore(%arg20 : memref<!tpu.dma_semaphore, #tpu.memory_space<semaphore_mem>>)
        %dma_start3A_118 = tpu.memref_slice %arg4[%mul3A_115] : memref<335872xi32, #tpu.memory_space<hbm>> -> memref<128xi32, #tpu.memory_space<hbm>>
        %dma_start3A_119 = tpu.memref_slice %arg4[%mul3A_115] : memref<335872xi32, #tpu.memory_space<hbm>> -> memref<128xi32, #tpu.memory_space<hbm>>
        tpu.enqueue_dma source(%dma_start3A_119 : memref<128xi32, #tpu.memory_space<hbm>>) target(%arg11 : memref<128xi32, #tpu.memory_space<vmem>>) target_semaphore(%arg20 : memref<!tpu.dma_semaphore, #tpu.memory_space<semaphore_mem>>)
        %dma_start3A_120 = tpu.memref_slice %arg5[%mul3A_115] : memref<335872xf32, #tpu.memory_space<hbm>> -> memref<128xf32, #tpu.memory_space<hbm>>
        %dma_start3A_121 = tpu.memref_slice %arg5[%mul3A_115] : memref<335872xf32, #tpu.memory_space<hbm>> -> memref<128xf32, #tpu.memory_space<hbm>>
        tpu.enqueue_dma source(%dma_start3A_121 : memref<128xf32, #tpu.memory_space<hbm>>) target(%arg13 : memref<128xf32, #tpu.memory_space<vmem>>) target_semaphore(%arg20 : memref<!tpu.dma_semaphore, #tpu.memory_space<semaphore_mem>>)
        %dma_start3A_122 = tpu.memref_slice %arg6[%mul3A_115] : memref<335872xf32, #tpu.memory_space<hbm>> -> memref<128xf32, #tpu.memory_space<hbm>>
        %dma_start3A_123 = tpu.memref_slice %arg6[%mul3A_115] : memref<335872xf32, #tpu.memory_space<hbm>> -> memref<128xf32, #tpu.memory_space<hbm>>
        tpu.enqueue_dma source(%dma_start3A_123 : memref<128xf32, #tpu.memory_space<hbm>>) target(%arg14 : memref<128xf32, #tpu.memory_space<vmem>>) target_semaphore(%arg20 : memref<!tpu.dma_semaphore, #tpu.memory_space<semaphore_mem>>)
        %dma_wait3A_124 = arith.constant 0 : i32
        %dma_wait3A_125 = tpu.memref_slice %arg3[%dma_wait3A_124] : memref<335872xi32, #tpu.memory_space<hbm>> -> memref<128xi32, #tpu.memory_space<hbm>>
        %dma_wait3A_126 = arith.constant 0 : i32
        %dma_wait3A_127 = tpu.memref_slice %arg3[%dma_wait3A_126] : memref<335872xi32, #tpu.memory_space<hbm>> -> memref<128xi32, #tpu.memory_space<hbm>>
        tpu.wait_dma2 semaphore(%arg20 : memref<!tpu.dma_semaphore, #tpu.memory_space<semaphore_mem>>) src(%dma_wait3A_127 : memref<128xi32, #tpu.memory_space<hbm>>) dst(%arg9 : memref<128xi32, #tpu.memory_space<vmem>>)
        %dma_wait3A_128 = arith.constant 0 : i32
        %dma_wait3A_129 = tpu.memref_slice %arg4[%dma_wait3A_128] : memref<335872xi32, #tpu.memory_space<hbm>> -> memref<128xi32, #tpu.memory_space<hbm>>
        %dma_wait3A_130 = arith.constant 0 : i32
        %dma_wait3A_131 = tpu.memref_slice %arg4[%dma_wait3A_130] : memref<335872xi32, #tpu.memory_space<hbm>> -> memref<128xi32, #tpu.memory_space<hbm>>
        tpu.wait_dma2 semaphore(%arg20 : memref<!tpu.dma_semaphore, #tpu.memory_space<semaphore_mem>>) src(%dma_wait3A_131 : memref<128xi32, #tpu.memory_space<hbm>>) dst(%arg11 : memref<128xi32, #tpu.memory_space<vmem>>)
        %dma_wait3A_132 = arith.constant 0 : i32
        %dma_wait3A_133 = tpu.memref_slice %arg5[%dma_wait3A_132] : memref<335872xf32, #tpu.memory_space<hbm>> -> memref<128xf32, #tpu.memory_space<hbm>>
        %dma_wait3A_134 = arith.constant 0 : i32
        %dma_wait3A_135 = tpu.memref_slice %arg5[%dma_wait3A_134] : memref<335872xf32, #tpu.memory_space<hbm>> -> memref<128xf32, #tpu.memory_space<hbm>>
        tpu.wait_dma2 semaphore(%arg20 : memref<!tpu.dma_semaphore, #tpu.memory_space<semaphore_mem>>) src(%dma_wait3A_135 : memref<128xf32, #tpu.memory_space<hbm>>) dst(%arg13 : memref<128xf32, #tpu.memory_space<vmem>>)
        %dma_wait3A_136 = arith.constant 0 : i32
        %dma_wait3A_137 = tpu.memref_slice %arg6[%dma_wait3A_136] : memref<335872xf32, #tpu.memory_space<hbm>> -> memref<128xf32, #tpu.memory_space<hbm>>
        %dma_wait3A_138 = arith.constant 0 : i32
        %dma_wait3A_139 = tpu.memref_slice %arg6[%dma_wait3A_138] : memref<335872xf32, #tpu.memory_space<hbm>> -> memref<128xf32, #tpu.memory_space<hbm>>
        tpu.wait_dma2 semaphore(%arg20 : memref<!tpu.dma_semaphore, #tpu.memory_space<semaphore_mem>>) src(%dma_wait3A_139 : memref<128xf32, #tpu.memory_space<hbm>>) dst(%arg14 : memref<128xf32, #tpu.memory_space<vmem>>)
        %add3A_140 = arith.constant 2 : i32
        %add3A_141 = arith.addi %add3A_63, %add3A_140 : i32
        %mul3A_142 = arith.constant 128 : i32
        %mul3A_143 = arith.muli %add3A_141, %mul3A_142 : i32
        %lt3A_144 = arith.constant 330000 : i32
        %lt3A_145 = arith.cmpi slt, %mul3A_143, %lt3A_144 : i32
        %convert_element_type3A_146 = arith.extui %lt3A_145 : i1 to i32
        %cond3A_147 = arith.constant 0 : i32
        %cond3A_148 = arith.cmpi ne, %convert_element_type3A_146, %cond3A_147 : i32
        scf.if %cond3A_148 {
          %dma_start3A_149 = arith.constant 0 : i32
          %dma_start3A_150 = arith.constant 0 : i32
          %dma_start3A_151 = tpu.memref_slice %arg2[%dma_start3A_149, %dma_start3A_150] : memref<10000x128xf32, #tpu.memory_space<hbm>> -> memref<10000x128xf32, #tpu.memory_space<hbm>>
          tpu.enqueue_indirect_dma source(%dma_start3A_151 : memref<10000x128xf32, #tpu.memory_space<hbm>>) target(%arg17 : memref<128x128xf32, #tpu.memory_space<vmem>>) offsets(%arg9 : memref<128xi32, #tpu.memory_space<vmem>>) semaphore(%arg22 : memref<!tpu.dma_semaphore, #tpu.memory_space<semaphore_mem>>)
        } else {
        }
      } else {
      }
      %add3A_100 = arith.constant 1 : i32
      %add3A_101 = arith.addi %add3A_63, %add3A_100 : i32
      %mul3A_102 = arith.constant 128 : i32
      %mul3A_103 = arith.muli %add3A_101, %mul3A_102 : i32
      %lt3A_104 = arith.constant 330000 : i32
      %lt3A_105 = arith.cmpi slt, %mul3A_103, %lt3A_104 : i32
      %convert_element_type3A_106 = arith.extui %lt3A_105 : i1 to i32
      %cond3A_107 = arith.constant 0 : i32
      %cond3A_108 = arith.cmpi ne, %convert_element_type3A_106, %cond3A_107 : i32
      scf.if %cond3A_108 {
        %dma_wait3A_112 = arith.constant 0 : i32
        %dma_wait3A_113 = arith.constant 0 : i32
        %dma_wait3A_114 = tpu.memref_slice %arg2[%dma_wait3A_112, %dma_wait3A_113] : memref<10000x128xf32, #tpu.memory_space<hbm>> -> memref<10000x128xf32, #tpu.memory_space<hbm>>
        tpu.wait_indirect_dma semaphore(%arg23 : memref<!tpu.dma_semaphore, #tpu.memory_space<semaphore_mem>>) src(%dma_wait3A_114 : memref<10000x128xf32, #tpu.memory_space<hbm>>) dst(%arg18 : memref<128x128xf32, #tpu.memory_space<vmem>>)
        %scan3A_115 = arith.constant 0 : i32
        %scan3A_116 = arith.constant 0 : i32
        %scan3A_117 = arith.constant 128 : i32
        %scan3A_118 = arith.addi %scan3A_116, %scan3A_117 : i32
        %scan3A_119 = arith.constant 1 : i32
        scf.for %scan3A_121 = %scan3A_116 to %scan3A_118 step %scan3A_119  : i32 {
          %broadcast_in_dim3A = vector.broadcast %scan3A_121 : i32 to vector<16xi32>
          %gather3A = tpu.vector_load_idx %arg15[%broadcast_in_dim3A] : memref<128xf32, #tpu.memory_space<vmem>>[vector<16xi32>], vector<16xf32>,
          %gather3A_122 = tpu.vector_load_idx %arg16[%broadcast_in_dim3A] : memref<128xf32, #tpu.memory_space<vmem>>[vector<16xi32>], vector<16xf32>,
          %get3A = arith.index_cast %scan3A_121 : i32 to index
          %get3A_123 = arith.constant 0 : index
          %get3A_124 = tpu.vector_load %arg18[%get3A, %get3A_123] {strides = array<i32>} : memref<128x128xf32, #tpu.memory_space<vmem>>, vector<16xf32>,
          %mul3A_125 = arith.mulf %get3A_124, %gather3A : vector<16xf32>
          %swap3A = arith.index_cast %scan3A_121 : i32 to index
          %swap3A_126 = arith.constant 0 : index
          %swap3A_127 = tpu.vector_load %arg18[%swap3A, %swap3A_126] {strides = array<i32>} : memref<128x128xf32, #tpu.memory_space<vmem>>, vector<16xf32>,
          tpu.vector_store %arg18[%swap3A, %swap3A_126], %mul3A_125 {strides = array<i32>} : memref<128x128xf32, #tpu.memory_space<vmem>>, vector<16xf32>,
          %get3A_128 = arith.index_cast %scan3A_121 : i32 to index
          %get3A_129 = arith.constant 16 : index
          %get3A_130 = tpu.vector_load %arg18[%get3A_128, %get3A_129] {strides = array<i32>} : memref<128x128xf32, #tpu.memory_space<vmem>>, vector<16xf32>,
          %mul3A_131 = arith.mulf %get3A_130, %gather3A : vector<16xf32>
          %swap3A_132 = arith.index_cast %scan3A_121 : i32 to index
          %swap3A_133 = arith.constant 16 : index
          %swap3A_134 = tpu.vector_load %arg18[%swap3A_132, %swap3A_133] {strides = array<i32>} : memref<128x128xf32, #tpu.memory_space<vmem>>, vector<16xf32>,
          tpu.vector_store %arg18[%swap3A_132, %swap3A_133], %mul3A_131 {strides = array<i32>} : memref<128x128xf32, #tpu.memory_space<vmem>>, vector<16xf32>,
          %get3A_135 = arith.index_cast %scan3A_121 : i32 to index
          %get3A_136 = arith.constant 32 : index
          %get3A_137 = tpu.vector_load %arg18[%get3A_135, %get3A_136] {strides = array<i32>} : memref<128x128xf32, #tpu.memory_space<vmem>>, vector<16xf32>,
          %mul3A_138 = arith.mulf %get3A_137, %gather3A : vector<16xf32>
          %swap3A_139 = arith.index_cast %scan3A_121 : i32 to index
          %swap3A_140 = arith.constant 32 : index
          %swap3A_141 = tpu.vector_load %arg18[%swap3A_139, %swap3A_140] {strides = array<i32>} : memref<128x128xf32, #tpu.memory_space<vmem>>, vector<16xf32>,
          tpu.vector_store %arg18[%swap3A_139, %swap3A_140], %mul3A_138 {strides = array<i32>} : memref<128x128xf32, #tpu.memory_space<vmem>>, vector<16xf32>,
          %get3A_142 = arith.index_cast %scan3A_121 : i32 to index
          %get3A_143 = arith.constant 48 : index
          %get3A_144 = tpu.vector_load %arg18[%get3A_142, %get3A_143] {strides = array<i32>} : memref<128x128xf32, #tpu.memory_space<vmem>>, vector<16xf32>,
          %mul3A_145 = arith.mulf %get3A_144, %gather3A : vector<16xf32>
          %swap3A_146 = arith.index_cast %scan3A_121 : i32 to index
          %swap3A_147 = arith.constant 48 : index
          %swap3A_148 = tpu.vector_load %arg18[%swap3A_146, %swap3A_147] {strides = array<i32>} : memref<128x128xf32, #tpu.memory_space<vmem>>, vector<16xf32>,
          tpu.vector_store %arg18[%swap3A_146, %swap3A_147], %mul3A_145 {strides = array<i32>} : memref<128x128xf32, #tpu.memory_space<vmem>>, vector<16xf32>,
          %get3A_149 = arith.index_cast %scan3A_121 : i32 to index
          %get3A_150 = arith.constant 64 : index
          %get3A_151 = tpu.vector_load %arg18[%get3A_149, %get3A_150] {strides = array<i32>} : memref<128x128xf32, #tpu.memory_space<vmem>>, vector<16xf32>,
          %mul3A_152 = arith.mulf %get3A_151, %gather3A_122 : vector<16xf32>
          %swap3A_153 = arith.index_cast %scan3A_121 : i32 to index
          %swap3A_154 = arith.constant 64 : index
          %swap3A_155 = tpu.vector_load %arg18[%swap3A_153, %swap3A_154] {strides = array<i32>} : memref<128x128xf32, #tpu.memory_space<vmem>>, vector<16xf32>,
          tpu.vector_store %arg18[%swap3A_153, %swap3A_154], %mul3A_152 {strides = array<i32>} : memref<128x128xf32, #tpu.memory_space<vmem>>, vector<16xf32>,
          %get3A_156 = arith.index_cast %scan3A_121 : i32 to index
          %get3A_157 = arith.constant 80 : index
          %get3A_158 = tpu.vector_load %arg18[%get3A_156, %get3A_157] {strides = array<i32>} : memref<128x128xf32, #tpu.memory_space<vmem>>, vector<16xf32>,
          %mul3A_159 = arith.mulf %get3A_158, %gather3A_122 : vector<16xf32>
          %swap3A_160 = arith.index_cast %scan3A_121 : i32 to index
          %swap3A_161 = arith.constant 80 : index
          %swap3A_162 = tpu.vector_load %arg18[%swap3A_160, %swap3A_161] {strides = array<i32>} : memref<128x128xf32, #tpu.memory_space<vmem>>, vector<16xf32>,
          tpu.vector_store %arg18[%swap3A_160, %swap3A_161], %mul3A_159 {strides = array<i32>} : memref<128x128xf32, #tpu.memory_space<vmem>>, vector<16xf32>,
          %get3A_163 = arith.index_cast %scan3A_121 : i32 to index
          %get3A_164 = arith.constant 96 : index
          %get3A_165 = tpu.vector_load %arg18[%get3A_163, %get3A_164] {strides = array<i32>} : memref<128x128xf32, #tpu.memory_space<vmem>>, vector<16xf32>,
          %mul3A_166 = arith.mulf %get3A_165, %gather3A_122 : vector<16xf32>
          %swap3A_167 = arith.index_cast %scan3A_121 : i32 to index
          %swap3A_168 = arith.constant 96 : index
          %swap3A_169 = tpu.vector_load %arg18[%swap3A_167, %swap3A_168] {strides = array<i32>} : memref<128x128xf32, #tpu.memory_space<vmem>>, vector<16xf32>,
          tpu.vector_store %arg18[%swap3A_167, %swap3A_168], %mul3A_166 {strides = array<i32>} : memref<128x128xf32, #tpu.memory_space<vmem>>, vector<16xf32>,
          %get3A_170 = arith.index_cast %scan3A_121 : i32 to index
          %get3A_171 = arith.constant 112 : index
          %get3A_172 = tpu.vector_load %arg18[%get3A_170, %get3A_171] {strides = array<i32>} : memref<128x128xf32, #tpu.memory_space<vmem>>, vector<16xf32>,
          %mul3A_173 = arith.mulf %get3A_172, %gather3A_122 : vector<16xf32>
          %swap3A_174 = arith.index_cast %scan3A_121 : i32 to index
          %swap3A_175 = arith.constant 112 : index
          %swap3A_176 = tpu.vector_load %arg18[%swap3A_174, %swap3A_175] {strides = array<i32>} : memref<128x128xf32, #tpu.memory_space<vmem>>, vector<16xf32>,
          tpu.vector_store %arg18[%swap3A_174, %swap3A_175], %mul3A_173 {strides = array<i32>} : memref<128x128xf32, #tpu.memory_space<vmem>>, vector<16xf32>,
        }
        %scan3A_120 = arith.constant 128 : i32
        "tpu.region"() ({
          %run_scoped3A = tpu.sem_alloc : memref<!tpu.dma_semaphore, #tpu.memory_space<semaphore_mem>>
          %dma_start3A_121 = arith.constant 0 : i32
          %dma_start3A_122 = arith.constant 0 : i32
          %dma_start3A_123 = tpu.memref_slice %arg19[%dma_start3A_121, %dma_start3A_122] : memref<10000x128xf32, #tpu.memory_space<vmem_shared>> -> memref<10000x128xf32, #tpu.memory_space<vmem_shared>>
          tpu.enqueue_indirect_dma source(%arg18 : memref<128x128xf32, #tpu.memory_space<vmem>>) target(%dma_start3A_123 : memref<10000x128xf32, #tpu.memory_space<vmem_shared>>) offsets(%arg12 : memref<128xi32, #tpu.memory_space<vmem>>) semaphore(%run_scoped3A : memref<!tpu.dma_semaphore, #tpu.memory_space<semaphore_mem>>) {add = true}
          %dma_wait3A_124 = arith.constant 0 : i32
          %dma_wait3A_125 = arith.constant 0 : i32
          %dma_wait3A_126 = tpu.memref_slice %arg19[%dma_wait3A_124, %dma_wait3A_125] : memref<10000x128xf32, #tpu.memory_space<vmem_shared>> -> memref<10000x128xf32, #tpu.memory_space<vmem_shared>>
          tpu.wait_indirect_dma semaphore(%run_scoped3A : memref<!tpu.dma_semaphore, #tpu.memory_space<semaphore_mem>>) src(%arg18 : memref<128x128xf32, #tpu.memory_space<vmem>>) dst(%dma_wait3A_126 : memref<10000x128xf32, #tpu.memory_space<vmem_shared>>)
          tpu.yield
        }) : () -> ()
      } else {
      }
      %convert_element_type3A_109 = arith.extui %lt3A_64 : i1 to i32
      %cond3A_110 = arith.constant 0 : i32
      %cond3A_111 = arith.cmpi ne, %convert_element_type3A_109, %cond3A_110 : i32
      scf.if %cond3A_111 {
        %add3A_112 = arith.constant 3 : i32
        %add3A_113 = arith.addi %add3A_63, %add3A_112 : i32
        %mul3A_114 = arith.constant 128 : i32
        %mul3A_115 = arith.muli %add3A_113, %mul3A_114 : i32
        %dma_start3A_116 = tpu.memref_slice %arg3[%mul3A_115] : memref<335872xi32, #tpu.memory_space<hbm>> -> memref<128xi32, #tpu.memory_space<hbm>>
        %dma_start3A_117 = tpu.memref_slice %arg3[%mul3A_115] : memref<335872xi32, #tpu.memory_space<hbm>> -> memref<128xi32, #tpu.memory_space<hbm>>
        tpu.enqueue_dma source(%dma_start3A_117 : memref<128xi32, #tpu.memory_space<hbm>>) target(%arg10 : memref<128xi32, #tpu.memory_space<vmem>>) target_semaphore(%arg21 : memref<!tpu.dma_semaphore, #tpu.memory_space<semaphore_mem>>)
        %dma_start3A_118 = tpu.memref_slice %arg4[%mul3A_115] : memref<335872xi32, #tpu.memory_space<hbm>> -> memref<128xi32, #tpu.memory_space<hbm>>
        %dma_start3A_119 = tpu.memref_slice %arg4[%mul3A_115] : memref<335872xi32, #tpu.memory_space<hbm>> -> memref<128xi32, #tpu.memory_space<hbm>>
        tpu.enqueue_dma source(%dma_start3A_119 : memref<128xi32, #tpu.memory_space<hbm>>) target(%arg12 : memref<128xi32, #tpu.memory_space<vmem>>) target_semaphore(%arg21 : memref<!tpu.dma_semaphore, #tpu.memory_space<semaphore_mem>>)
        %dma_start3A_120 = tpu.memref_slice %arg5[%mul3A_115] : memref<335872xf32, #tpu.memory_space<hbm>> -> memref<128xf32, #tpu.memory_space<hbm>>
        %dma_start3A_121 = tpu.memref_slice %arg5[%mul3A_115] : memref<335872xf32, #tpu.memory_space<hbm>> -> memref<128xf32, #tpu.memory_space<hbm>>
        tpu.enqueue_dma source(%dma_start3A_121 : memref<128xf32, #tpu.memory_space<hbm>>) target(%arg15 : memref<128xf32, #tpu.memory_space<vmem>>) target_semaphore(%arg21 : memref<!tpu.dma_semaphore, #tpu.memory_space<semaphore_mem>>)
        %dma_start3A_122 = tpu.memref_slice %arg6[%mul3A_115] : memref<335872xf32, #tpu.memory_space<hbm>> -> memref<128xf32, #tpu.memory_space<hbm>>
        %dma_start3A_123 = tpu.memref_slice %arg6[%mul3A_115] : memref<335872xf32, #tpu.memory_space<hbm>> -> memref<128xf32, #tpu.memory_space<hbm>>
        tpu.enqueue_dma source(%dma_start3A_123 : memref<128xf32, #tpu.memory_space<hbm>>) target(%arg16 : memref<128xf32, #tpu.memory_space<vmem>>) target_semaphore(%arg21 : memref<!tpu.dma_semaphore, #tpu.memory_space<semaphore_mem>>)
      } else {
      }
    }
    %scan3A_50 = arith.constant 41 : i32
    %barrier3A_51 = arith.constant 0 : index
    tpu.barrier barrier_id(%barrier3A_51)
    %mul3A_52 = arith.constant 10000 : i32
    %mul3A_53 = arith.muli %arg0, %mul3A_52 : i32
    %add3A_54 = arith.addi %mul3A_53, %mul3A_2 : i32
    "tpu.region"() ({
      %run_scoped3A = tpu.sem_alloc : memref<!tpu.dma_semaphore, #tpu.memory_space<semaphore_mem>>
      %dma_start3A_60 = arith.constant 0 : i32
      %dma_start3A_61 = tpu.memref_slice %arg8[%add3A_54, %dma_start3A_60] : memref<20000x128xf32, #tpu.memory_space<hbm>> -> memref<624x128xf32, #tpu.memory_space<hbm>>
      %dma_start3A_62 = arith.constant 0 : i32
      %dma_start3A_63 = tpu.memref_slice %arg19[%mul3A_2, %dma_start3A_62] : memref<10000x128xf32, #tpu.memory_space<vmem_shared>> -> memref<624x128xf32, #tpu.memory_space<vmem_shared>>
      tpu.enqueue_dma source(%dma_start3A_63 : memref<624x128xf32, #tpu.memory_space<vmem_shared>>) target(%dma_start3A_61 : memref<624x128xf32, #tpu.memory_space<hbm>>) target_semaphore(%run_scoped3A : memref<!tpu.dma_semaphore, #tpu.memory_space<semaphore_mem>>)
      %dma_wait3A_64 = arith.constant 0 : i32
      %dma_wait3A_65 = tpu.memref_slice %arg8[%add3A_54, %dma_wait3A_64] : memref<20000x128xf32, #tpu.memory_space<hbm>> -> memref<624x128xf32, #tpu.memory_space<hbm>>
      %dma_wait3A_66 = arith.constant 0 : i32
      %dma_wait3A_67 = tpu.memref_slice %arg19[%mul3A_2, %dma_wait3A_66] : memref<10000x128xf32, #tpu.memory_space<vmem_shared>> -> memref<624x128xf32, #tpu.memory_space<vmem_shared>>
      tpu.wait_dma2 semaphore(%run_scoped3A : memref<!tpu.dma_semaphore, #tpu.memory_space<semaphore_mem>>) src(%dma_wait3A_67 : memref<624x128xf32, #tpu.memory_space<vmem_shared>>) dst(%dma_wait3A_65 : memref<624x128xf32, #tpu.memory_space<hbm>>)
      tpu.yield
    }) : () -> ()
    %eq3A_55 = arith.constant 15 : i32
    %eq3A_56 = arith.cmpi eq, %arg1, %eq3A_55 : i32
    %convert_element_type3A_57 = arith.extui %eq3A_56 : i1 to i32
    %cond3A_58 = arith.constant 0 : i32
    %cond3A_59 = arith.cmpi ne, %convert_element_type3A_57, %cond3A_58 : i32
    scf.if %cond3A_59 {
      %mul3A_60 = arith.constant 10000 : i32
      %mul3A_61 = arith.muli %arg0, %mul3A_60 : i32
      %add3A_62 = arith.constant 9984 : i32
      %add3A_63 = arith.addi %mul3A_61, %add3A_62 : i32
      "tpu.region"() ({
        %run_scoped3A = tpu.sem_alloc : memref<!tpu.dma_semaphore, #tpu.memory_space<semaphore_mem>>
        %dma_start3A_64 = arith.constant 0 : i32
        %dma_start3A_65 = tpu.memref_slice %arg8[%add3A_63, %dma_start3A_64] : memref<20000x128xf32, #tpu.memory_space<hbm>> -> memref<16x128xf32, #tpu.memory_space<hbm>>
        %dma_start3A_66 = arith.constant 9984 : i32
        %dma_start3A_67 = arith.constant 0 : i32
        %dma_start3A_68 = tpu.memref_slice %arg19[%dma_start3A_66, %dma_start3A_67] : memref<10000x128xf32, #tpu.memory_space<vmem_shared>> -> memref<16x128xf32, #tpu.memory_space<vmem_shared>>
        tpu.enqueue_dma source(%dma_start3A_68 : memref<16x128xf32, #tpu.memory_space<vmem_shared>>) target(%dma_start3A_65 : memref<16x128xf32, #tpu.memory_space<hbm>>) target_semaphore(%run_scoped3A : memref<!tpu.dma_semaphore, #tpu.memory_space<semaphore_mem>>)
        %dma_wait3A_69 = arith.constant 0 : i32
        %dma_wait3A_70 = tpu.memref_slice %arg8[%add3A_63, %dma_wait3A_69] : memref<20000x128xf32, #tpu.memory_space<hbm>> -> memref<16x128xf32, #tpu.memory_space<hbm>>
        %dma_wait3A_71 = arith.constant 9984 : i32
        %dma_wait3A_72 = arith.constant 0 : i32
        %dma_wait3A_73 = tpu.memref_slice %arg19[%dma_wait3A_71, %dma_wait3A_72] : memref<10000x128xf32, #tpu.memory_space<vmem_shared>> -> memref<16x128xf32, #tpu.memory_space<vmem_shared>>
        tpu.wait_dma2 semaphore(%run_scoped3A : memref<!tpu.dma_semaphore, #tpu.memory_space<semaphore_mem>>) src(%dma_wait3A_73 : memref<16x128xf32, #tpu.memory_space<vmem_shared>>) dst(%dma_wait3A_70 : memref<16x128xf32, #tpu.memory_space<hbm>>)
        tpu.yield
      }) : () -> ()
    } else {
    }
    return
  }
}

module attributes {stable_mosaic.version = 14 : i64} {
  func.func @_prologue_body(%arg0: i32, %arg1: memref<1000x128xf32, #tpu.memory_space<vmem>>, %arg2: memref<128x128xf32, #tpu.memory_space<vmem>>, %arg3: memref<1x128xf32, #tpu.memory_space<vmem>>, %arg4: memref<1x128xf32, #tpu.memory_space<vmem>>, %arg5: memref<1000x128xf32, #tpu.memory_space<vmem>>, %arg6: memref<1000x2xf32, #tpu.memory_space<vmem>>, %arg7: memref<1000x2xf32, #tpu.memory_space<vmem>>, %arg8: memref<2x16xf32, #tpu.memory_space<vmem>>) attributes {dimension_semantics = [#tpu.dimension_semantics<arbitrary>], iteration_bounds = array<i64: 10>, scalar_prefetch = 0 : i64, scratch_operands = 0 : i64, tpu.core_type = #tpu.core_type<tc>, window_params = [{transform_indices = @transform_0, window_bounds = array<i64: 1000, 128>}, {pipeline_mode = #tpu.pipeline_mode<synchronous>, transform_indices = @transform_1, window_bounds = array<i64: 128, 128>}, {pipeline_mode = #tpu.pipeline_mode<synchronous>, transform_indices = @transform_2, window_bounds = array<i64: 1, 128>}, {pipeline_mode = #tpu.pipeline_mode<synchronous>, transform_indices = @transform_3, window_bounds = array<i64: 1, 128>}, {transform_indices = @transform_4, window_bounds = array<i64: 1000, 128>}, {transform_indices = @transform_5, window_bounds = array<i64: 1000, 2>}, {transform_indices = @transform_6, window_bounds = array<i64: 1000, 2>}, {pipeline_mode = #tpu.pipeline_mode<synchronous>, transform_indices = @transform_7, window_bounds = array<i64: 2, 16>}]} {
    %get3A = arith.constant 0 : index
    %get3A_0 = arith.constant 0 : index
    %get3A_1 = vector.load %arg1[%get3A, %get3A_0] : memref<1000x128xf32, #tpu.memory_space<vmem>>, vector<1000x128xf32>
    %gt3A = arith.constant 0.000000e+00 : f32
    %gt3A_2 = vector.broadcast %gt3A : f32 to vector<1000x128xf32>
    %gt3A_3 = arith.cmpf ogt, %get3A_1, %gt3A_2 : vector<1000x128xf32>
    %exp3A = math.exp %get3A_1 : vector<1000x128xf32>
    %sub3A = arith.constant 1.000000e+00 : f32
    %sub3A_4 = vector.broadcast %sub3A : f32 to vector<1000x128xf32>
    %sub3A_5 = arith.subf %exp3A, %sub3A_4 : vector<1000x128xf32>
    %select_n3A = arith.select %gt3A_3, %get3A_1, %sub3A_5 : vector<1000x128xi1>, vector<1000x128xf32>
    %get3A_6 = arith.constant 0 : index
    %get3A_7 = arith.constant 0 : index
    %get3A_8 = vector.load %arg2[%get3A_6, %get3A_7] : memref<128x128xf32, #tpu.memory_space<vmem>>, vector<128x128xf32>
    %dot_general3A = arith.constant dense<0.000000e+00> : vector<1000x128xf32>
    %dot_general3A_9 = tpu.matmul %select_n3A, %get3A_8, %dot_general3A {dimension_numbers = #tpu.dot_dimension_numbers<[1], [0], [0], [1], [0, 0, 1, 1], [], []>, transpose_lhs_hint = false} : vector<1000x128xf32>, vector<128x128xf32>, vector<1000x128xf32> -> vector<1000x128xf32>
    %swap3A = arith.constant 0 : index
    %swap3A_10 = arith.constant 0 : index
    %swap3A_11 = vector.load %arg5[%swap3A, %swap3A_10] : memref<1000x128xf32, #tpu.memory_space<vmem>>, vector<1000x128xf32>
    tpu.vector_store %arg5[%swap3A, %swap3A_10], %dot_general3A_9 {strides = array<i32>} : memref<1000x128xf32, #tpu.memory_space<vmem>>, vector<1000x128xf32>,
    %get3A_12 = arith.constant 0 : index
    %get3A_13 = arith.constant 0 : index
    %get3A_14 = vector.load %arg3[%get3A_12, %get3A_13] : memref<1x128xf32, #tpu.memory_space<vmem>>, vector<1x128xf32>
    %mul3A = vector.broadcast %get3A_14 : vector<1x128xf32> to vector<1000x128xf32>
    %mul3A_15 = arith.mulf %dot_general3A_9, %mul3A : vector<1000x128xf32>
    %get3A_16 = arith.constant 0 : index
    %get3A_17 = arith.constant 0 : index
    %get3A_18 = vector.load %arg4[%get3A_16, %get3A_17] : memref<1x128xf32, #tpu.memory_space<vmem>>, vector<1x128xf32>
    %mul3A_19 = vector.broadcast %get3A_18 : vector<1x128xf32> to vector<1000x128xf32>
    %mul3A_20 = arith.mulf %dot_general3A_9, %mul3A_19 : vector<1000x128xf32>
    %slice3A = vector.extract_strided_slice %mul3A_15 {offsets = [0, 0], sizes = [1000, 64], strides = [1, 1]} : vector<1000x128xf32> to vector<1000x64xf32>
    %reduce_sum3A = arith.constant dense<0.000000e+00> : vector<1000xf32>
    %reduce_sum3A_21 = vector.multi_reduction <add>, %slice3A, %reduce_sum3A [1] : vector<1000x64xf32> to vector<1000xf32>
    %broadcast_in_dim3A = vector.shape_cast %reduce_sum3A_21 : vector<1000xf32> to vector<1000x1xf32>
    %slice3A_22 = vector.extract_strided_slice %mul3A_15 {offsets = [0, 64], sizes = [1000, 64], strides = [1, 1]} : vector<1000x128xf32> to vector<1000x64xf32>
    %reduce_sum3A_23 = arith.constant dense<0.000000e+00> : vector<1000xf32>
    %reduce_sum3A_24 = vector.multi_reduction <add>, %slice3A_22, %reduce_sum3A_23 [1] : vector<1000x64xf32> to vector<1000xf32>
    %broadcast_in_dim3A_25 = vector.shape_cast %reduce_sum3A_24 : vector<1000xf32> to vector<1000x1xf32>
    %slice3A_26 = vector.extract_strided_slice %mul3A_20 {offsets = [0, 0], sizes = [1000, 64], strides = [1, 1]} : vector<1000x128xf32> to vector<1000x64xf32>
    %reduce_sum3A_27 = arith.constant dense<0.000000e+00> : vector<1000xf32>
    %reduce_sum3A_28 = vector.multi_reduction <add>, %slice3A_26, %reduce_sum3A_27 [1] : vector<1000x64xf32> to vector<1000xf32>
    %broadcast_in_dim3A_29 = vector.shape_cast %reduce_sum3A_28 : vector<1000xf32> to vector<1000x1xf32>
    %slice3A_30 = vector.extract_strided_slice %mul3A_20 {offsets = [0, 64], sizes = [1000, 64], strides = [1, 1]} : vector<1000x128xf32> to vector<1000x64xf32>
    %reduce_sum3A_31 = arith.constant dense<0.000000e+00> : vector<1000xf32>
    %reduce_sum3A_32 = vector.multi_reduction <add>, %slice3A_30, %reduce_sum3A_31 [1] : vector<1000x64xf32> to vector<1000xf32>
    %broadcast_in_dim3A_33 = vector.shape_cast %reduce_sum3A_32 : vector<1000xf32> to vector<1000x1xf32>
    %concatenate3A = tpu.concatenate %broadcast_in_dim3A, %broadcast_in_dim3A_25 in 1 : vector<1000x1xf32>, vector<1000x1xf32> -> vector<1000x2xf32>
    %swap3A_34 = arith.constant 0 : index
    %swap3A_35 = arith.constant 0 : index
    %swap3A_36 = vector.load %arg6[%swap3A_34, %swap3A_35] : memref<1000x2xf32, #tpu.memory_space<vmem>>, vector<1000x2xf32>
    tpu.vector_store %arg6[%swap3A_34, %swap3A_35], %concatenate3A {strides = array<i32>} : memref<1000x2xf32, #tpu.memory_space<vmem>>, vector<1000x2xf32>,
    %concatenate3A_37 = tpu.concatenate %broadcast_in_dim3A_29, %broadcast_in_dim3A_33 in 1 : vector<1000x1xf32>, vector<1000x1xf32> -> vector<1000x2xf32>
    %swap3A_38 = arith.constant 0 : index
    %swap3A_39 = arith.constant 0 : index
    %swap3A_40 = vector.load %arg7[%swap3A_38, %swap3A_39] : memref<1000x2xf32, #tpu.memory_space<vmem>>, vector<1000x2xf32>
    tpu.vector_store %arg7[%swap3A_38, %swap3A_39], %concatenate3A_37 {strides = array<i32>} : memref<1000x2xf32, #tpu.memory_space<vmem>>, vector<1000x2xf32>,
    %eq3A = arith.constant 0 : i32
    %eq3A_41 = arith.cmpi eq, %arg0, %eq3A : i32
    %convert_element_type3A = arith.extui %eq3A_41 : i1 to i32
    %cond3A = arith.constant 0 : i32
    %cond3A_42 = arith.cmpi ne, %convert_element_type3A, %cond3A : i32
    scf.if %cond3A_42 {
      %broadcast_in_dim3A_61 = arith.constant -1.000000e+30 : f32
      %broadcast_in_dim3A_62 = vector.broadcast %broadcast_in_dim3A_61 : f32 to vector<2x16xf32>
      %swap3A_63 = arith.constant 0 : index
      %swap3A_64 = arith.constant 0 : index
      %swap3A_65 = vector.load %arg8[%swap3A_63, %swap3A_64] : memref<2x16xf32, #tpu.memory_space<vmem>>, vector<2x16xf32>
      tpu.vector_store %arg8[%swap3A_63, %swap3A_64], %broadcast_in_dim3A_62 {strides = array<i32>} : memref<2x16xf32, #tpu.memory_space<vmem>>, vector<2x16xf32>,
    } else {
    }
    %reduce_max3A = vector.shape_cast %broadcast_in_dim3A : vector<1000x1xf32> to vector<1x1000x1xf32>
    %reduce_max3A_43 = arith.constant dense<0xFF800000> : vector<1xf32>
    %reduce_max3A_44 = vector.multi_reduction <maximumf>, %reduce_max3A, %reduce_max3A_43 [1, 2] : vector<1x1000x1xf32> to vector<1xf32>
    %reduce_max3A_45 = vector.shape_cast %reduce_max3A_44 : vector<1xf32> to vector<1x1x1xf32>
    %reduce_max3A_46 = vector.extract %reduce_max3A_45[0, 0, 0] : f32 from vector<1x1x1xf32>
    %broadcast_in_dim3A_47 = vector.broadcast %reduce_max3A_46 : f32 to vector<1x16xf32>
    %reduce_max3A_48 = vector.shape_cast %broadcast_in_dim3A_25 : vector<1000x1xf32> to vector<1x1000x1xf32>
    %reduce_max3A_49 = arith.constant dense<0xFF800000> : vector<1xf32>
    %reduce_max3A_50 = vector.multi_reduction <maximumf>, %reduce_max3A_48, %reduce_max3A_49 [1, 2] : vector<1x1000x1xf32> to vector<1xf32>
    %reduce_max3A_51 = vector.shape_cast %reduce_max3A_50 : vector<1xf32> to vector<1x1x1xf32>
    %reduce_max3A_52 = vector.extract %reduce_max3A_51[0, 0, 0] : f32 from vector<1x1x1xf32>
    %broadcast_in_dim3A_53 = vector.broadcast %reduce_max3A_52 : f32 to vector<1x16xf32>
    %concatenate3A_54 = tpu.concatenate %broadcast_in_dim3A_47, %broadcast_in_dim3A_53 in 0 : vector<1x16xf32>, vector<1x16xf32> -> vector<2x16xf32>
    %get3A_55 = arith.constant 0 : index
    %get3A_56 = arith.constant 0 : index
    %get3A_57 = vector.load %arg8[%get3A_55, %get3A_56] : memref<2x16xf32, #tpu.memory_space<vmem>>, vector<2x16xf32>
    %max3A = arith.maximumf %get3A_57, %concatenate3A_54 : vector<2x16xf32>
    %swap3A_58 = arith.constant 0 : index
    %swap3A_59 = arith.constant 0 : index
    %swap3A_60 = vector.load %arg8[%swap3A_58, %swap3A_59] : memref<2x16xf32, #tpu.memory_space<vmem>>, vector<2x16xf32>
    tpu.vector_store %arg8[%swap3A_58, %swap3A_59], %max3A {strides = array<i32>} : memref<2x16xf32, #tpu.memory_space<vmem>>, vector<2x16xf32>,
    return
  }
  func.func @transform_0(%arg0: i32) -> (i32, i32) {
    %c0_i32 = arith.constant 0 : i32
    %c0_i32_0 = arith.constant 0 : i32
    return %arg0, %c0_i32 : i32, i32
  }
  func.func @transform_1(%arg0: i32) -> (i32, i32) {
    %c0_i32 = arith.constant 0 : i32
    %c0_i32_0 = arith.constant 0 : i32
    %c0_i32_1 = arith.constant 0 : i32
    return %c0_i32, %c0_i32_0 : i32, i32
  }
  func.func @transform_2(%arg0: i32) -> (i32, i32) {
    %c0_i32 = arith.constant 0 : i32
    %c0_i32_0 = arith.constant 0 : i32
    %c0_i32_1 = arith.constant 0 : i32
    return %c0_i32, %c0_i32_0 : i32, i32
  }
  func.func @transform_3(%arg0: i32) -> (i32, i32) {
    %c0_i32 = arith.constant 0 : i32
    %c0_i32_0 = arith.constant 0 : i32
    %c0_i32_1 = arith.constant 0 : i32
    return %c0_i32, %c0_i32_0 : i32, i32
  }
  func.func @transform_4(%arg0: i32) -> (i32, i32) {
    %c0_i32 = arith.constant 0 : i32
    %c0_i32_0 = arith.constant 0 : i32
    return %arg0, %c0_i32 : i32, i32
  }
  func.func @transform_5(%arg0: i32) -> (i32, i32) {
    %c0_i32 = arith.constant 0 : i32
    %c0_i32_0 = arith.constant 0 : i32
    return %arg0, %c0_i32 : i32, i32
  }
  func.func @transform_6(%arg0: i32) -> (i32, i32) {
    %c0_i32 = arith.constant 0 : i32
    %c0_i32_0 = arith.constant 0 : i32
    return %arg0, %c0_i32 : i32, i32
  }
  func.func @transform_7(%arg0: i32) -> (i32, i32) {
    %c0_i32 = arith.constant 0 : i32
    %c0_i32_0 = arith.constant 0 : i32
    %c0_i32_1 = arith.constant 0 : i32
    return %c0_i32, %c0_i32_0 : i32, i32
  }
}

module attributes {stable_mosaic.version = 14 : i64} {
  func.func @_finalize_body(%arg0: i32, %arg1: memref<1000x128xf32, #tpu.memory_space<vmem>>, %arg2: memref<1000x128xf32, #tpu.memory_space<vmem>>, %arg3: memref<1000x2xf32, #tpu.memory_space<vmem>>, %arg4: memref<1000x2xf32, #tpu.memory_space<vmem>>, %arg5: memref<1x128xf32, #tpu.memory_space<vmem>>, %arg6: memref<1000x128xf32, #tpu.memory_space<vmem>>) attributes {dimension_semantics = [#tpu.dimension_semantics<arbitrary>], iteration_bounds = array<i64: 10>, scalar_prefetch = 0 : i64, scratch_operands = 0 : i64, tpu.core_type = #tpu.core_type<tc>, window_params = [{transform_indices = @transform_0, window_bounds = array<i64: 1000, 128>}, {transform_indices = @transform_1, window_bounds = array<i64: 1000, 128>}, {transform_indices = @transform_2, window_bounds = array<i64: 1000, 2>}, {transform_indices = @transform_3, window_bounds = array<i64: 1000, 2>}, {pipeline_mode = #tpu.pipeline_mode<synchronous>, transform_indices = @transform_4, window_bounds = array<i64: 1, 128>}, {transform_indices = @transform_5, window_bounds = array<i64: 1000, 128>}]} {
    %get3A = arith.constant 0 : index
    %get3A_0 = arith.constant 0 : index
    %get3A_1 = vector.load %arg3[%get3A, %get3A_0] : memref<1000x2xf32, #tpu.memory_space<vmem>>, vector<1000x2xf32>
    %get3A_2 = arith.constant 0 : index
    %get3A_3 = arith.constant 0 : index
    %get3A_4 = vector.load %arg4[%get3A_2, %get3A_3] : memref<1000x2xf32, #tpu.memory_space<vmem>>, vector<1000x2xf32>
    %add3A = arith.addf %get3A_1, %get3A_4 : vector<1000x2xf32>
    %get3A_5 = arith.constant 0 : index
    %get3A_6 = arith.constant 0 : index
    %get3A_7 = vector.load %arg1[%get3A_5, %get3A_6] : memref<1000x128xf32, #tpu.memory_space<vmem>>, vector<1000x128xf32>
    %get3A_8 = arith.constant 0 : index
    %get3A_9 = arith.constant 0 : index
    %get3A_10 = vector.load %arg2[%get3A_8, %get3A_9] : memref<1000x128xf32, #tpu.memory_space<vmem>>, vector<1000x128xf32>
    %add3A_11 = arith.addf %get3A_7, %get3A_10 : vector<1000x128xf32>
    %iota3A = tpu.iota {dimensions = array<i32: 1>} : vector<1000x128xi32>
    %slice3A = vector.extract_strided_slice %add3A {offsets = [0, 0], sizes = [1000, 1], strides = [1, 1]} : vector<1000x2xf32> to vector<1000x1xf32>
    %broadcast_in_dim3A = vector.shape_cast %slice3A : vector<1000x1xf32> to vector<1000x1xf32>
    %broadcast_in_dim3A_12 = vector.broadcast %broadcast_in_dim3A : vector<1000x1xf32> to vector<1000x128xf32>
    %slice3A_13 = vector.extract_strided_slice %add3A {offsets = [0, 1], sizes = [1000, 1], strides = [1, 1]} : vector<1000x2xf32> to vector<1000x1xf32>
    %broadcast_in_dim3A_14 = vector.shape_cast %slice3A_13 : vector<1000x1xf32> to vector<1000x1xf32>
    %broadcast_in_dim3A_15 = vector.broadcast %broadcast_in_dim3A_14 : vector<1000x1xf32> to vector<1000x128xf32>
    %lt3A = arith.constant 64 : i32
    %lt3A_16 = vector.broadcast %lt3A : i32 to vector<1000x128xi32>
    %lt3A_17 = arith.cmpi slt, %iota3A, %lt3A_16 : vector<1000x128xi32>
    %select_n3A = arith.select %lt3A_17, %broadcast_in_dim3A_12, %broadcast_in_dim3A_15 : vector<1000x128xi1>, vector<1000x128xf32>
    %add3A_18 = arith.constant 1.000000e-16 : f32
    %add3A_19 = vector.broadcast %add3A_18 : f32 to vector<1000x128xf32>
    %add3A_20 = arith.addf %select_n3A, %add3A_19 : vector<1000x128xf32>
    %div3A = arith.divf %add3A_11, %add3A_20 : vector<1000x128xf32>
    %get3A_21 = arith.constant 0 : index
    %get3A_22 = arith.constant 0 : index
    %get3A_23 = vector.load %arg5[%get3A_21, %get3A_22] : memref<1x128xf32, #tpu.memory_space<vmem>>, vector<1x128xf32>
    %add3A_24 = vector.broadcast %get3A_23 : vector<1x128xf32> to vector<1000x128xf32>
    %add3A_25 = arith.addf %div3A, %add3A_24 : vector<1000x128xf32>
    %swap3A = arith.constant 0 : index
    %swap3A_26 = arith.constant 0 : index
    %swap3A_27 = vector.load %arg6[%swap3A, %swap3A_26] : memref<1000x128xf32, #tpu.memory_space<vmem>>, vector<1000x128xf32>
    tpu.vector_store %arg6[%swap3A, %swap3A_26], %add3A_25 {strides = array<i32>} : memref<1000x128xf32, #tpu.memory_space<vmem>>, vector<1000x128xf32>,
    return
  }
  func.func @transform_0(%arg0: i32) -> (i32, i32) {
    %c0_i32 = arith.constant 0 : i32
    %c0_i32_0 = arith.constant 0 : i32
    return %arg0, %c0_i32 : i32, i32
  }
  func.func @transform_1(%arg0: i32) -> (i32, i32) {
    %add3A = arith.constant 10 : i32
    %add3A_0 = arith.addi %arg0, %add3A : i32
    %c0_i32 = arith.constant 0 : i32
    %c0_i32_1 = arith.constant 0 : i32
    return %add3A_0, %c0_i32 : i32, i32
  }
  func.func @transform_2(%arg0: i32) -> (i32, i32) {
    %c0_i32 = arith.constant 0 : i32
    %c0_i32_0 = arith.constant 0 : i32
    return %arg0, %c0_i32 : i32, i32
  }
  func.func @transform_3(%arg0: i32) -> (i32, i32) {
    %add3A = arith.constant 10 : i32
    %add3A_0 = arith.addi %arg0, %add3A : i32
    %c0_i32 = arith.constant 0 : i32
    %c0_i32_1 = arith.constant 0 : i32
    return %add3A_0, %c0_i32 : i32, i32
  }
  func.func @transform_4(%arg0: i32) -> (i32, i32) {
    %c0_i32 = arith.constant 0 : i32
    %c0_i32_0 = arith.constant 0 : i32
    %c0_i32_1 = arith.constant 0 : i32
    return %c0_i32, %c0_i32_0 : i32, i32
  }
  func.func @transform_5(%arg0: i32) -> (i32, i32) {
    %c0_i32 = arith.constant 0 : i32
    %c0_i32_0 = arith.constant 0 : i32
    return %arg0, %c0_i32 : i32, i32
  }
}

</mosaic_0001>

<sc_bundles>
// kernel: kernel.6.cloned.1.call-start
scs
__scs_entry_jumppad:
0x0: {  	(pc) =	sbr.rel $0x88, $3  }
0x1: {  	(tag) =	ssettag $0x0;
	lr =	simm.s32 $0x1  }
0x2: {  	[smem:$0x3F9B] =	sst lr;
	_ =	strace $0xD0000000  }
0x3: {  	_ = 	snop  }
0x4: {  	_ = 	snop  }
0x5: {  	_ = 	snop  }
0x6: {  	_ = 	snop  }
0x7: {  	_ = 	snop  }
__scs_overlays_trampoline_lowered:
0x8: {  	[smem:$0x3FAA] =	sst s0  }
0x9: {  	[smem:$0x3FAB] =	sst s1  }
0xa: {  	[smem:$0x3FAC] =	sst s2  }
0xb: {  	[smem:$0x3FAD] =	sst s3  }
0xc: {  	[smem:$0x3FAE] =	sst s4  }
0xd: {  	[smem:$0x3FAF] =	sst s5  }
0xe: {  	[smem:$0x3FB0] =	sst s6  }
0xf: {  	[smem:$0x3FB1] =	sst s7  }
0x10: {  	[smem:$0x3FB2] =	sst s8  }
0x11: {  	[smem:$0x3FB3] =	sst s9;
	s0 =	simm.s32 @!p0 $0x0  }
0x12: {  	s1 =	sld [smem:$0x3F99];
	s0 =	simm.s32 @p0 $0x1  }
0x13: {  	[smem:$0x3FB4] =	sst s0;
	s0 =	simm.s32 @!p1 $0x0  }
0x14: {  	s2 =	sld [smem:$0x3F98];
	s0 =	simm.s32 @p1 $0x1  }
0x15: {  	[smem:$0x3FB5] =	sst s0;
	s0 =	simm.s32 @!p2 $0x0  }
0x16: {  	s3 =	sld [smem:$0x3FDB];
	s0 =	simm.s32 @p2 $0x1  }
0x17: {  	s4 =	simm.s32 $0x1BF5;
	[smem:$0x3FB7] =	sst s0  }
0x18: {  	s0 =	sld [smem:$0x3F9A];
	_ =	swait.ge [sflag:s4], $0x0  }
0x19: {  	s7 =	sld [smem:$0x3F9B]  }
0x1a: {  	s8 =	sadd.s32 $0xFFFFE003, lr  }
0x1b: {  	s9 =	sadd.s32 $0xFFFFFEF7, lr;
	s5 =	simm.s32 $0xFFFFFFFF;
	p2 =	slt.u32 s8, $0xFFFFF086  }
0x1c: {  	p1 =	slt.u32 s9, $0xF7A;
	s5 =	simm.s32 @!p2 $0x0  }
0x1d: {  	s5 =	simm.s32 @p1 $0x1;
	p0 =	seq.s32 s7, s2  }
0x1e: {  	s7 =	smul.u32 @!p0 $0xF7A, s2;
	p2 =	seq.s32 @!p0 s5, $0x0  }
0x1f: {  	s9 =	smul.u32 $0xF7A, s1;
	s8 =	simm.s32 @!p0 $0x1BF5;
	p2 =	por !p2, p0  }
0x20: {  	[sflag:s8] =	ssyncset.s32 @!p0 $0xFFFFF086;
	s6 =	sadd.s32 @!p0 s3, s7;
	s7 =	simm.s32 @!p0 $0x108  }
0x21: {  	s3 =	sadd.s32 s3, s9;
	s6 =	sadd.s32 @!p0 $0x88, s6;
	s7 =	simm.s32 @p2 $0x1082  }
0x22: {  	[simem:s7], [sflag:s8] =	dma.local @!p0 [hbm:s6], $0xF7A  }
0x23: {  	s9 =	sor.u32 $0xD0000000, s2;
	s6 =	simm.s32 $0x108;
	_ =	swait.ge @!p0 [sflag:s8], $0x0  }
0x24: {  	s3 =	sadd.s32 $0x88, s3;
	s6 =	simm.s32 @!p1 $0x1082;
	[sflag:s4] =	ssyncset.s32 $0xFFFFF086  }
0x25: {  	[simem:s6], [sflag:s4] =	dma.local [hbm:s3], $0xF7A  }
0x26: {  	[smem:$0x3F9B] =	sst s1;
	(tag) =	ssettag s2;
	_ =	strace s9  }
0x27: {  	s1 =	sld [smem:$0x3FAB]  }
0x28: {  	s2 =	sld [smem:$0x3FAC]  }
0x29: {  	s4 =	sld [smem:$0x3FAE]  }
0x2a: {  	p0 =	seq.s32 s5, $0x0;
	s5 =	sld [smem:$0x3FAF]  }
0x2b: {  	s6 =	sld [smem:$0x3FB0]  }
0x2c: {  	s7 =	sld [smem:$0x3FB1]  }
0x2d: {  	s3 =	simm.s32 $0x108;
	s8 =	sld [smem:$0x3FB2]  }
0x2e: {  	s3 =	simm.s32 @!p0 $0x1082;
	s9 =	sld [smem:$0x3FB3]  }
0x2f: {  	lr =	sadd.s32 s0, s3;
	s0 =	sld [smem:$0x3FAA]  }
0x30: {  	s3 =	sld [smem:$0x3FAD]  }
0x31: {  	[smem:$0x3FB6] =	sst s10  }
0x32: {  	s10 =	sld [smem:$0x3FB4];
	_ =	sdelay $0x3  }
0x33: {  	p0 =	seq.s32 s10, $0x1;
	s10 =	sld [smem:$0x3FB6];
	_ =	sdelay $0x3  }
0x34: {  	[smem:$0x3FB6] =	sst s10  }
0x35: {  	s10 =	sld [smem:$0x3FB5];
	_ =	sdelay $0x3  }
0x36: {  	p1 =	seq.s32 s10, $0x1;
	s10 =	sld [smem:$0x3FB6];
	_ =	sdelay $0x3  }
0x37: {  	[smem:$0x3FB6] =	sst s10  }
0x38: {  	s10 =	sld [smem:$0x3FB7]  }
0x39: {  	_ = 	snop;
	(pc) =	sbr.ind lr, $3  }
0x3a: {  	_ = 	snop  }
0x3b: {  	_ = 	snop  }
0x3c: {  	p2 =	seq.s32 s10, $0x1;
	s10 =	sld [smem:$0x3FB6]  }
0x3d: {  	_ =	shalt  }
0x3e: {  	_ =	shalt  }
0x3f: {  	_ =	shalt  }
0x40: {  	_ =	shalt  }
0x41: {  	_ =	shalt  }
0x42: {  	_ =	shalt  }
0x43: {  	_ =	shalt  }
0x44: {  	_ =	shalt  }
0x45: {  	_ =	shalt  }
0x46: {  	_ =	shalt  }
0x47: {  	_ =	shalt  }
0x48: {  	_ =	shalt  }
0x49: {  	_ =	shalt  }
0x4a: {  	_ =	shalt  }
0x4b: {  	_ =	shalt  }
0x4c: {  	_ =	shalt  }
0x4d: {  	_ =	shalt  }
0x4e: {  	_ =	shalt  }
0x4f: {  	_ =	shalt  }
0x50: {  	_ =	shalt  }
0x51: {  	_ =	shalt  }
0x52: {  	_ =	shalt  }
0x53: {  	_ =	shalt  }
0x54: {  	_ =	shalt  }
0x55: {  	_ =	shalt  }
0x56: {  	_ =	shalt  }
0x57: {  	_ =	shalt  }
0x58: {  	_ =	shalt  }
0x59: {  	_ =	shalt  }
0x5a: {  	_ =	shalt  }
0x5b: {  	_ =	shalt  }
0x5c: {  	_ =	shalt  }
0x5d: {  	_ =	shalt  }
0x5e: {  	_ =	shalt  }
0x5f: {  	_ =	shalt  }
0x60: {  	_ =	shalt  }
0x61: {  	_ =	shalt  }
0x62: {  	_ =	shalt  }
0x63: {  	_ =	shalt  }
0x64: {  	_ =	shalt  }
0x65: {  	_ =	shalt  }
0x66: {  	_ =	shalt  }
0x67: {  	_ =	shalt  }
0x68: {  	_ =	shalt  }
0x69: {  	_ =	shalt  }
0x6a: {  	_ =	shalt  }
0x6b: {  	_ =	shalt  }
0x6c: {  	_ =	shalt  }
0x6d: {  	_ =	shalt  }
0x6e: {  	_ =	shalt  }
0x6f: {  	_ =	shalt  }
0x70: {  	_ =	shalt  }
0x71: {  	_ =	shalt  }
0x72: {  	_ =	shalt  }
0x73: {  	_ =	shalt  }
0x74: {  	_ =	shalt  }
0x75: {  	_ =	shalt  }
0x76: {  	_ =	shalt  }
0x77: {  	_ =	shalt  }
0x78: {  	_ =	shalt  }
0x79: {  	_ =	shalt  }
0x7a: {  	_ =	shalt  }
0x7b: {  	_ =	shalt  }
0x7c: {  	_ =	shalt  }
0x7d: {  	_ =	shalt  }
0x7e: {  	_ =	shalt  }
0x7f: {  	_ =	shalt  }
0x80: {  	_ =	shalt  }
0x81: {  	_ =	shalt  }
0x82: {  	_ =	shalt  }
0x83: {  	_ =	shalt  }
0x84: {  	_ =	shalt  }
0x85: {  	_ =	shalt  }
0x86: {  	_ =	shalt  }
0x87: {  	_ =	shalt  }
.Lfunc_end0:
.L_simem_size_0:
called_computation_lowered:
.L_overlay_start_0:
0x88: {  	s2 =	sld [smem:$0x3FD9]  }
0x89: {  	s3 =	sld [smem:$0x3FFE];
	_ =	sdelay $0x1  }
0x8a: {  	s1 =	srdreg.scid  }
0x8b: {  	s0 =	sand.u32 $0x1, s1  }
0x8c: {  	s16 =	sshll.u32 s0, $0xA;
	s2 =	sadd.s32 s3, s2  }
0x8d: {  	s2 =	sadd.s32 s2, s16  }
0x8e: {  	[smem:$0x3FC2] =	sst s2  }
0x8f: {  	_ = 	snop  }
0x90: {  	(tm) =	ssettm $0x1  }
0x91: {  	s17 =	sld [smem:$0x3FFB];
	_ =	sdelay $0x3  }
0x92: {  	_ =	strace s17  }
0x93: {  	s2 =	sld [smem:$0x3FFC];
	_ =	sdelay $0x3  }
0x94: {  	_ =	strace s2  }
0x95: {  	s2 =	sld [smem:$0x3FFD];
	_ =	sdelay $0x3  }
0x96: {  	_ =	strace s2  }
0x97: {  	_ =	strace $0x8FFFFFFF  }
0x98: {  	s18 =	sld [smem:$0x3FDB];
	_ =	sdelay $0x1  }
0x99: {  	s19 =	simm.s32 $_scs_section_size  }
0x9a: {  	s4 =	simm.s32 $_size__tile_overlayer_lowered;
	s5 =	simm.s32 $_tile_overlayer_lowered  }
0x9b: {  	s22 =	simm.s32 $0x1BFF;
	s21 =	sshll.u32 s5, $0x1;
	s2 =	sadd.s32 s19, s18  }
0x9c: {  	s6 =	simm.s32 $0x0;
	s20 =	sshll.u32 s4, $0x1;
	s4 =	sadd.s32 s21, s2  }
0x9d: {  	[timem:s6], [sflag:s22] =	dma.local [hbm:s4], s20  }
0x9e: {  	_ =	swait.ge [sflag:s22], s20  }
0x9f: {  	s3 =	ssub.s32 $0x0, s20;
	[sflag:s22] =	ssyncset.done $0x0  }
0xa0: {  	[sflag:s22] =	ssyncadd.s32 s3;
	_ =	sdelay $0x1  }
0xa1: {  	s23 =	simm.s32 $0x1B8B  }
0xa2: {  	_ =	swait.ge [sflag:s23], $0x1  }
0xa3: {  	[sflag:s23] =	ssyncset.done $0x0  }
0xa4: {  	s25 =	simm.s32 $0x1B8E;
	s24 =	sld [smem:$0x3FFE];
	[sflag:s23] =	ssyncadd.s32 $0xFFFFFFFF  }
0xa5: {  	s26 =	simm.s32 $execute0_lowered;
	[smem:$0x3FD2] =	sst s25  }
0xa6: {  	s4 =	sshll.u32 s26, $0x1;
	_ =	strace $0x80000046;
	[dreg:$0x1] =	wrdreg $0xFFFFFFFF  }
0xa7: {  	s28 =	simm.s32 $_size_execute0_lowered;
	s2 =	sadd.s32 s2, s4;
	[dreg:$0x0] =	wrdreg $0x0  }
0xa8: {  	s4 =	sshll.u32 s28, $0x1;
	[dreg:$0x2] =	wrdreg s2  }
0xa9: {  	[dreg:$0x3] =	wrdreg s4  }
0xaa: {  	[dreg:$0x4] =	wrdreg $0xC0  }
0xab: {  	_ =	task [dreg:s6], $0x5FFFF  }
0xac: {  	[dreg:$0x1] =	wrdreg $0xFFFFFFFF  }
0xad: {  	[dreg:$0x0] =	wrdreg $0x60  }
0xae: {  	[dreg:$0x2] =	wrdreg s24  }
0xaf: {  	[dreg:$0x3] =	wrdreg $0xFA800  }
0xb0: {  	[dreg:$0x4] =	wrdreg $0x9  }
0xb1: {  	_ =	task.clear_ibuf [dreg:s6], $0x5FFFF;
	_ =	strace $0x90000046  }
0xb2: {  	s29 =	simm.s32 $0x9;
	_ =	strace $0x80000048  }
0xb3: {  	_ =	swait.ge [sflag:s29], $0x1  }
0xb4: {  	[sflag:s29] =	ssyncadd.s32 $0xFFFFFFFF  }
0xb5: {  	_ =	strace $0x90000048  }
0xb6: {  	_ =	sfence  }
0xb7: {  	s30 =	sld [smem:$0x0];
	_ =	sdelay $0x2  }
0xb8: {  	s31 =	sshll.u32 s1, $0xD;
	s1 =	sshrl.u32 s1, $0x2  }
0xb9: {  	s3 =	sand.u32 $0x4000, s31;
	s1 =	sadd.s32 s1, s30  }
0xba: {  	s0 =	sor.u32 s3, s0;
	s1 =	sshll.u32 s1, $0x11  }
0xbb: {  	s0 =	sor.u32 s1, s0  }
0xbc: {  	s0 =	sadd.s32 $0x8F2B, s0  }
0xbd: {  	[sflag:s0] =	ssyncadd.remote.s32 $0x1  }
0xbe: {  	_ =	sfence.sel $0xFFFF  }
0xbf: {  	[dreg:$0x0] =	wrdreg $0xFFFFFFFF;
	(pc) =	sbr.abs _section_cstart, $3  }
0xc0: {  	[dreg:$0x1] =	wrdreg $0xFFFFFFFF  }
0xc1: {  	_ =	task.clear_ibuf [dreg:s6], $0x2FFFF;
	_ =	strace $0x9FFFFFFF  }
0xc2: {  	(tm) =	ssettm $0x7FFFFFFF  }
0xc3: {  	_ =	shalt  }
tec
execute0_lowered:
.L_overlay_start_1:
0x0: {  	(tag) =	ssettag $0x1  }
0x1: {  	s0 =	rddreg [dreg:$0x0]  }
0x2: {  	s2 =	rddreg [dreg:$0x1];
	s1 =	simm.s32 $0x0;
	s10 =	srdreg.scid  }
0x3: {  	s5 =	stileid.u32;
	s28 =	simm.s32 $0x9F00;
	s29 =	simm.s32 $0x1  }
0x4: {  	s30 =	simm.s32 $0xA080;
	s31 =	simm.s32 $0x9F80;
	[smem:$0x7FF] =	sst s1  }
0x5: {  	s3 =	sadd.s32 $0x15E00, s0;
	s9 =	sadd.s32 $0x16800, s0;
	s11 =	smul.u32 $0x500, s5  }
0x6: {  	s4 =	sadd.s32 $0x17200, s0;
	s17 =	sadd.s32 $0x1600, s0;
	s22 =	smul.u32 $0x520, s5  }
0x7: {  	s18 =	sadd.s32 $0xBA00, s0;
	s16 =	smul.u32 $0x2900, s5;
	_ =	strace $0x80000047  }
0x8: {  	[dreg:$0x3] =	wrdreg s3;
	s3 =	sand.u32 $0x1, s10;
	s10 =	smul.u32 $0x14000, s5  }
0x9: {  	s20 =	sadd.s32 $0x18800, s0;
	[dreg:$0x4] =	wrdreg s9;
	s6 =	smul.u32 $0x5000, s3  }
0xa: {  	s19 =	sadd.s32 $0x22C00, s0;
	[dreg:$0x5] =	wrdreg s4;
	s21 =	smul.u32 $0x5200, s3  }
0xb: {  	s7 =	sshll.u32 s3, $0x4;
	s8 =	ssub.s32 $0x2, s3;
	s3 =	smul.u32 $0x29000, s3  }
0xc: {  	s7 =	sor.u32 s5, s7;
	s9 =	sshrl.u32 s8, $0x1;
	s10 =	sshrl.u32 s10, $0x2  }
0xd: {  	s6 =	sadd.s32 s11, s6;
	s7 =	smul.u32 $0x520, s7;
	s13 =	ssub.s32 s8, s9  }
0xe: {  	s10 =	sadd.s32 s10, s2;
	s11 =	sadd.s32 s11, s2;
	s23 =	sadd.s32 s21, s19  }
0xf: {  	s24 =	sadd.s32 s21, s20;
	s25 =	sadd.s32 s21, s17;
	s26 =	sadd.s32 s21, s18  }
0x10: {  	s21 =	simm.s32 $0x3;
	s6 =	sshrl.u32 s6, $0x3;
	s12 =	sadd.s32 s17, s7  }
0x11: {  	s13 =	smax.u32 s13, $0x1;
	s15 =	sadd.s32 s18, s7;
	[dreg:$0x6] =	wrdreg s12  }
0x12: {  	s0 =	sadd.s32 s6, s0;
	s14 =	sor.u32 $0x10, s7;
	[dreg:$0x7] =	wrdreg s15  }
0x13: {  	s8 =	sadd.s32 s17, s14;
	s9 =	sadd.s32 s18, s14;
	s12 =	sadd.s32 $0x17400, s0  }
0x14: {  	s14 =	sadd.s32 s22, s23;
	s15 =	sadd.s32 s16, s3;
	s16 =	sadd.s32 s22, s24  }
0x15: {  	s17 =	sadd.s32 s22, s25;
	s18 =	sadd.s32 s22, s26;
	s22 =	simm.s32 $0x4E80  }
0x16: {  	s26 =	simm.s32 $0x9E00;
	s0 =	simm.s32 $0xA000;
	s2 =	sor.u32 $0x80, s15  }
0x17: {  	s23 =	simm.s32 $0xF580;
	s25 =	simm.s32 $0x0;
	s2 =	sshrl.u32 s2, $0x3  }
0x18: {  	v0 =	vimm.f32 $0.0e+00;
	s19 =	sadd.s32 s2, s19;
	s20 =	sadd.s32 s2, s20;
	s2 =	simm.s32 $0x2  }
.LBB2_1:
0x19: {  	s3 =	rddreg [dreg:$0x3]  }
0x1a: {  	[tilespmem:s1], [sflag:$0x3] =	stream.linear.gather [hbm4b:s3+s1], $0x4E80, $0x38;
	[tilespmem:$0x14A80] =	vst v63  }
0x1b: {  	_ =	swait.ge [sflag:s21], $0x4E80  }
0x1c: {  	[sflag:s21] =	ssyncset.done $0x0  }
0x1d: {  	s7 =	rddreg [dreg:$0x4];
	[sflag:s21] =	ssyncadd.s32 $0xFFFFB180  }
0x1e: {  	[tilespmem:s22], [sflag:$0x3] =	stream.linear.gather [hbm4b:s7+s1], $0x4E80, $0x38;
	[tilespmem:$0x14A80] =	vst v63  }
0x1f: {  	_ =	swait.ge [sflag:s21], $0x4E80  }
0x20: {  	[sflag:s21] =	ssyncset.done $0x0  }
0x21: {  	s4 =	simm.s32 $0x9D00;
	s24 =	rddreg [dreg:$0x5];
	[sflag:s21] =	ssyncadd.s32 $0xFFFFB180  }
0x22: {  	[tilespmem:s4], [sflag:$0x3] =	stream.linear.gather [hbm4b:s24+s1], $0x80, $0x38;
	[tilespmem:$0x14A80] =	vst v63  }
0x23: {  	_ =	swait.ge [sflag:s21], $0x80  }
0x24: {  	[sflag:s21] =	ssyncset.done $0x0  }
0x25: {  	s3 =	simm.s32 $0x40;
	s4 =	simm.s32 $0x0;
	[sflag:s21] =	ssyncadd.s32 $0xFFFFFF80  }
.LBB2_2:
0x26: {  	p0 =	sne.s32 s3, $0x13FC0;
	[tilespmem:s4+$0xA080] =	vst v0;
	s4 =	smov.u32 s3;
	s3 =	sadd.s32 $0x40, s3  }
.Ltmp0:
0x27: {  	(pc) =	sbr.rel @p0 .LBB2_2-.Ltmp0, $2  }
0x28: {  	_ =	sdelay $0x2  }
0x29: {  	s4 =	sshra.s32 s4, $0x2  }
0x2a: {  	[tilespmem:s4+$0xA080] =	vst v0  }
0x2b: {  	s24 =	simm.s32 $0x0;
	s3 =	rddreg [dreg:$0x6];
	s5 =	simm.s32 $0x9D80;
	v1 =	vld [tilespmem:$0x9D00]  }
0x2c: {  	v2 =	vld [tilespmem:$0x9D10];
	[tilespmem:s5], [sflag:$0x1] =	stream.linear.gather [hbm4b:s3+s24], $0x80, $0x38  }
0x2d: {  	s6 =	rddreg [dreg:$0x7];
	s7 =	simm.s32 $0x9E80  }
0x2e: {  	[tilespmem:s7], [sflag:$0x1] =	stream.linear.gather [hbm4b:s6+s24], $0x80, $0x38;
	[tilespmem:$0x14A80] =	vst v63  }
0x2f: {  	_ = 	snop  }
0x30: {  	[tilespmem:s26], [sflag:$0x2] =	stream.linear.gather [hbm4b:s8+s24], $0x80, $0x38;
	[tilespmem:$0x14A80] =	vst v63  }
0x31: {  	s3 =	simm.s32 $0x0  }
0x32: {  	[tilespmem:s28], [sflag:$0x2] =	stream.linear.gather [hbm4b:s9+s24], $0x80, $0x38;
	[tilespmem:$0x14A80] =	vst v63  }
.LBB2_4:
0x33: {  	_ =	swait.ge [sflag:s29], $0x80  }
0x34: {  	[sflag:s29] =	ssyncset.done $0x0  }
0x35: {  	[sflag:s29] =	ssyncadd.s32 $0xFFFFFF80  }
0x36: {  	_ =	swait.ge [sflag:s29], $0x80  }
0x37: {  	[sflag:s29] =	ssyncset.done $0x0  }
0x38: {  	[sflag:s29] =	ssyncadd.s32 $0xFFFFFF80  }
0x39: {  	v3 =	vld [tilespmem:$0x9D80]  }
0x3a: {  	v4 =	vld [tilespmem:$0x9E80];
	_ =	sdelay $0x3  }
0x3b: {  	v3 =	vshll.u32 v3, $0x1  }
0x3c: {  	v4 =	vshll.u32 v4, $0x1  }
0x3d: {  	v5 =	vor.u32 $0x1, v3  }
0x3e: {  	v6 =	vor.u32 $0x1, v4;
	_ =	sdelay $0x1  }
0x3f: {  	v3 =	vld.idx.msk [tilespmem:v3+s1+$0x0], $0xffff  }
0x40: {  	v7 =	vld.idx.msk [tilespmem:v4+s22+$0x0], $0xffff  }
0x41: {  	v5 =	vld.idx.msk [tilespmem:v5+s1+$0x0], $0xffff  }
0x42: {  	v8 =	vld.idx.msk [tilespmem:v6+s22+$0x0], $0xffff;
	_ =	sdelay $0x3  }
0x43: {  	v3 =	vadd.f32 v7, v3;
	v7 =	vadd.f32 v7, v1  }
0x44: {  	v5 =	vadd.f32 v8, v5;
	v8 =	vadd.f32 v8, v2  }
0x45: {  	v9 =	vmul.f32 $2.000000030e-01, v3;
	v10 =	vmul.f32 $2.000000030e-01, v7  }
0x46: {  	v11 =	vmul.f32 $2.000000030e-01, v5;
	v12 =	vmul.f32 $2.000000030e-01, v8  }
0x47: {  	v3 =	vmax.f32 v3, v9;
	v7 =	vmax.f32 v7, v10  }
0x48: {  	v5 =	vmax.f32 v5, v11;
	v8 =	vmax.f32 v8, v12;
	v3 =	vsub.f32 v3, v7  }
0x49: {  	v5 =	vsub.f32 v5, v8  }
0x4a: {  	v3 =	vmul.f32 $1.442695020e+00, v3  }
0x4b: {  	v5 =	vmul.f32 $1.442695020e+00, v5  }
0x4c: {  	(erf) = vpow2.f32 v3  }
0x4d: {  	(erf) = vpow2.f32 v5;
	_ =	sdelay $0x6  }
0x4e: {  	s4 =	sadd.s32 s3, s15  }
0x4f: {  	p0 =	slt.u32 s4, $0x50910;
	v3 =	vpop (erf)  }
0x50: {  	v5 =	vpop (erf);
	v3 =	vpsel !p0, $0x0, v3  }
0x51: {  	v5 =	vpsel !p0, $0x0, v5;
	[tilespmem:$0x9F80] =	vst v3  }
0x52: {  	[tilespmem:$0xA000] =	vst v5  }
0x53: {  	[tilespmem:v4+s30+$0x0] =	vst.idx.add.f32.msk $0xffff, v3  }
0x54: {  	[tilespmem:v6+s30+$0x0] =	vst.idx.add.f32.msk $0xffff, v5  }
0x55: {  	v3 =	vld [tilespmem:$0x9D90]  }
0x56: {  	v4 =	vld [tilespmem:$0x9E90];
	_ =	sdelay $0x3  }
0x57: {  	v3 =	vshll.u32 v3, $0x1  }
0x58: {  	v4 =	vshll.u32 v4, $0x1  }
0x59: {  	v40 =	vor.u32 $0x1, v3  }
0x5a: {  	v41 =	vor.u32 $0x1, v4;
	_ =	sdelay $0x1  }
0x5b: {  	v3 =	vld.idx.msk [tilespmem:v3+s1+$0x0], $0xffff  }
0x5c: {  	v42 =	vld.idx.msk [tilespmem:v4+s22+$0x0], $0xffff  }
0x5d: {  	v5 =	vld.idx.msk [tilespmem:v40+s1+$0x0], $0xffff  }
0x5e: {  	v43 =	vld.idx.msk [tilespmem:v41+s22+$0x0], $0xffff;
	_ =	sdelay $0x3  }
0x5f: {  	v3 =	vadd.f32 v42, v3;
	v7 =	vadd.f32 v42, v1  }
0x60: {  	v5 =	vadd.f32 v43, v5;
	v8 =	vadd.f32 v43, v2  }
0x61: {  	v44 =	vmul.f32 $2.000000030e-01, v3;
	v45 =	vmul.f32 $2.000000030e-01, v7  }
0x62: {  	v46 =	vmul.f32 $2.000000030e-01, v5;
	v47 =	vmul.f32 $2.000000030e-01, v8  }
0x63: {  	v3 =	vmax.f32 v3, v44;
	v7 =	vmax.f32 v7, v45  }
0x64: {  	v5 =	vmax.f32 v5, v46;
	v8 =	vmax.f32 v8, v47;
	v3 =	vsub.f32 v3, v7  }
0x65: {  	v5 =	vsub.f32 v5, v8  }
0x66: {  	v3 =	vmul.f32 $1.442695020e+00, v3  }
0x67: {  	v5 =	vmul.f32 $1.442695020e+00, v5  }
0x68: {  	(erf) = vpow2.f32 v3  }
0x69: {  	(erf) = vpow2.f32 v5;
	_ =	sdelay $0x6  }
0x6a: {  	s5 =	sadd.s32 $0x10, s4  }
0x6b: {  	p4 =	slt.u32 s5, $0x50910;
	v3 =	vpop (erf)  }
0x6c: {  	v5 =	vpop (erf);
	v3 =	vpsel !p4, $0x0, v3  }
0x6d: {  	v5 =	vpsel !p4, $0x0, v5;
	[tilespmem:$0x9F90] =	vst v3  }
0x6e: {  	[tilespmem:$0xA010] =	vst v5  }
0x6f: {  	[tilespmem:v4+s30+$0x0] =	vst.idx.add.f32.msk $0xffff, v3  }
0x70: {  	[tilespmem:v41+s30+$0x0] =	vst.idx.add.f32.msk $0xffff, v5  }
0x71: {  	v3 =	vld [tilespmem:$0x9DA0]  }
0x72: {  	v4 =	vld [tilespmem:$0x9EA0];
	_ =	sdelay $0x3  }
0x73: {  	v3 =	vshll.u32 v3, $0x1  }
0x74: {  	v4 =	vshll.u32 v4, $0x1  }
0x75: {  	v48 =	vor.u32 $0x1, v3  }
0x76: {  	v49 =	vor.u32 $0x1, v4;
	_ =	sdelay $0x1  }
0x77: {  	v3 =	vld.idx.msk [tilespmem:v3+s1+$0x0], $0xffff  }
0x78: {  	v50 =	vld.idx.msk [tilespmem:v4+s22+$0x0], $0xffff  }
0x79: {  	v5 =	vld.idx.msk [tilespmem:v48+s1+$0x0], $0xffff  }
0x7a: {  	v51 =	vld.idx.msk [tilespmem:v49+s22+$0x0], $0xffff;
	_ =	sdelay $0x3  }
0x7b: {  	v3 =	vadd.f32 v50, v3;
	v7 =	vadd.f32 v50, v1  }
0x7c: {  	v5 =	vadd.f32 v51, v5;
	v8 =	vadd.f32 v51, v2  }
0x7d: {  	v52 =	vmul.f32 $2.000000030e-01, v3;
	v53 =	vmul.f32 $2.000000030e-01, v7  }
0x7e: {  	v54 =	vmul.f32 $2.000000030e-01, v5;
	v55 =	vmul.f32 $2.000000030e-01, v8  }
0x7f: {  	v3 =	vmax.f32 v3, v52;
	v7 =	vmax.f32 v7, v53  }
0x80: {  	v5 =	vmax.f32 v5, v54;
	v8 =	vmax.f32 v8, v55;
	v3 =	vsub.f32 v3, v7  }
0x81: {  	v5 =	vsub.f32 v5, v8  }
0x82: {  	v3 =	vmul.f32 $1.442695020e+00, v3  }
0x83: {  	v5 =	vmul.f32 $1.442695020e+00, v5  }
0x84: {  	(erf) = vpow2.f32 v3  }
0x85: {  	(erf) = vpow2.f32 v5;
	_ =	sdelay $0x6  }
0x86: {  	s7 =	sadd.s32 $0x20, s4  }
0x87: {  	p5 =	slt.u32 s7, $0x50910;
	v3 =	vpop (erf)  }
0x88: {  	v5 =	vpop (erf);
	v3 =	vpsel !p5, $0x0, v3  }
0x89: {  	v5 =	vpsel !p5, $0x0, v5;
	[tilespmem:$0x9FA0] =	vst v3  }
0x8a: {  	[tilespmem:$0xA020] =	vst v5  }
0x8b: {  	[tilespmem:v4+s30+$0x0] =	vst.idx.add.f32.msk $0xffff, v3  }
0x8c: {  	[tilespmem:v49+s30+$0x0] =	vst.idx.add.f32.msk $0xffff, v5  }
0x8d: {  	v3 =	vld [tilespmem:$0x9DB0]  }
0x8e: {  	v4 =	vld [tilespmem:$0x9EB0];
	_ =	sdelay $0x3  }
0x8f: {  	v3 =	vshll.u32 v3, $0x1  }
0x90: {  	v4 =	vshll.u32 v4, $0x1  }
0x91: {  	v56 =	vor.u32 $0x1, v3  }
0x92: {  	v57 =	vor.u32 $0x1, v4;
	_ =	sdelay $0x1  }
0x93: {  	v3 =	vld.idx.msk [tilespmem:v3+s1+$0x0], $0xffff  }
0x94: {  	v58 =	vld.idx.msk [tilespmem:v4+s22+$0x0], $0xffff  }
0x95: {  	v5 =	vld.idx.msk [tilespmem:v56+s1+$0x0], $0xffff  }
0x96: {  	v59 =	vld.idx.msk [tilespmem:v57+s22+$0x0], $0xffff;
	_ =	sdelay $0x3  }
0x97: {  	v3 =	vadd.f32 v58, v3;
	v7 =	vadd.f32 v58, v1  }
0x98: {  	v5 =	vadd.f32 v59, v5;
	v8 =	vadd.f32 v59, v2  }
0x99: {  	v60 =	vmul.f32 $2.000000030e-01, v3;
	v61 =	vmul.f32 $2.000000030e-01, v7  }
0x9a: {  	v62 =	vmul.f32 $2.000000030e-01, v5;
	v63 =	vmul.f32 $2.000000030e-01, v8  }
0x9b: {  	v3 =	vmax.f32 v3, v60;
	v7 =	vmax.f32 v7, v61  }
0x9c: {  	v5 =	vmax.f32 v5, v62;
	v8 =	vmax.f32 v8, v63;
	v3 =	vsub.f32 v3, v7  }
0x9d: {  	v5 =	vsub.f32 v5, v8  }
0x9e: {  	v3 =	vmul.f32 $1.442695020e+00, v3  }
0x9f: {  	v5 =	vmul.f32 $1.442695020e+00, v5  }
0xa0: {  	(erf) = vpow2.f32 v3  }
0xa1: {  	(erf) = vpow2.f32 v5;
	_ =	sdelay $0x6  }
0xa2: {  	s6 =	sadd.s32 $0x30, s4  }
0xa3: {  	p6 =	slt.u32 s6, $0x50910;
	v3 =	vpop (erf)  }
0xa4: {  	v5 =	vpop (erf);
	v3 =	vpsel !p6, $0x0, v3  }
0xa5: {  	v5 =	vpsel !p6, $0x0, v5;
	[tilespmem:$0x9FB0] =	vst v3  }
0xa6: {  	[tilespmem:$0xA030] =	vst v5  }
0xa7: {  	[tilespmem:v4+s30+$0x0] =	vst.idx.add.f32.msk $0xffff, v3  }
0xa8: {  	[tilespmem:v57+s30+$0x0] =	vst.idx.add.f32.msk $0xffff, v5  }
0xa9: {  	v3 =	vld [tilespmem:$0x9DC0]  }
0xaa: {  	v4 =	vld [tilespmem:$0x9EC0];
	_ =	sdelay $0x3  }
0xab: {  	v3 =	vshll.u32 v3, $0x1  }
0xac: {  	v4 =	vshll.u32 v4, $0x1  }
0xad: {  	v15 =	vor.u32 $0x1, v3  }
0xae: {  	v16 =	vor.u32 $0x1, v4;
	_ =	sdelay $0x1  }
0xaf: {  	v3 =	vld.idx.msk [tilespmem:v3+s1+$0x0], $0xffff  }
0xb0: {  	v17 =	vld.idx.msk [tilespmem:v4+s22+$0x0], $0xffff  }
0xb1: {  	v5 =	vld.idx.msk [tilespmem:v15+s1+$0x0], $0xffff  }
0xb2: {  	v18 =	vld.idx.msk [tilespmem:v16+s22+$0x0], $0xffff;
	_ =	sdelay $0x3  }
0xb3: {  	v3 =	vadd.f32 v17, v3;
	v7 =	vadd.f32 v17, v1  }
0xb4: {  	v5 =	vadd.f32 v18, v5;
	v8 =	vadd.f32 v18, v2  }
0xb5: {  	v19 =	vmul.f32 $2.000000030e-01, v3;
	v20 =	vmul.f32 $2.000000030e-01, v7  }
0xb6: {  	v21 =	vmul.f32 $2.000000030e-01, v5;
	v22 =	vmul.f32 $2.000000030e-01, v8  }
0xb7: {  	v3 =	vmax.f32 v3, v19;
	v7 =	vmax.f32 v7, v20  }
0xb8: {  	v5 =	vmax.f32 v5, v21;
	v8 =	vmax.f32 v8, v22;
	v3 =	vsub.f32 v3, v7  }
0xb9: {  	v5 =	vsub.f32 v5, v8  }
0xba: {  	v3 =	vmul.f32 $1.442695020e+00, v3  }
0xbb: {  	v5 =	vmul.f32 $1.442695020e+00, v5  }
0xbc: {  	(erf) = vpow2.f32 v3  }
0xbd: {  	(erf) = vpow2.f32 v5;
	_ =	sdelay $0x6  }
0xbe: {  	s7 =	sadd.s32 $0x40, s4  }
0xbf: {  	p1 =	slt.u32 s7, $0x50910;
	v3 =	vpop (erf)  }
0xc0: {  	v5 =	vpop (erf);
	v3 =	vpsel !p1, $0x0, v3  }
0xc1: {  	v5 =	vpsel !p1, $0x0, v5;
	[tilespmem:$0x9FC0] =	vst v3  }
0xc2: {  	[tilespmem:$0xA040] =	vst v5  }
0xc3: {  	[tilespmem:v4+s30+$0x0] =	vst.idx.add.f32.msk $0xffff, v3  }
0xc4: {  	[tilespmem:v16+s30+$0x0] =	vst.idx.add.f32.msk $0xffff, v5  }
0xc5: {  	v3 =	vld [tilespmem:$0x9DD0]  }
0xc6: {  	v4 =	vld [tilespmem:$0x9ED0];
	_ =	sdelay $0x3  }
0xc7: {  	v3 =	vshll.u32 v3, $0x1  }
0xc8: {  	v4 =	vshll.u32 v4, $0x1  }
0xc9: {  	v23 =	vor.u32 $0x1, v3  }
0xca: {  	v24 =	vor.u32 $0x1, v4;
	_ =	sdelay $0x1  }
0xcb: {  	v3 =	vld.idx.msk [tilespmem:v3+s1+$0x0], $0xffff  }
0xcc: {  	v25 =	vld.idx.msk [tilespmem:v4+s22+$0x0], $0xffff  }
0xcd: {  	v5 =	vld.idx.msk [tilespmem:v23+s1+$0x0], $0xffff  }
0xce: {  	v26 =	vld.idx.msk [tilespmem:v24+s22+$0x0], $0xffff;
	_ =	sdelay $0x3  }
0xcf: {  	v3 =	vadd.f32 v25, v3;
	v7 =	vadd.f32 v25, v1  }
0xd0: {  	v5 =	vadd.f32 v26, v5;
	v8 =	vadd.f32 v26, v2  }
0xd1: {  	v27 =	vmul.f32 $2.000000030e-01, v3;
	v28 =	vmul.f32 $2.000000030e-01, v7  }
0xd2: {  	v29 =	vmul.f32 $2.000000030e-01, v5;
	v30 =	vmul.f32 $2.000000030e-01, v8  }
0xd3: {  	v3 =	vmax.f32 v3, v27;
	v7 =	vmax.f32 v7, v28  }
0xd4: {  	v5 =	vmax.f32 v5, v29;
	v8 =	vmax.f32 v8, v30;
	v3 =	vsub.f32 v3, v7  }
0xd5: {  	v5 =	vsub.f32 v5, v8  }
0xd6: {  	v3 =	vmul.f32 $1.442695020e+00, v3  }
0xd7: {  	v5 =	vmul.f32 $1.442695020e+00, v5  }
0xd8: {  	(erf) = vpow2.f32 v3  }
0xd9: {  	(erf) = vpow2.f32 v5;
	_ =	sdelay $0x6  }
0xda: {  	s6 =	sadd.s32 $0x50, s4  }
0xdb: {  	p2 =	slt.u32 s6, $0x50910;
	v3 =	vpop (erf)  }
0xdc: {  	v5 =	vpop (erf);
	v3 =	vpsel !p2, $0x0, v3  }
0xdd: {  	v5 =	vpsel !p2, $0x0, v5;
	[tilespmem:$0x9FD0] =	vst v3  }
0xde: {  	[tilespmem:$0xA050] =	vst v5  }
0xdf: {  	[tilespmem:v4+s30+$0x0] =	vst.idx.add.f32.msk $0xffff, v3  }
0xe0: {  	[tilespmem:v24+s30+$0x0] =	vst.idx.add.f32.msk $0xffff, v5  }
0xe1: {  	v3 =	vld [tilespmem:$0x9DE0]  }
0xe2: {  	v4 =	vld [tilespmem:$0x9EE0];
	_ =	sdelay $0x3  }
0xe3: {  	v3 =	vshll.u32 v3, $0x1  }
0xe4: {  	v4 =	vshll.u32 v4, $0x1  }
0xe5: {  	v31 =	vor.u32 $0x1, v3  }
0xe6: {  	v32 =	vor.u32 $0x1, v4;
	_ =	sdelay $0x1  }
0xe7: {  	v3 =	vld.idx.msk [tilespmem:v3+s1+$0x0], $0xffff  }
0xe8: {  	v33 =	vld.idx.msk [tilespmem:v4+s22+$0x0], $0xffff  }
0xe9: {  	v5 =	vld.idx.msk [tilespmem:v31+s1+$0x0], $0xffff  }
0xea: {  	v34 =	vld.idx.msk [tilespmem:v32+s22+$0x0], $0xffff;
	_ =	sdelay $0x3  }
0xeb: {  	v3 =	vadd.f32 v33, v3;
	v7 =	vadd.f32 v33, v1  }
0xec: {  	v5 =	vadd.f32 v34, v5;
	v8 =	vadd.f32 v34, v2  }
0xed: {  	v35 =	vmul.f32 $2.000000030e-01, v3;
	v36 =	vmul.f32 $2.000000030e-01, v7  }
0xee: {  	v37 =	vmul.f32 $2.000000030e-01, v5;
	v38 =	vmul.f32 $2.000000030e-01, v8  }
0xef: {  	v3 =	vmax.f32 v3, v35;
	v7 =	vmax.f32 v7, v36  }
0xf0: {  	v5 =	vmax.f32 v5, v37;
	v8 =	vmax.f32 v8, v38;
	v3 =	vsub.f32 v3, v7  }
0xf1: {  	v5 =	vsub.f32 v5, v8  }
0xf2: {  	v3 =	vmul.f32 $1.442695020e+00, v3  }
0xf3: {  	v5 =	vmul.f32 $1.442695020e+00, v5  }
0xf4: {  	(erf) = vpow2.f32 v3  }
0xf5: {  	(erf) = vpow2.f32 v5;
	_ =	sdelay $0x6  }
0xf6: {  	s7 =	sadd.s32 $0x60, s4  }
0xf7: {  	p3 =	slt.u32 s7, $0x50910;
	v3 =	vpop (erf)  }
0xf8: {  	v5 =	vpop (erf);
	v3 =	vpsel !p3, $0x0, v3  }
0xf9: {  	v5 =	vpsel !p3, $0x0, v5;
	[tilespmem:$0x9FE0] =	vst v3  }
0xfa: {  	[tilespmem:$0xA060] =	vst v5  }
0xfb: {  	[tilespmem:v4+s30+$0x0] =	vst.idx.add.f32.msk $0xffff, v3  }
0xfc: {  	[tilespmem:v32+s30+$0x0] =	vst.idx.add.f32.msk $0xffff, v5  }
0xfd: {  	v3 =	vld [tilespmem:$0x9DF0]  }
0xfe: {  	v4 =	vld [tilespmem:$0x9EF0];
	_ =	sdelay $0x3  }
0xff: {  	v3 =	vshll.u32 v3, $0x1  }
0x100: {  	v4 =	vshll.u32 v4, $0x1  }
0x101: {  	v39 =	vor.u32 $0x1, v3  }
0x102: {  	v40 =	vor.u32 $0x1, v4;
	_ =	sdelay $0x1  }
0x103: {  	v3 =	vld.idx.msk [tilespmem:v3+s1+$0x0], $0xffff  }
0x104: {  	v41 =	vld.idx.msk [tilespmem:v4+s22+$0x0], $0xffff  }
0x105: {  	v5 =	vld.idx.msk [tilespmem:v39+s1+$0x0], $0xffff  }
0x106: {  	v42 =	vld.idx.msk [tilespmem:v40+s22+$0x0], $0xffff;
	_ =	sdelay $0x3  }
0x107: {  	v3 =	vadd.f32 v41, v3;
	v7 =	vadd.f32 v41, v1  }
0x108: {  	v5 =	vadd.f32 v42, v5;
	v8 =	vadd.f32 v42, v2  }
0x109: {  	v43 =	vmul.f32 $2.000000030e-01, v3;
	v44 =	vmul.f32 $2.000000030e-01, v7  }
0x10a: {  	v45 =	vmul.f32 $2.000000030e-01, v5;
	v46 =	vmul.f32 $2.000000030e-01, v8  }
0x10b: {  	v3 =	vmax.f32 v3, v43;
	v7 =	vmax.f32 v7, v44  }
0x10c: {  	v5 =	vmax.f32 v5, v45;
	v8 =	vmax.f32 v8, v46;
	v3 =	vsub.f32 v3, v7  }
0x10d: {  	v5 =	vsub.f32 v5, v8  }
0x10e: {  	v3 =	vmul.f32 $1.442695020e+00, v3  }
0x10f: {  	v5 =	vmul.f32 $1.442695020e+00, v5  }
0x110: {  	(erf) = vpow2.f32 v3  }
0x111: {  	(erf) = vpow2.f32 v5;
	_ =	sdelay $0x6  }
0x112: {  	s6 =	sadd.s32 $0x70, s4  }
0x113: {  	p4 =	slt.u32 s6, $0x50910;
	v3 =	vpop (erf)  }
0x114: {  	v5 =	vpop (erf);
	v3 =	vpsel !p4, $0x0, v3  }
0x115: {  	v5 =	vpsel !p4, $0x0, v5;
	[tilespmem:$0x9FF0] =	vst v3  }
0x116: {  	[tilespmem:$0xA070] =	vst v5  }
0x117: {  	[tilespmem:v4+s30+$0x0] =	vst.idx.add.f32.msk $0xffff, v3  }
0x118: {  	s7 =	sadd.s32 s24, s16;
	[tilespmem:v40+s30+$0x0] =	vst.idx.add.f32.msk $0xffff, v5  }
0x119: {  	[hbm4b:s7+s1] =	stream.linear.scatter [tilespmem:s31], [sflag:$0x3], $0x80, $0x38;
	[tilespmem:$0x14A80] =	vst v63  }
0x11a: {  	_ =	swait.ge [sflag:s21], $0x80  }
0x11b: {  	[sflag:s21] =	ssyncset.done $0x0  }
0x11c: {  	p0 =	seq.s32 s3, $0x2800;
	s6 =	sadd.s32 s24, s14;
	[sflag:s21] =	ssyncadd.s32 $0xFFFFFF80  }
0x11d: {  	[hbm4b:s6+s1] =	stream.linear.scatter [tilespmem:s0], [sflag:$0x3], $0x80, $0x38;
	[tilespmem:$0x14A80] =	vst v63  }
0x11e: {  	s5 =	sadd.s32 @!p0 s24, s17;
	_ =	swait.ge [sflag:s21], $0x80  }
0x11f: {  	s5 =	sadd.s32 @!p0 $0x20, s5;
	[sflag:s21] =	ssyncset.done $0x0  }
0x120: {  	s7 =	simm.s32 @!p0 $0x9D80;
	s6 =	simm.s32 @!p0 $0x0;
	[sflag:s21] =	ssyncadd.s32 $0xFFFFFF80  }
0x121: {  	[tilespmem:s7], [sflag:$0x1] =	stream.linear.gather @!p0 [hbm4b:s5+s6], $0x80, $0x38;
	[tilespmem:$0x14A80] =	vst v63  }
0x122: {  	s5 =	sadd.s32 @!p0 s24, s18  }
0x123: {  	s7 =	simm.s32 @!p0 $0x9E80;
	s5 =	sadd.s32 @!p0 $0x20, s5  }
0x124: {  	[tilespmem:s7], [sflag:$0x1] =	stream.linear.gather @!p0 [hbm4b:s5+s6], $0x80, $0x38;
	[tilespmem:$0x14A80] =	vst v63  }
0x125: {  	_ =	swait.ge [sflag:s2], $0x80  }
0x126: {  	[sflag:s2] =	ssyncset.done $0x0  }
0x127: {  	[sflag:s2] =	ssyncadd.s32 $0xFFFFFF80  }
0x128: {  	_ =	swait.ge [sflag:s2], $0x80  }
0x129: {  	[sflag:s2] =	ssyncset.done $0x0  }
0x12a: {  	[sflag:s2] =	ssyncadd.s32 $0xFFFFFF80  }
0x12b: {  	v3 =	vld [tilespmem:$0x9E00]  }
0x12c: {  	v47 =	vld [tilespmem:$0x9F00];
	_ =	sdelay $0x3  }
0x12d: {  	v3 =	vshll.u32 v3, $0x1  }
0x12e: {  	v4 =	vshll.u32 v47, $0x1  }
0x12f: {  	v48 =	vor.u32 $0x1, v3  }
0x130: {  	v49 =	vor.u32 $0x1, v4;
	_ =	sdelay $0x1  }
0x131: {  	v3 =	vld.idx.msk [tilespmem:v3+s1+$0x0], $0xffff  }
0x132: {  	v50 =	vld.idx.msk [tilespmem:v4+s22+$0x0], $0xffff  }
0x133: {  	v5 =	vld.idx.msk [tilespmem:v48+s1+$0x0], $0xffff  }
0x134: {  	v51 =	vld.idx.msk [tilespmem:v49+s22+$0x0], $0xffff;
	_ =	sdelay $0x3  }
0x135: {  	v3 =	vadd.f32 v50, v3;
	v7 =	vadd.f32 v50, v1  }
0x136: {  	v5 =	vadd.f32 v51, v5;
	v8 =	vadd.f32 v51, v2  }
0x137: {  	v52 =	vmul.f32 $2.000000030e-01, v3;
	v53 =	vmul.f32 $2.000000030e-01, v7  }
0x138: {  	v54 =	vmul.f32 $2.000000030e-01, v5;
	v55 =	vmul.f32 $2.000000030e-01, v8  }
0x139: {  	v3 =	vmax.f32 v3, v52;
	v7 =	vmax.f32 v7, v53  }
0x13a: {  	v5 =	vmax.f32 v5, v54;
	v8 =	vmax.f32 v8, v55;
	v3 =	vsub.f32 v3, v7  }
0x13b: {  	v5 =	vsub.f32 v5, v8  }
0x13c: {  	v3 =	vmul.f32 $1.442695020e+00, v3  }
0x13d: {  	v5 =	vmul.f32 $1.442695020e+00, v5  }
0x13e: {  	(erf) = vpow2.f32 v3  }
0x13f: {  	(erf) = vpow2.f32 v5;
	_ =	sdelay $0x6  }
0x140: {  	s7 =	sadd.s32 $0x80, s4  }
0x141: {  	p1 =	slt.u32 s7, $0x50910;
	v3 =	vpop (erf)  }
0x142: {  	v5 =	vpop (erf);
	v3 =	vpsel !p1, $0x0, v3  }
0x143: {  	v5 =	vpsel !p1, $0x0, v5;
	[tilespmem:$0x9F80] =	vst v3  }
0x144: {  	[tilespmem:$0xA000] =	vst v5  }
0x145: {  	[tilespmem:v4+s30+$0x0] =	vst.idx.add.f32.msk $0xffff, v3  }
0x146: {  	[tilespmem:v49+s30+$0x0] =	vst.idx.add.f32.msk $0xffff, v5  }
0x147: {  	v3 =	vld [tilespmem:$0x9E10]  }
0x148: {  	v4 =	vld [tilespmem:$0x9F10];
	_ =	sdelay $0x3  }
0x149: {  	v3 =	vshll.u32 v3, $0x1  }
0x14a: {  	v4 =	vshll.u32 v4, $0x1  }
0x14b: {  	v56 =	vor.u32 $0x1, v3  }
0x14c: {  	v57 =	vor.u32 $0x1, v4;
	_ =	sdelay $0x1  }
0x14d: {  	v3 =	vld.idx.msk [tilespmem:v3+s1+$0x0], $0xffff  }
0x14e: {  	v58 =	vld.idx.msk [tilespmem:v4+s22+$0x0], $0xffff  }
0x14f: {  	v5 =	vld.idx.msk [tilespmem:v56+s1+$0x0], $0xffff  }
0x150: {  	v59 =	vld.idx.msk [tilespmem:v57+s22+$0x0], $0xffff;
	_ =	sdelay $0x3  }
0x151: {  	v3 =	vadd.f32 v58, v3;
	v7 =	vadd.f32 v58, v1  }
0x152: {  	v5 =	vadd.f32 v59, v5;
	v8 =	vadd.f32 v59, v2  }
0x153: {  	v60 =	vmul.f32 $2.000000030e-01, v3;
	v61 =	vmul.f32 $2.000000030e-01, v7  }
0x154: {  	v62 =	vmul.f32 $2.000000030e-01, v5;
	v63 =	vmul.f32 $2.000000030e-01, v8  }
0x155: {  	v3 =	vmax.f32 v3, v60;
	v7 =	vmax.f32 v7, v61  }
0x156: {  	v5 =	vmax.f32 v5, v62;
	v8 =	vmax.f32 v8, v63;
	v3 =	vsub.f32 v3, v7  }
0x157: {  	v5 =	vsub.f32 v5, v8  }
0x158: {  	v3 =	vmul.f32 $1.442695020e+00, v3  }
0x159: {  	v5 =	vmul.f32 $1.442695020e+00, v5  }
0x15a: {  	(erf) = vpow2.f32 v3  }
0x15b: {  	(erf) = vpow2.f32 v5;
	_ =	sdelay $0x6  }
0x15c: {  	s6 =	sadd.s32 $0x90, s4  }
0x15d: {  	p5 =	slt.u32 s6, $0x50910;
	v3 =	vpop (erf)  }
0x15e: {  	v5 =	vpop (erf);
	v3 =	vpsel !p5, $0x0, v3  }
0x15f: {  	v5 =	vpsel !p5, $0x0, v5;
	[tilespmem:$0x9F90] =	vst v3  }
0x160: {  	[tilespmem:$0xA010] =	vst v5  }
0x161: {  	[tilespmem:v4+s30+$0x0] =	vst.idx.add.f32.msk $0xffff, v3  }
0x162: {  	[tilespmem:v57+s30+$0x0] =	vst.idx.add.f32.msk $0xffff, v5  }
0x163: {  	v3 =	vld [tilespmem:$0x9E20]  }
0x164: {  	v4 =	vld [tilespmem:$0x9F20];
	_ =	sdelay $0x3  }
0x165: {  	v3 =	vshll.u32 v3, $0x1  }
0x166: {  	v4 =	vshll.u32 v4, $0x1  }
0x167: {  	v16 =	vor.u32 $0x1, v3  }
0x168: {  	v17 =	vor.u32 $0x1, v4;
	_ =	sdelay $0x1  }
0x169: {  	v3 =	vld.idx.msk [tilespmem:v3+s1+$0x0], $0xffff  }
0x16a: {  	v18 =	vld.idx.msk [tilespmem:v4+s22+$0x0], $0xffff  }
0x16b: {  	v5 =	vld.idx.msk [tilespmem:v16+s1+$0x0], $0xffff  }
0x16c: {  	v19 =	vld.idx.msk [tilespmem:v17+s22+$0x0], $0xffff;
	_ =	sdelay $0x3  }
0x16d: {  	v3 =	vadd.f32 v18, v3;
	v7 =	vadd.f32 v18, v1  }
0x16e: {  	v5 =	vadd.f32 v19, v5;
	v8 =	vadd.f32 v19, v2  }
0x16f: {  	v20 =	vmul.f32 $2.000000030e-01, v3;
	v21 =	vmul.f32 $2.000000030e-01, v7  }
0x170: {  	v22 =	vmul.f32 $2.000000030e-01, v5;
	v23 =	vmul.f32 $2.000000030e-01, v8  }
0x171: {  	v3 =	vmax.f32 v3, v20;
	v7 =	vmax.f32 v7, v21  }
0x172: {  	v5 =	vmax.f32 v5, v22;
	v8 =	vmax.f32 v8, v23;
	v3 =	vsub.f32 v3, v7  }
0x173: {  	v5 =	vsub.f32 v5, v8  }
0x174: {  	v3 =	vmul.f32 $1.442695020e+00, v3  }
0x175: {  	v5 =	vmul.f32 $1.442695020e+00, v5  }
0x176: {  	(erf) = vpow2.f32 v3  }
0x177: {  	(erf) = vpow2.f32 v5;
	_ =	sdelay $0x6  }
0x178: {  	s7 =	sadd.s32 $0xA0, s4  }
0x179: {  	p6 =	slt.u32 s7, $0x50910;
	v3 =	vpop (erf)  }
0x17a: {  	v5 =	vpop (erf);
	v3 =	vpsel !p6, $0x0, v3  }
0x17b: {  	v5 =	vpsel !p6, $0x0, v5;
	[tilespmem:$0x9FA0] =	vst v3  }
0x17c: {  	[tilespmem:$0xA020] =	vst v5  }
0x17d: {  	[tilespmem:v4+s30+$0x0] =	vst.idx.add.f32.msk $0xffff, v3  }
0x17e: {  	[tilespmem:v17+s30+$0x0] =	vst.idx.add.f32.msk $0xffff, v5  }
0x17f: {  	v3 =	vld [tilespmem:$0x9E30]  }
0x180: {  	v4 =	vld [tilespmem:$0x9F30];
	_ =	sdelay $0x3  }
0x181: {  	v3 =	vshll.u32 v3, $0x1  }
0x182: {  	v4 =	vshll.u32 v4, $0x1  }
0x183: {  	v24 =	vor.u32 $0x1, v3  }
0x184: {  	v25 =	vor.u32 $0x1, v4;
	_ =	sdelay $0x1  }
0x185: {  	v3 =	vld.idx.msk [tilespmem:v3+s1+$0x0], $0xffff  }
0x186: {  	v26 =	vld.idx.msk [tilespmem:v4+s22+$0x0], $0xffff  }
0x187: {  	v5 =	vld.idx.msk [tilespmem:v24+s1+$0x0], $0xffff  }
0x188: {  	v27 =	vld.idx.msk [tilespmem:v25+s22+$0x0], $0xffff;
	_ =	sdelay $0x3  }
0x189: {  	v3 =	vadd.f32 v26, v3;
	v7 =	vadd.f32 v26, v1  }
0x18a: {  	v5 =	vadd.f32 v27, v5;
	v8 =	vadd.f32 v27, v2  }
0x18b: {  	v28 =	vmul.f32 $2.000000030e-01, v3;
	v29 =	vmul.f32 $2.000000030e-01, v7  }
0x18c: {  	v30 =	vmul.f32 $2.000000030e-01, v5;
	v31 =	vmul.f32 $2.000000030e-01, v8  }
0x18d: {  	v3 =	vmax.f32 v3, v28;
	v7 =	vmax.f32 v7, v29  }
0x18e: {  	v5 =	vmax.f32 v5, v30;
	v8 =	vmax.f32 v8, v31;
	v3 =	vsub.f32 v3, v7  }
0x18f: {  	v5 =	vsub.f32 v5, v8  }
0x190: {  	v3 =	vmul.f32 $1.442695020e+00, v3  }
0x191: {  	v5 =	vmul.f32 $1.442695020e+00, v5  }
0x192: {  	(erf) = vpow2.f32 v3  }
0x193: {  	(erf) = vpow2.f32 v5;
	_ =	sdelay $0x6  }
0x194: {  	s6 =	sadd.s32 $0xB0, s4  }
0x195: {  	p2 =	slt.u32 s6, $0x50910;
	v3 =	vpop (erf)  }
0x196: {  	v5 =	vpop (erf);
	v3 =	vpsel !p2, $0x0, v3  }
0x197: {  	v5 =	vpsel !p2, $0x0, v5;
	[tilespmem:$0x9FB0] =	vst v3  }
0x198: {  	[tilespmem:$0xA030] =	vst v5  }
0x199: {  	[tilespmem:v4+s30+$0x0] =	vst.idx.add.f32.msk $0xffff, v3  }
0x19a: {  	[tilespmem:v25+s30+$0x0] =	vst.idx.add.f32.msk $0xffff, v5  }
0x19b: {  	v3 =	vld [tilespmem:$0x9E40]  }
0x19c: {  	v4 =	vld [tilespmem:$0x9F40];
	_ =	sdelay $0x3  }
0x19d: {  	v3 =	vshll.u32 v3, $0x1  }
0x19e: {  	v4 =	vshll.u32 v4, $0x1  }
0x19f: {  	v32 =	vor.u32 $0x1, v3  }
0x1a0: {  	v33 =	vor.u32 $0x1, v4;
	_ =	sdelay $0x1  }
0x1a1: {  	v3 =	vld.idx.msk [tilespmem:v3+s1+$0x0], $0xffff  }
0x1a2: {  	v34 =	vld.idx.msk [tilespmem:v4+s22+$0x0], $0xffff  }
0x1a3: {  	v5 =	vld.idx.msk [tilespmem:v32+s1+$0x0], $0xffff  }
0x1a4: {  	v35 =	vld.idx.msk [tilespmem:v33+s22+$0x0], $0xffff;
	_ =	sdelay $0x3  }
0x1a5: {  	v3 =	vadd.f32 v34, v3;
	v7 =	vadd.f32 v34, v1  }
0x1a6: {  	v5 =	vadd.f32 v35, v5;
	v8 =	vadd.f32 v35, v2  }
0x1a7: {  	v36 =	vmul.f32 $2.000000030e-01, v3;
	v37 =	vmul.f32 $2.000000030e-01, v7  }
0x1a8: {  	v38 =	vmul.f32 $2.000000030e-01, v5;
	v39 =	vmul.f32 $2.000000030e-01, v8  }
0x1a9: {  	v3 =	vmax.f32 v3, v36;
	v7 =	vmax.f32 v7, v37  }
0x1aa: {  	v5 =	vmax.f32 v5, v38;
	v8 =	vmax.f32 v8, v39;
	v3 =	vsub.f32 v3, v7  }
0x1ab: {  	v5 =	vsub.f32 v5, v8  }
0x1ac: {  	v3 =	vmul.f32 $1.442695020e+00, v3  }
0x1ad: {  	v5 =	vmul.f32 $1.442695020e+00, v5  }
0x1ae: {  	(erf) = vpow2.f32 v3  }
0x1af: {  	(erf) = vpow2.f32 v5;
	_ =	sdelay $0x6  }
0x1b0: {  	s7 =	sadd.s32 $0xC0, s4  }
0x1b1: {  	p3 =	slt.u32 s7, $0x50910;
	v3 =	vpop (erf)  }
0x1b2: {  	v5 =	vpop (erf);
	v3 =	vpsel !p3, $0x0, v3  }
0x1b3: {  	v5 =	vpsel !p3, $0x0, v5;
	[tilespmem:$0x9FC0] =	vst v3  }
0x1b4: {  	[tilespmem:$0xA040] =	vst v5  }
0x1b5: {  	[tilespmem:v4+s30+$0x0] =	vst.idx.add.f32.msk $0xffff, v3  }
0x1b6: {  	[tilespmem:v33+s30+$0x0] =	vst.idx.add.f32.msk $0xffff, v5  }
0x1b7: {  	v3 =	vld [tilespmem:$0x9E50]  }
0x1b8: {  	v4 =	vld [tilespmem:$0x9F50];
	_ =	sdelay $0x3  }
0x1b9: {  	v3 =	vshll.u32 v3, $0x1  }
0x1ba: {  	v4 =	vshll.u32 v4, $0x1  }
0x1bb: {  	v40 =	vor.u32 $0x1, v3  }
0x1bc: {  	v41 =	vor.u32 $0x1, v4;
	_ =	sdelay $0x1  }
0x1bd: {  	v3 =	vld.idx.msk [tilespmem:v3+s1+$0x0], $0xffff  }
0x1be: {  	v42 =	vld.idx.msk [tilespmem:v4+s22+$0x0], $0xffff  }
0x1bf: {  	v5 =	vld.idx.msk [tilespmem:v40+s1+$0x0], $0xffff  }
0x1c0: {  	v43 =	vld.idx.msk [tilespmem:v41+s22+$0x0], $0xffff;
	_ =	sdelay $0x3  }
0x1c1: {  	v3 =	vadd.f32 v42, v3;
	v7 =	vadd.f32 v42, v1  }
0x1c2: {  	v5 =	vadd.f32 v43, v5;
	v8 =	vadd.f32 v43, v2  }
0x1c3: {  	v44 =	vmul.f32 $2.000000030e-01, v3;
	v45 =	vmul.f32 $2.000000030e-01, v7  }
0x1c4: {  	v46 =	vmul.f32 $2.000000030e-01, v5;
	v47 =	vmul.f32 $2.000000030e-01, v8  }
0x1c5: {  	v3 =	vmax.f32 v3, v44;
	v7 =	vmax.f32 v7, v45  }
0x1c6: {  	v5 =	vmax.f32 v5, v46;
	v8 =	vmax.f32 v8, v47;
	v3 =	vsub.f32 v3, v7  }
0x1c7: {  	v5 =	vsub.f32 v5, v8  }
0x1c8: {  	v3 =	vmul.f32 $1.442695020e+00, v3  }
0x1c9: {  	v5 =	vmul.f32 $1.442695020e+00, v5  }
0x1ca: {  	(erf) = vpow2.f32 v3  }
0x1cb: {  	(erf) = vpow2.f32 v5;
	_ =	sdelay $0x6  }
0x1cc: {  	s6 =	sadd.s32 $0xD0, s4  }
0x1cd: {  	p4 =	slt.u32 s6, $0x50910;
	v3 =	vpop (erf)  }
0x1ce: {  	v5 =	vpop (erf);
	v3 =	vpsel !p4, $0x0, v3  }
0x1cf: {  	v5 =	vpsel !p4, $0x0, v5;
	[tilespmem:$0x9FD0] =	vst v3  }
0x1d0: {  	[tilespmem:$0xA050] =	vst v5  }
0x1d1: {  	[tilespmem:v4+s30+$0x0] =	vst.idx.add.f32.msk $0xffff, v3  }
0x1d2: {  	[tilespmem:v41+s30+$0x0] =	vst.idx.add.f32.msk $0xffff, v5  }
0x1d3: {  	v3 =	vld [tilespmem:$0x9E60]  }
0x1d4: {  	v4 =	vld [tilespmem:$0x9F60];
	_ =	sdelay $0x3  }
0x1d5: {  	v3 =	vshll.u32 v3, $0x1  }
0x1d6: {  	v4 =	vshll.u32 v4, $0x1  }
0x1d7: {  	v48 =	vor.u32 $0x1, v3  }
0x1d8: {  	v49 =	vor.u32 $0x1, v4;
	_ =	sdelay $0x1  }
0x1d9: {  	v3 =	vld.idx.msk [tilespmem:v3+s1+$0x0], $0xffff  }
0x1da: {  	v50 =	vld.idx.msk [tilespmem:v4+s22+$0x0], $0xffff  }
0x1db: {  	v5 =	vld.idx.msk [tilespmem:v48+s1+$0x0], $0xffff  }
0x1dc: {  	v51 =	vld.idx.msk [tilespmem:v49+s22+$0x0], $0xffff;
	_ =	sdelay $0x3  }
0x1dd: {  	v3 =	vadd.f32 v50, v3;
	v7 =	vadd.f32 v50, v1  }
0x1de: {  	v5 =	vadd.f32 v51, v5;
	v8 =	vadd.f32 v51, v2  }
0x1df: {  	v52 =	vmul.f32 $2.000000030e-01, v3;
	v53 =	vmul.f32 $2.000000030e-01, v7  }
0x1e0: {  	v54 =	vmul.f32 $2.000000030e-01, v5;
	v55 =	vmul.f32 $2.000000030e-01, v8  }
0x1e1: {  	v3 =	vmax.f32 v3, v52;
	v7 =	vmax.f32 v7, v53  }
0x1e2: {  	v5 =	vmax.f32 v5, v54;
	v8 =	vmax.f32 v8, v55;
	v3 =	vsub.f32 v3, v7  }
0x1e3: {  	v5 =	vsub.f32 v5, v8  }
0x1e4: {  	v3 =	vmul.f32 $1.442695020e+00, v3  }
0x1e5: {  	v5 =	vmul.f32 $1.442695020e+00, v5  }
0x1e6: {  	(erf) = vpow2.f32 v3  }
0x1e7: {  	(erf) = vpow2.f32 v5;
	_ =	sdelay $0x6  }
0x1e8: {  	s7 =	sadd.s32 $0xE0, s4  }
0x1e9: {  	p5 =	slt.u32 s7, $0x50910;
	v3 =	vpop (erf)  }
0x1ea: {  	v5 =	vpop (erf);
	v3 =	vpsel !p5, $0x0, v3  }
0x1eb: {  	v5 =	vpsel !p5, $0x0, v5;
	[tilespmem:$0x9FE0] =	vst v3  }
0x1ec: {  	[tilespmem:$0xA060] =	vst v5  }
0x1ed: {  	[tilespmem:v4+s30+$0x0] =	vst.idx.add.f32.msk $0xffff, v3  }
0x1ee: {  	[tilespmem:v49+s30+$0x0] =	vst.idx.add.f32.msk $0xffff, v5  }
0x1ef: {  	v3 =	vld [tilespmem:$0x9E70]  }
0x1f0: {  	v4 =	vld [tilespmem:$0x9F70];
	_ =	sdelay $0x3  }
0x1f1: {  	v3 =	vshll.u32 v3, $0x1  }
0x1f2: {  	v4 =	vshll.u32 v4, $0x1  }
0x1f3: {  	v56 =	vor.u32 $0x1, v3  }
0x1f4: {  	v57 =	vor.u32 $0x1, v4;
	_ =	sdelay $0x1  }
0x1f5: {  	v3 =	vld.idx.msk [tilespmem:v3+s1+$0x0], $0xffff  }
0x1f6: {  	v58 =	vld.idx.msk [tilespmem:v4+s22+$0x0], $0xffff  }
0x1f7: {  	v5 =	vld.idx.msk [tilespmem:v56+s1+$0x0], $0xffff  }
0x1f8: {  	v59 =	vld.idx.msk [tilespmem:v57+s22+$0x0], $0xffff;
	_ =	sdelay $0x3  }
0x1f9: {  	v3 =	vadd.f32 v58, v3;
	v7 =	vadd.f32 v58, v1  }
0x1fa: {  	v5 =	vadd.f32 v59, v5;
	v8 =	vadd.f32 v59, v2  }
0x1fb: {  	v60 =	vmul.f32 $2.000000030e-01, v3;
	v61 =	vmul.f32 $2.000000030e-01, v7  }
0x1fc: {  	v62 =	vmul.f32 $2.000000030e-01, v5;
	v63 =	vmul.f32 $2.000000030e-01, v8  }
0x1fd: {  	v3 =	vmax.f32 v3, v60;
	v7 =	vmax.f32 v7, v61  }
0x1fe: {  	v5 =	vmax.f32 v5, v62;
	v8 =	vmax.f32 v8, v63;
	v3 =	vsub.f32 v3, v7  }
0x1ff: {  	v5 =	vsub.f32 v5, v8  }
0x200: {  	v3 =	vmul.f32 $1.442695020e+00, v3  }
0x201: {  	v5 =	vmul.f32 $1.442695020e+00, v5  }
0x202: {  	(erf) = vpow2.f32 v3  }
0x203: {  	(erf) = vpow2.f32 v5;
	_ =	sdelay $0x6  }
0x204: {  	s4 =	sadd.s32 $0xF0, s4  }
0x205: {  	p6 =	slt.u32 s4, $0x50910;
	v3 =	vpop (erf)  }
0x206: {  	v5 =	vpop (erf);
	v3 =	vpsel !p6, $0x0, v3  }
0x207: {  	v5 =	vpsel !p6, $0x0, v5;
	[tilespmem:$0x9FF0] =	vst v3  }
0x208: {  	[tilespmem:$0xA070] =	vst v5  }
0x209: {  	[tilespmem:v4+s30+$0x0] =	vst.idx.add.f32.msk $0xffff, v3  }
0x20a: {  	s6 =	sadd.s32 s24, s20;
	[tilespmem:v57+s30+$0x0] =	vst.idx.add.f32.msk $0xffff, v5  }
0x20b: {  	[hbm4b:s6+s1] =	stream.linear.scatter [tilespmem:s31], [sflag:$0x3], $0x80, $0x38;
	[tilespmem:$0x14A80] =	vst v63  }
0x20c: {  	_ =	swait.ge [sflag:s21], $0x80  }
0x20d: {  	[sflag:s21] =	ssyncset.done $0x0  }
.Ltmp1:
0x20e: {  	s7 =	sadd.s32 s24, s19;
	[sflag:s21] =	ssyncadd.s32 $0xFFFFFF80;
	(pc) =	sbr.rel @p0 .LBB2_6-.Ltmp1, $4  }
0x20f: {  	[hbm4b:s7+s1] =	stream.linear.scatter [tilespmem:s0], [sflag:$0x3], $0x80, $0x38;
	[tilespmem:$0x14A80] =	vst v63  }
0x210: {  	_ =	swait.ge [sflag:s21], $0x80  }
0x211: {  	[sflag:s21] =	ssyncset.done $0x0  }
0x212: {  	[sflag:s21] =	ssyncadd.s32 $0xFFFFFF80  }
.Ltmp2:
0x213: {  	s4 =	sadd.s32 s24, s17;
	(pc) =	sbr.rel .LBB2_4-.Ltmp2, $4  }
0x214: {  	s7 =	sadd.s32 s24, s18;
	s4 =	sadd.s32 $0x30, s4  }
0x215: {  	[tilespmem:s26], [sflag:$0x2] =	stream.linear.gather [hbm4b:s4+s1], $0x80, $0x38;
	[tilespmem:$0x14A80] =	vst v63  }
0x216: {  	s3 =	sadd.s32 $0x100, s3;
	s24 =	sadd.s32 $0x20, s24;
	s4 =	sadd.s32 $0x30, s7  }
0x217: {  	[tilespmem:s28], [sflag:$0x2] =	stream.linear.gather [hbm4b:s4+s1], $0x80, $0x38;
	[tilespmem:$0x14A80] =	vst v63  }
.LBB2_6:
0x218: {  	[spmem:s10] =	stream.linear.scatter [tilespmem:s30], [sflag:$0x3], $0x5000, $0x38;
	[tilespmem:$0x14A80] =	vst v63  }
0x219: {  	_ =	swait.ge [sflag:s21], $0x5000  }
0x21a: {  	[sflag:s21] =	ssyncset.done $0x0  }
0x21b: {  	s3 =	simm.s32 $0x0;
	[sflag:s21] =	ssyncadd.s32 $0xFFFFB000  }
0x21c: {  	s4 =	simm.s32 $0x40;
	s24 =	simm.s32 $0x0;
	[bflag:$0x0] =	sbarrier.arrive $0xFFFF  }
.LBB2_7:
0x21d: {  	p0 =	sne.s32 s4, $0x13C0;
	[tilespmem:s24+$0xF080] =	vst v0;
	s5 =	smov.u32 s4;
	s4 =	sadd.s32 $0x40, s4  }
.Ltmp3:
0x21e: {  	(pc) =	sbr.rel @p0 .LBB2_7-.Ltmp3, $2  }
0x21f: {  	_ =	sdelay $0x2  }
0x220: {  	s24 =	sshra.s32 s5, $0x2  }
0x221: {  	[tilespmem:s24+$0xF080] =	vst v0  }
.LBB2_9:
0x222: {  	s4 =	smul.u32 $0x14000, s3;
	_ =	sdelay $0x1  }
0x223: {  	s4 =	sshra.s32 s4, $0x2  }
0x224: {  	s4 =	sadd.s32 s4, s11  }
0x225: {  	[tilespmem:s23], [sflag:$0x3] =	stream.linear.gather [spmem:s4], $0x500, $0x38;
	[tilespmem:$0x14A80] =	vst v63  }
0x226: {  	_ =	swait.ge [sflag:s21], $0x500  }
0x227: {  	[sflag:s21] =	ssyncset.done $0x0  }
0x228: {  	s4 =	simm.s32 $0x0;
	[sflag:s21] =	ssyncadd.s32 $0xFFFFFB00  }
0x229: {  	s24 =	simm.s32 $0x40;
	v1 =	vld [tilespmem:s4+$0xF580]  }
.LBB2_10:
0x22a: {  	p0 =	sne.s32 s24, $0x13C0;
	v2 =	vld [tilespmem:s4+$0xF080];
	_ =	sdelay $0x2  }
.Ltmp4:
0x22b: {  	(pc) =	sbr.rel @p0 .LBB2_10-.Ltmp4, $4  }
0x22c: {  	_ = 	snop  }
0x22d: {  	v2 =	vadd.f32 v1, v2  }
0x22e: {  	s5 =	sshra.s32 s24, $0x2  }
0x22f: {  	s24 =	sadd.s32 $0x40, s24;
	v1 =	vld [tilespmem:s5+$0xF580];
	[tilespmem:s4+$0xF080] =	vst v2;
	s4 =	smov.u32 s5  }
0x230: {  	v2 =	vld [tilespmem:s4+$0xF080]  }
0x231: {  	s3 =	sadd.s32 $0x1, s3  }
0x232: {  	p0 =	sne.s32 s3, $0x10  }
.Ltmp5:
0x233: {  	_ = 	snop;
	(pc) =	sbr.rel @p0 .LBB2_9-.Ltmp5, $3  }
0x234: {  	_ = 	snop  }
0x235: {  	v1 =	vadd.f32 v1, v2;
	_ =	sdelay $0x1  }
0x236: {  	[tilespmem:s4+$0xF080] =	vst v1  }
0x237: {  	s25 =	sadd.s32 $0x1, s25  }
0x238: {  	p0 =	sne.s32 s25, s13  }
.Ltmp6:
0x239: {  	s3 =	simm.s32 $0xF080;
	(pc) =	sbr.rel @p0 .LBB2_1-.Ltmp6, $4  }
0x23a: {  	[hbm4b:s12+s1] =	stream.linear.scatter [tilespmem:s3], [sflag:$0x3], $0x500, $0x38;
	[tilespmem:$0x14A80] =	vst v63  }
0x23b: {  	_ =	swait.ge [sflag:s21], $0x500  }
0x23c: {  	[sflag:s21] =	ssyncset.done $0x0  }
0x23d: {  	[sflag:s21] =	ssyncadd.s32 $0xFFFFFB00  }
0x23e: {  	_ =	sfence.sel $0x180000  }
0x23f: {  	[bflag:$0x0] =	sbarrier.arrive $0xFFFF  }
0x240: {  	_ =	strace $0x90000047  }
0x241: {  	s0 =	stileid.u32;
	[bflag:$0x2] =	sbarrier.arrive $0xFFFF  }
0x242: {  	p0 =	sne.s32 s0, $0x0;
	s0 =	rddreg [dreg:$0x2]  }
0x243: {  	s0 =	sadd.s32 @!p0 $0x100000, s0  }
0x244: {  	[sflag:s0] =	ssyncadd.tile.s32 @!p0 $0x1;
	_ =	shalt  }
.Lfunc_end2:
_tile_overlayer_lowered:
.L_overlay_start_2:
0x245: {  	(tag) =	ssettag $0x2  }
0x246: {  	s0 =	rddreg [dreg:$0x0];
	s2 =	stileid.u32  }
0x247: {  	s1 =	rddreg [dreg:$0x1];
	p0 =	sne.s32 s2, $0x0  }
0x248: {  	s3 =	rddreg [dreg:$0x2];
	[bflag:$0x3] =	sbarrier.arrive $0xFFFF;
	s2 =	simm.s32 @!p0 $0x1C03  }
0x249: {  	[timem:s3], [sflag:s2] =	dma.local @!p0 [hbm:s0], s1  }
0x24a: {  	s0 =	simm.s32 @!p0 $0x3  }
0x24b: {  	_ =	swait.ge @!p0 [sflag:s0], s1  }
0x24c: {  	s1 =	ssub.s32 @!p0 $0x0, s1;
	[sflag:s0] =	ssyncset.done @!p0 $0x0  }
0x24d: {  	[sflag:s0] =	ssyncadd.s32 @!p0 s1  }
0x24e: {  	[bflag:$0x3] =	sbarrier.arrive $0xFFFF  }
0x24f: {  	_ =	shalt  }

// kernel: kernel.9.cloned.1.call-start
scs
__scs_entry_jumppad:
0x0: {  	(pc) =	sbr.rel $0x88, $3  }
0x1: {  	(tag) =	ssettag $0x0;
	lr =	simm.s32 $0x1  }
0x2: {  	[smem:$0x3F9B] =	sst lr;
	_ =	strace $0xD0000000  }
0x3: {  	_ = 	snop  }
0x4: {  	_ = 	snop  }
0x5: {  	_ = 	snop  }
0x6: {  	_ = 	snop  }
0x7: {  	_ = 	snop  }
__scs_overlays_trampoline_lowered:
0x8: {  	[smem:$0x3FAA] =	sst s0  }
0x9: {  	[smem:$0x3FAB] =	sst s1  }
0xa: {  	[smem:$0x3FAC] =	sst s2  }
0xb: {  	[smem:$0x3FAD] =	sst s3  }
0xc: {  	[smem:$0x3FAE] =	sst s4  }
0xd: {  	[smem:$0x3FAF] =	sst s5  }
0xe: {  	[smem:$0x3FB0] =	sst s6  }
0xf: {  	[smem:$0x3FB1] =	sst s7  }
0x10: {  	[smem:$0x3FB2] =	sst s8  }
0x11: {  	[smem:$0x3FB3] =	sst s9;
	s0 =	simm.s32 @!p0 $0x0  }
0x12: {  	s1 =	sld [smem:$0x3F99];
	s0 =	simm.s32 @p0 $0x1  }
0x13: {  	[smem:$0x3FB4] =	sst s0;
	s0 =	simm.s32 @!p1 $0x0  }
0x14: {  	s2 =	sld [smem:$0x3F98];
	s0 =	simm.s32 @p1 $0x1  }
0x15: {  	[smem:$0x3FB5] =	sst s0;
	s0 =	simm.s32 @!p2 $0x0  }
0x16: {  	s3 =	sld [smem:$0x3FDB];
	s0 =	simm.s32 @p2 $0x1  }
0x17: {  	s4 =	simm.s32 $0x1BF5;
	[smem:$0x3FB7] =	sst s0  }
0x18: {  	s0 =	sld [smem:$0x3F9A];
	_ =	swait.ge [sflag:s4], $0x0  }
0x19: {  	s7 =	sld [smem:$0x3F9B]  }
0x1a: {  	s8 =	sadd.s32 $0xFFFFE003, lr  }
0x1b: {  	s9 =	sadd.s32 $0xFFFFFEF7, lr;
	s5 =	simm.s32 $0xFFFFFFFF;
	p2 =	slt.u32 s8, $0xFFFFF086  }
0x1c: {  	p1 =	slt.u32 s9, $0xF7A;
	s5 =	simm.s32 @!p2 $0x0  }
0x1d: {  	s5 =	simm.s32 @p1 $0x1;
	p0 =	seq.s32 s7, s2  }
0x1e: {  	s7 =	smul.u32 @!p0 $0xF7A, s2;
	p2 =	seq.s32 @!p0 s5, $0x0  }
0x1f: {  	s9 =	smul.u32 $0xF7A, s1;
	s8 =	simm.s32 @!p0 $0x1BF5;
	p2 =	por !p2, p0  }
0x20: {  	[sflag:s8] =	ssyncset.s32 @!p0 $0xFFFFF086;
	s6 =	sadd.s32 @!p0 s3, s7;
	s7 =	simm.s32 @!p0 $0x108  }
0x21: {  	s3 =	sadd.s32 s3, s9;
	s6 =	sadd.s32 @!p0 $0x88, s6;
	s7 =	simm.s32 @p2 $0x1082  }
0x22: {  	[simem:s7], [sflag:s8] =	dma.local @!p0 [hbm:s6], $0xF7A  }
0x23: {  	s9 =	sor.u32 $0xD0000000, s2;
	s6 =	simm.s32 $0x108;
	_ =	swait.ge @!p0 [sflag:s8], $0x0  }
0x24: {  	s3 =	sadd.s32 $0x88, s3;
	s6 =	simm.s32 @!p1 $0x1082;
	[sflag:s4] =	ssyncset.s32 $0xFFFFF086  }
0x25: {  	[simem:s6], [sflag:s4] =	dma.local [hbm:s3], $0xF7A  }
0x26: {  	[smem:$0x3F9B] =	sst s1;
	(tag) =	ssettag s2;
	_ =	strace s9  }
0x27: {  	s1 =	sld [smem:$0x3FAB]  }
0x28: {  	s2 =	sld [smem:$0x3FAC]  }
0x29: {  	s4 =	sld [smem:$0x3FAE]  }
0x2a: {  	p0 =	seq.s32 s5, $0x0;
	s5 =	sld [smem:$0x3FAF]  }
0x2b: {  	s6 =	sld [smem:$0x3FB0]  }
0x2c: {  	s7 =	sld [smem:$0x3FB1]  }
0x2d: {  	s3 =	simm.s32 $0x108;
	s8 =	sld [smem:$0x3FB2]  }
0x2e: {  	s3 =	simm.s32 @!p0 $0x1082;
	s9 =	sld [smem:$0x3FB3]  }
0x2f: {  	lr =	sadd.s32 s0, s3;
	s0 =	sld [smem:$0x3FAA]  }
0x30: {  	s3 =	sld [smem:$0x3FAD]  }
0x31: {  	[smem:$0x3FB6] =	sst s10  }
0x32: {  	s10 =	sld [smem:$0x3FB4];
	_ =	sdelay $0x3  }
0x33: {  	p0 =	seq.s32 s10, $0x1;
	s10 =	sld [smem:$0x3FB6];
	_ =	sdelay $0x3  }
0x34: {  	[smem:$0x3FB6] =	sst s10  }
0x35: {  	s10 =	sld [smem:$0x3FB5];
	_ =	sdelay $0x3  }
0x36: {  	p1 =	seq.s32 s10, $0x1;
	s10 =	sld [smem:$0x3FB6];
	_ =	sdelay $0x3  }
0x37: {  	[smem:$0x3FB6] =	sst s10  }
0x38: {  	s10 =	sld [smem:$0x3FB7]  }
0x39: {  	_ = 	snop;
	(pc) =	sbr.ind lr, $3  }
0x3a: {  	_ = 	snop  }
0x3b: {  	_ = 	snop  }
0x3c: {  	p2 =	seq.s32 s10, $0x1;
	s10 =	sld [smem:$0x3FB6]  }
0x3d: {  	_ =	shalt  }
0x3e: {  	_ =	shalt  }
0x3f: {  	_ =	shalt  }
0x40: {  	_ =	shalt  }
0x41: {  	_ =	shalt  }
0x42: {  	_ =	shalt  }
0x43: {  	_ =	shalt  }
0x44: {  	_ =	shalt  }
0x45: {  	_ =	shalt  }
0x46: {  	_ =	shalt  }
0x47: {  	_ =	shalt  }
0x48: {  	_ =	shalt  }
0x49: {  	_ =	shalt  }
0x4a: {  	_ =	shalt  }
0x4b: {  	_ =	shalt  }
0x4c: {  	_ =	shalt  }
0x4d: {  	_ =	shalt  }
0x4e: {  	_ =	shalt  }
0x4f: {  	_ =	shalt  }
0x50: {  	_ =	shalt  }
0x51: {  	_ =	shalt  }
0x52: {  	_ =	shalt  }
0x53: {  	_ =	shalt  }
0x54: {  	_ =	shalt  }
0x55: {  	_ =	shalt  }
0x56: {  	_ =	shalt  }
0x57: {  	_ =	shalt  }
0x58: {  	_ =	shalt  }
0x59: {  	_ =	shalt  }
0x5a: {  	_ =	shalt  }
0x5b: {  	_ =	shalt  }
0x5c: {  	_ =	shalt  }
0x5d: {  	_ =	shalt  }
0x5e: {  	_ =	shalt  }
0x5f: {  	_ =	shalt  }
0x60: {  	_ =	shalt  }
0x61: {  	_ =	shalt  }
0x62: {  	_ =	shalt  }
0x63: {  	_ =	shalt  }
0x64: {  	_ =	shalt  }
0x65: {  	_ =	shalt  }
0x66: {  	_ =	shalt  }
0x67: {  	_ =	shalt  }
0x68: {  	_ =	shalt  }
0x69: {  	_ =	shalt  }
0x6a: {  	_ =	shalt  }
0x6b: {  	_ =	shalt  }
0x6c: {  	_ =	shalt  }
0x6d: {  	_ =	shalt  }
0x6e: {  	_ =	shalt  }
0x6f: {  	_ =	shalt  }
0x70: {  	_ =	shalt  }
0x71: {  	_ =	shalt  }
0x72: {  	_ =	shalt  }
0x73: {  	_ =	shalt  }
0x74: {  	_ =	shalt  }
0x75: {  	_ =	shalt  }
0x76: {  	_ =	shalt  }
0x77: {  	_ =	shalt  }
0x78: {  	_ =	shalt  }
0x79: {  	_ =	shalt  }
0x7a: {  	_ =	shalt  }
0x7b: {  	_ =	shalt  }
0x7c: {  	_ =	shalt  }
0x7d: {  	_ =	shalt  }
0x7e: {  	_ =	shalt  }
0x7f: {  	_ =	shalt  }
0x80: {  	_ =	shalt  }
0x81: {  	_ =	shalt  }
0x82: {  	_ =	shalt  }
0x83: {  	_ =	shalt  }
0x84: {  	_ =	shalt  }
0x85: {  	_ =	shalt  }
0x86: {  	_ =	shalt  }
0x87: {  	_ =	shalt  }
.Lfunc_end0:
.L_simem_size_0:
called_computation.1_lowered:
.L_overlay_start_0:
0x88: {  	s2 =	sld [smem:$0x3FD9]  }
0x89: {  	s3 =	sld [smem:$0x3FFE];
	_ =	sdelay $0x1  }
0x8a: {  	s1 =	srdreg.scid  }
0x8b: {  	s0 =	sand.u32 $0x1, s1  }
0x8c: {  	s17 =	sshll.u32 s0, $0xA;
	s2 =	sadd.s32 s3, s2  }
0x8d: {  	s2 =	sadd.s32 s2, s17  }
0x8e: {  	[smem:$0x3FC2] =	sst s2  }
0x8f: {  	_ = 	snop  }
0x90: {  	s2 =	sld [smem:$0x3FD0];
	(tm) =	ssettm $0x1  }
0x91: {  	s18 =	sld [smem:$0x3FFB];
	_ =	sdelay $0x3  }
0x92: {  	_ =	strace s18  }
0x93: {  	s3 =	sld [smem:$0x3FFC];
	_ =	sdelay $0x3  }
0x94: {  	_ =	strace s3  }
0x95: {  	s3 =	sld [smem:$0x3FFD];
	_ =	sdelay $0x3  }
0x96: {  	_ =	strace s3  }
0x97: {  	_ =	strace $0x8FFFFFFF  }
0x98: {  	s19 =	sld [smem:$0x3FDB];
	_ =	sdelay $0x1  }
0x99: {  	s4 =	simm.s32 $_scs_section_size  }
0x9a: {  	s5 =	simm.s32 $_size__tile_overlayer_lowered;
	s6 =	simm.s32 $_tile_overlayer_lowered  }
0x9b: {  	s22 =	simm.s32 $0x1BFF;
	s21 =	sshll.u32 s6, $0x1;
	s3 =	sadd.s32 s4, s19  }
0x9c: {  	s7 =	simm.s32 $0x0;
	s20 =	sshll.u32 s5, $0x1;
	s5 =	sadd.s32 s21, s3  }
0x9d: {  	[timem:s7], [sflag:s22] =	dma.local [hbm:s5], s20  }
0x9e: {  	_ =	swait.ge [sflag:s22], s20  }
0x9f: {  	s4 =	ssub.s32 $0x0, s20;
	[sflag:s22] =	ssyncset.done $0x0  }
0xa0: {  	[sflag:s22] =	ssyncadd.s32 s4;
	_ =	sdelay $0x1  }
0xa1: {  	s23 =	simm.s32 $0x1B8B  }
0xa2: {  	_ =	swait.ge [sflag:s23], $0x1  }
0xa3: {  	[sflag:s23] =	ssyncset.done $0x0  }
0xa4: {  	s25 =	simm.s32 $0x1B8E;
	s24 =	sld [smem:$0x3FFE];
	[sflag:s23] =	ssyncadd.s32 $0xFFFFFFFF  }
0xa5: {  	s26 =	simm.s32 $execute0_lowered;
	[smem:$0x3FD2] =	sst s25  }
0xa6: {  	s5 =	sshll.u32 s26, $0x1;
	_ =	strace $0x80000049;
	[dreg:$0x1] =	wrdreg $0xFFFFFFFF  }
0xa7: {  	s28 =	simm.s32 $_size_execute0_lowered;
	s3 =	sadd.s32 s3, s5;
	[dreg:$0x0] =	wrdreg $0x0  }
0xa8: {  	s5 =	sshll.u32 s28, $0x1;
	[dreg:$0x2] =	wrdreg s3  }
0xa9: {  	[dreg:$0x3] =	wrdreg s5  }
0xaa: {  	[dreg:$0x4] =	wrdreg $0xC0  }
0xab: {  	_ =	task [dreg:s7], $0x5FFFF  }
0xac: {  	[dreg:$0x1] =	wrdreg $0xFFFFFFFF  }
0xad: {  	[dreg:$0x0] =	wrdreg $0x60  }
0xae: {  	[dreg:$0x2] =	wrdreg s2  }
0xaf: {  	[dreg:$0x3] =	wrdreg s24  }
0xb0: {  	[dreg:$0x4] =	wrdreg $0x84000  }
0xb1: {  	[dreg:$0x5] =	wrdreg $0x9  }
0xb2: {  	_ =	task.clear_ibuf [dreg:s7], $0x6FFFF;
	_ =	strace $0x90000049  }
0xb3: {  	s29 =	simm.s32 $0x9;
	_ =	strace $0x8000004B  }
0xb4: {  	_ =	swait.ge [sflag:s29], $0x1  }
0xb5: {  	[sflag:s29] =	ssyncadd.s32 $0xFFFFFFFF  }
0xb6: {  	_ =	strace $0x9000004B  }
0xb7: {  	_ =	sfence  }
0xb8: {  	s30 =	sld [smem:$0x0];
	_ =	sdelay $0x2  }
0xb9: {  	s31 =	sshll.u32 s1, $0xD;
	s1 =	sshrl.u32 s1, $0x2  }
0xba: {  	s3 =	sand.u32 $0x4000, s31;
	s1 =	sadd.s32 s1, s30  }
0xbb: {  	s0 =	sor.u32 s3, s0;
	s1 =	sshll.u32 s1, $0x11  }
0xbc: {  	s0 =	sor.u32 s1, s0  }
0xbd: {  	s0 =	sadd.s32 $0x8F2B, s0  }
0xbe: {  	[sflag:s0] =	ssyncadd.remote.s32 $0x1  }
0xbf: {  	_ =	sfence.sel $0xFFFF  }
0xc0: {  	[dreg:$0x0] =	wrdreg $0xFFFFFFFF;
	(pc) =	sbr.abs _section_cstart, $3  }
0xc1: {  	[dreg:$0x1] =	wrdreg $0xFFFFFFFF  }
0xc2: {  	_ =	task.clear_ibuf [dreg:s7], $0x2FFFF;
	_ =	strace $0x9FFFFFFF  }
0xc3: {  	(tm) =	ssettm $0x7FFFFFFF  }
tec
execute0_lowered:
.L_overlay_start_1:
0x0: {  	(tag) =	ssettag $0x1  }
0x1: {  	s1 =	rddreg [dreg:$0x0]  }
0x2: {  	s0 =	rddreg [dreg:$0x1]  }
0x3: {  	s2 =	rddreg [dreg:$0x2];
	s3 =	simm.s32 $0x0;
	s16 =	stileid.u32  }
0x4: {  	s4 =	srdreg.scid;
	s28 =	simm.s32 $0x100;
	s29 =	simm.s32 $0x200  }
0x5: {  	s30 =	simm.s32 $0x280;
	s31 =	simm.s32 $0x80;
	[smem:$0x7FF] =	sst s3  }
0x6: {  	s5 =	sadd.s32 $0x1600, s0;
	s6 =	sadd.s32 $0xBA00, s0;
	s7 =	sadd.s32 $0x18800, s0  }
0x7: {  	s9 =	smul.u32 $0x2700, s16;
	s4 =	sand.u32 $0x1, s4;
	s8 =	sadd.s32 $0x22C00, s0  }
0x8: {  	s11 =	smul.u32 $0x4E000, s16;
	s13 =	sadd.s32 $0x54200, s0;
	s25 =	sshll.u32 s16, $0x6  }
0x9: {  	s15 =	sadd.s32 $0x138000, s2;
	p0 =	sne.s32 s16, $0xF;
	_ =	strace $0x8000004A  }
0xa: {  	s10 =	ssub.s32 $0x2, s4;
	s24 =	sshll.u32 s4, $0x4;
	s18 =	smul.u32 $0x27100, s4  }
0xb: {  	[dreg:$0x6] =	wrdreg s15;
	s4 =	smul.u32 $0x138800, s4;
	s12 =	sadd.s32 s9, s0  }
0xc: {  	s14 =	sshrl.u32 s10, $0x1;
	s11 =	sshrl.u32 s11, $0x2;
	s0 =	sadd.s32 $0x54000, s0  }
0xd: {  	s10 =	ssub.s32 s10, s14;
	s14 =	sor.u32 s16, s24;
	s11 =	sadd.s32 s11, s2  }
0xe: {  	s12 =	sadd.s32 $0x2D000, s12;
	[dreg:$0x7] =	wrdreg s0;
	s0 =	sadd.s32 s9, s18  }
0xf: {  	s23 =	sshrl.u32 s4, $0x3;
	s4 =	simm.s32 $0x300;
	s9 =	simm.s32 $0x380  }
0x10: {  	s16 =	simm.s32 $0x3;
	[dreg:$0x4] =	wrdreg s11;
	s26 =	smul.u32 $0x520, s14  }
0x11: {  	s18 =	simm.s32 $0x0;
	[dreg:$0x5] =	wrdreg s12;
	s0 =	sadd.s32 s13, s0  }
0x12: {  	s11 =	sor.u32 $0x1C05, s25;
	[dreg:$0xe] =	wrdreg s0;
	s15 =	sadd.s32 s5, s26  }
0x13: {  	s14 =	smul.u32 $0x52, s14;
	s17 =	sadd.s32 s6, s26;
	[dreg:$0x8] =	wrdreg s15  }
0x14: {  	s0 =	sadd.s32 s13, s23;
	s19 =	sadd.s32 s7, s26;
	[dreg:$0x9] =	wrdreg s17  }
0x15: {  	s13 =	simm.s32 $0x2;
	s12 =	sadd.s32 s8, s26;
	[dreg:$0xa] =	wrdreg s19  }
0x16: {  	s20 =	sor.u32 $0x10, s26;
	s0 =	sadd.s32 $0x27000, s0;
	[dreg:$0xb] =	wrdreg s12  }
0x17: {  	s26 =	smax.u32 s10, $0x1;
	s10 =	simm.s32 $0x1;
	[dreg:$0x11] =	wrdreg s0  }
.Ltmp0:
0x18: {  	s21 =	sadd.s32 s5, s20;
	[dreg:$0x12] =	wrdreg s26;
	(pc) =	sbr.rel .LBB2_1-.Ltmp0, $4  }
0x19: {  	s22 =	sadd.s32 s6, s20;
	s24 =	sadd.s32 s7, s20;
	[dreg:$0xc] =	wrdreg s21  }
0x1a: {  	s25 =	sadd.s32 s8, s20;
	s26 =	simm.s32 $0x5;
	[dreg:$0xd] =	wrdreg s22  }
0x1b: {  	s0 =	simm.s32 $0x180;
	s12 =	simm.s32 $0x400;
	[dreg:$0xf] =	wrdreg s24  }
0x1c: {  	s15 =	simm.s32 $0x4400;
	s17 =	simm.s32 $0x4;
	[dreg:$0x10] =	wrdreg s25  }
.LBB2_16:
0x1d: {  	[bflag:$0x0] =	sbarrier.arrive $0xFFFF  }
0x1e: {  	s19 =	rddreg [dreg:$0xe]  }
0x1f: {  	s21 =	rddreg [dreg:$0x13]  }
0x20: {  	[hbm:s19], [sflag:s11] =	dma.local [spmem:s21], $0x2700  }
0x21: {  	_ =	swait.ge [sflag:s26], $0x2700  }
0x22: {  	[sflag:s26] =	ssyncset.done $0x0  }
0x23: {  	s19 =	rddreg [dreg:$0x11];
	[sflag:s26] =	ssyncadd.s32 $0xFFFFD900  }
0x24: {  	[hbm:s19], [sflag:s11] =	dma.local @!p0 [spmem:s20], $0x100  }
0x25: {  	s19 =	simm.s32 @!p0 $0x5  }
0x26: {  	_ =	swait.ge @!p0 [sflag:s19], $0x100  }
0x27: {  	s18 =	sadd.s32 $0x1, s18;
	s25 =	rddreg [dreg:$0x12]  }
0x28: {  	p1 =	sne.s32 s18, s25  }
.Ltmp1:
0x29: {  	_ = 	snop;
	(pc) =	sbr.rel @!p1 .LBB2_17-.Ltmp1, $3  }
0x2a: {  	_ =	sdelay $0x1  }
0x2b: {  	[sflag:s19] =	ssyncset.done @!p0 $0x0  }
0x2c: {  	[sflag:s19] =	ssyncadd.s32 @!p0 $0xFFFFFF00  }
.LBB2_1:
0x2d: {  	s19 =	rddreg [dreg:$0x4]  }
0x2e: {  	s22 =	rddreg [dreg:$0x5];
	s20 =	sshrl.u32 s19, $0x3  }
0x2f: {  	[dreg:$0x13] =	wrdreg s20  }
0x30: {  	[spmem:s20], [sflag:s11] =	dma.local [hbm:s22], $0x2700  }
0x31: {  	_ =	swait.ge [sflag:s26], $0x2700  }
0x32: {  	s21 =	simm.s32 @!p0 $0x5;
	[sflag:s26] =	ssyncset.done $0x0;
	s19 =	rddreg [dreg:$0x6]  }
0x33: {  	[sflag:s26] =	ssyncadd.s32 $0xFFFFD900;
	s20 =	sshrl.u32 @!p0 s19, $0x3;
	s19 =	rddreg [dreg:$0x7]  }
0x34: {  	[spmem:s20], [sflag:s11] =	dma.local @!p0 [hbm:s19], $0x100  }
0x35: {  	_ =	swait.ge @!p0 [sflag:s21], $0x100  }
0x36: {  	[sflag:s21] =	ssyncset.done @!p0 $0x0  }
0x37: {  	[sflag:s21] =	ssyncadd.s32 @!p0 $0xFFFFFF00  }
0x38: {  	[bflag:$0x0] =	sbarrier.arrive $0xFFFF  }
0x39: {  	s23 =	rddreg [dreg:$0x8]  }
0x3a: {  	[tilespmem:s3], [sflag:$0x1] =	stream.linear.gather [hbm4b:s23+s3], $0x80, $0x38;
	[tilespmem:$0x1BC80] =	vst v63  }
0x3b: {  	s24 =	rddreg [dreg:$0x9]  }
0x3c: {  	[tilespmem:s28], [sflag:$0x1] =	stream.linear.gather [hbm4b:s24+s3], $0x80, $0x38;
	[tilespmem:$0x1BC80] =	vst v63  }
0x3d: {  	s25 =	rddreg [dreg:$0xa]  }
0x3e: {  	[tilespmem:s29], [sflag:$0x1] =	stream.linear.gather [hbm4b:s25+s3], $0x80, $0x38;
	[tilespmem:$0x1BC80] =	vst v63  }
0x3f: {  	s21 =	rddreg [dreg:$0xb]  }
0x40: {  	[tilespmem:s30], [sflag:$0x1] =	stream.linear.gather [hbm4b:s21+s3], $0x80, $0x38;
	[tilespmem:$0x1BC80] =	vst v63  }
0x41: {  	s22 =	rddreg [dreg:$0xc]  }
0x42: {  	[tilespmem:s31], [sflag:$0x2] =	stream.linear.gather [hbm4b:s22+s3], $0x80, $0x38;
	[tilespmem:$0x1BC80] =	vst v63  }
0x43: {  	s23 =	rddreg [dreg:$0xd]  }
0x44: {  	[tilespmem:s0], [sflag:$0x2] =	stream.linear.gather [hbm4b:s23+s3], $0x80, $0x38;
	[tilespmem:$0x1BC80] =	vst v63  }
0x45: {  	s24 =	rddreg [dreg:$0xf]  }
0x46: {  	[tilespmem:s4], [sflag:$0x2] =	stream.linear.gather [hbm4b:s24+s3], $0x80, $0x38;
	[tilespmem:$0x1BC80] =	vst v63  }
0x47: {  	s25 =	rddreg [dreg:$0x10]  }
0x48: {  	[tilespmem:s9], [sflag:$0x2] =	stream.linear.gather [hbm4b:s25+s3], $0x80, $0x38;
	[tilespmem:$0x1BC80] =	vst v63  }
0x49: {  	_ =	swait.ge [sflag:s10], $0x80  }
0x4a: {  	[sflag:s10] =	ssyncset.done $0x0  }
0x4b: {  	[sflag:s10] =	ssyncadd.s32 $0xFFFFFF80  }
0x4c: {  	_ =	swait.ge [sflag:s10], $0x80  }
0x4d: {  	[sflag:s10] =	ssyncset.done $0x0  }
0x4e: {  	[sflag:s10] =	ssyncadd.s32 $0xFFFFFF80  }
0x4f: {  	_ =	swait.ge [sflag:s10], $0x80  }
0x50: {  	[sflag:s10] =	ssyncset.done $0x0  }
0x51: {  	[sflag:s10] =	ssyncadd.s32 $0xFFFFFF80  }
0x52: {  	_ =	swait.ge [sflag:s10], $0x80  }
0x53: {  	[sflag:s10] =	ssyncset.done $0x0  }
0x54: {  	s21 =	simm.s32 $0x0;
	[sflag:s10] =	ssyncadd.s32 $0xFFFFFF80  }
0x55: {  	[tilespmem:s12], [sflag:$0x3] =	stream.indirect.gather [hbm4b:s1+s31], $0x80, s3, s31, $0xb8;
	[tilespmem:$0x1BC80] =	vst v63  }
.LBB2_2:
0x56: {  	_ =	swait.ge [sflag:s13], $0x80  }
0x57: {  	[sflag:s13] =	ssyncset.done $0x0  }
0x58: {  	[sflag:s13] =	ssyncadd.s32 $0xFFFFFF80  }
0x59: {  	_ =	swait.ge [sflag:s13], $0x80  }
0x5a: {  	s22 =	sshll.u32 s21, $0x1;
	[sflag:s13] =	ssyncset.done $0x0  }
0x5b: {  	s22 =	sadd.s32 s14, s22;
	[sflag:s13] =	ssyncadd.s32 $0xFFFFFF80  }
0x5c: {  	p1 =	sgt.u32 s22, $0xA11;
	_ =	swait.ge [sflag:s13], $0x80  }
.Ltmp2:
0x5d: {  	[sflag:s13] =	ssyncset.done $0x0;
	(pc) =	sbr.rel @p1 .LBB2_4-.Ltmp2, $4  }
0x5e: {  	[sflag:s13] =	ssyncadd.s32 $0xFFFFFF80  }
0x5f: {  	_ =	swait.ge [sflag:s13], $0x80  }
0x60: {  	[sflag:s13] =	ssyncset.done $0x0  }
0x61: {  	[sflag:s13] =	ssyncadd.s32 $0xFFFFFF80  }
.Ltmp3:
0x62: {  	(pc) =	sbr.rel .LBB2_5-.Ltmp3, $2  }
0x63: {  	_ =	sdelay $0x2  }
0x64: {  	[tilespmem:s15], [sflag:$0x4] =	stream.indirect.gather [hbm4b:s1+s31], $0x80, s31, s31, $0xb8;
	[tilespmem:$0x1BC80] =	vst v63  }
.LBB2_4:
0x65: {  	p2 =	sne.s32 s22, $0xA12  }
.Ltmp4:
0x66: {  	_ = 	snop;
	(pc) =	sbr.rel @p2 .LBB2_8-.Ltmp4, $1  }
0x67: {  	_ =	sdelay $0x3  }
.LBB2_5:
0x68: {  	_ =	swait.ge [sflag:s16], $0x4000  }
0x69: {  	s23 =	simm.s32 $0x0;
	[sflag:s16] =	ssyncset.done $0x0  }
0x6a: {  	v0 =	vmov s23;
	s23 =	simm.s32 $0x440;
	[sflag:s16] =	ssyncadd.s32 $0xFFFFC000  }
0x6b: {  	v7 =	vld [tilespmem:s23+$0xFFFFFFF0]  }
0x6c: {  	v5 =	vld [tilespmem:s23+$0xFFFFFFC0]  }
0x6d: {  	v6 =	vld [tilespmem:s23+$0xFFFFFFD0]  }
0x6e: {  	v10 =	vld [tilespmem:s23+$0x0]  }
0x6f: {  	v3 =	vld.idx.msk [tilespmem:v0+s29+$0x0], $0xffff  }
0x70: {  	v2 =	vld [tilespmem:s23+$0xFFFFFFE0]  }
0x71: {  	v1 =	vld.idx.msk [tilespmem:v0+s30+$0x0], $0xffff  }
0x72: {  	v4 =	vld [tilespmem:s23+$0x20]  }
0x73: {  	v0 =	vld [tilespmem:s23+$0x30]  }
0x74: {  	v9 =	vmul.f32 v5, v3;
	v5 =	vld [tilespmem:s23+$0x10]  }
0x75: {  	v6 =	vmul.f32 v6, v3  }
0x76: {  	s24 =	simm.s32 $0x1;
	s25 =	simm.s32 $0x440;
	v8 =	vmul.f32 v7, v3;
	v7 =	vmul.f32 v10, v1  }
.LBB2_6:
0x77: {  	p2 =	sne.s32 s24, $0x7F  }
0x78: {  	[tilespmem:s23+$0xFFFFFFC0] =	vst v9;
	v2 =	vmul.f32 v2, v3;
	v3 =	vmul.f32 v4, v1;
	s25 =	sadd.s32 $0x80, s25;
	s19 =	smov.u32 s24;
	s24 =	sadd.s32 $0x1, s24  }
0x79: {  	v0 =	vmul.f32 v0, v1;
	[tilespmem:s23+$0xFFFFFFF0] =	vst v8;
	v4 =	vmul.f32 v5, v1  }
0x7a: {  	[tilespmem:s23+$0xFFFFFFD0] =	vst v6  }
0x7b: {  	v1 =	vmov s19;
	v8 =	vld [tilespmem:s25+$0xFFFFFFF0];
	[tilespmem:s23+$0x0] =	vst v7  }
0x7c: {  	v6 =	vld [tilespmem:s25+$0xFFFFFFC0];
	[tilespmem:s23+$0xFFFFFFE0] =	vst v2  }
0x7d: {  	v2 =	vld [tilespmem:s25+$0xFFFFFFE0];
	[tilespmem:s23+$0x30] =	vst v0  }
0x7e: {  	v0 =	vld [tilespmem:s25+$0x30];
	[tilespmem:s23+$0x10] =	vst v4  }
0x7f: {  	v7 =	vld [tilespmem:s25+$0xFFFFFFD0];
	[tilespmem:s23+$0x20] =	vst v3;
	s23 =	smov.u32 s25  }
0x80: {  	v3 =	vld.idx.msk [tilespmem:v1+s29+$0x0], $0xffff  }
0x81: {  	v1 =	vld.idx.msk [tilespmem:v1+s30+$0x0], $0xffff  }
0x82: {  	v10 =	vld [tilespmem:s25+$0x0]  }
.Ltmp5:
0x83: {  	v4 =	vld [tilespmem:s25+$0x20];
	(pc) =	sbr.rel @p2 .LBB2_6-.Ltmp5, $3  }
0x84: {  	v5 =	vld [tilespmem:s25+$0x10];
	_ =	sdelay $0x1  }
0x85: {  	v9 =	vmul.f32 v6, v3;
	v6 =	vmul.f32 v7, v3  }
0x86: {  	v8 =	vmul.f32 v8, v3;
	v7 =	vmul.f32 v10, v1  }
0x87: {  	[tilespmem:s23+$0xFFFFFFC0] =	vst v9  }
0x88: {  	[tilespmem:s23+$0xFFFFFFD0] =	vst v6  }
0x89: {  	v2 =	vmul.f32 v2, v3;
	[tilespmem:s23+$0xFFFFFFF0] =	vst v8  }
0x8a: {  	v0 =	vmul.f32 v0, v1;
	[tilespmem:s23+$0x0] =	vst v7  }
0x8b: {  	v63 =	vmul.f32 v4, v1;
	[tilespmem:s23+$0xFFFFFFE0] =	vst v2  }
0x8c: {  	v62 =	vmul.f32 v5, v1;
	[tilespmem:s23+$0x30] =	vst v0  }
0x8d: {  	[tilespmem:s23+$0x20] =	vst v63  }
0x8e: {  	[tilespmem:s23+$0x10] =	vst v62  }
0x8f: {  	[spmem:s2] =	stream.indirect.scatter.add.f32 [tilespmem:s12], [sflag:$0x5], $0x80, s28, s31, $0xb8;
	[tilespmem:$0x1BC80] =	vst v63  }
0x90: {  	_ =	swait.ge [sflag:s26], $0x4000  }
0x91: {  	[sflag:s26] =	ssyncset.done $0x0  }
0x92: {  	[sflag:s26] =	ssyncadd.s32 $0xFFFFC000  }
.LBB2_8:
0x93: {  	s19 =	sshll.u32 s22, $0x7;
	p2 =	seq.s32 s21, $0x28  }
0x94: {  	s19 =	sshrl.u32 @!p2 s19, $0x3  }
0x95: {  	s19 =	sadd.s32 @!p2 $0x20, s19  }
0x96: {  	s24 =	simm.s32 @!p2 $0x0;
	s23 =	sadd.s32 @!p2 s5, s19  }
0x97: {  	[tilespmem:s24], [sflag:$0x1] =	stream.linear.gather @!p2 [hbm4b:s23+s24], $0x80, $0x38;
	[tilespmem:$0x1BC80] =	vst v63  }
0x98: {  	s25 =	simm.s32 @!p2 $0x100;
	s23 =	sadd.s32 @!p2 s6, s19  }
0x99: {  	[tilespmem:s25], [sflag:$0x1] =	stream.linear.gather @!p2 [hbm4b:s23+s24], $0x80, $0x38;
	[tilespmem:$0x1BC80] =	vst v63  }
0x9a: {  	s23 =	sadd.s32 @!p2 s7, s19;
	s25 =	simm.s32 @!p2 $0x200  }
0x9b: {  	[tilespmem:s25], [sflag:$0x1] =	stream.linear.gather @!p2 [hbm4b:s23+s24], $0x80, $0x38;
	[tilespmem:$0x1BC80] =	vst v63  }
0x9c: {  	s19 =	sadd.s32 @!p2 s8, s19;
	s23 =	simm.s32 @!p2 $0x280  }
0x9d: {  	[tilespmem:s23], [sflag:$0x1] =	stream.linear.gather @!p2 [hbm4b:s19+s24], $0x80, $0x38;
	[tilespmem:$0x1BC80] =	vst v63  }
0x9e: {  	s19 =	simm.s32 @!p2 $0x1  }
0x9f: {  	_ =	swait.ge @!p2 [sflag:s19], $0x80  }
0xa0: {  	[sflag:s19] =	ssyncset.done @!p2 $0x0  }
0xa1: {  	[sflag:s19] =	ssyncadd.s32 @!p2 $0xFFFFFF80  }
0xa2: {  	_ =	swait.ge @!p2 [sflag:s19], $0x80  }
0xa3: {  	[sflag:s19] =	ssyncset.done @!p2 $0x0  }
0xa4: {  	p3 =	sgt.u32 @!p2 s22, $0xA10;
	[sflag:s19] =	ssyncadd.s32 @!p2 $0xFFFFFF80  }
0xa5: {  	p3 =	por p2, p3;
	_ =	swait.ge @!p2 [sflag:s19], $0x80  }
.Ltmp6:
0xa6: {  	[sflag:s19] =	ssyncset.done @!p2 $0x0;
	(pc) =	sbr.rel @p3 .LBB2_10-.Ltmp6, $4  }
0xa7: {  	[sflag:s19] =	ssyncadd.s32 @!p2 $0xFFFFFF80  }
0xa8: {  	_ =	swait.ge @!p2 [sflag:s19], $0x80  }
0xa9: {  	[sflag:s19] =	ssyncset.done @!p2 $0x0  }
0xaa: {  	[sflag:s19] =	ssyncadd.s32 @!p2 $0xFFFFFF80  }
.Ltmp7:
0xab: {  	(pc) =	sbr.rel .LBB2_11-.Ltmp7, $2  }
0xac: {  	_ =	sdelay $0x2  }
0xad: {  	[tilespmem:s12], [sflag:$0x3] =	stream.indirect.gather [hbm4b:s1+s31], $0x80, s3, s31, $0xb8;
	[tilespmem:$0x1BC80] =	vst v63  }
.LBB2_10:
.Ltmp8:
0xae: {  	(pc) =	sbr.rel @p1 .LBB2_14-.Ltmp8, $1  }
0xaf: {  	_ =	sdelay $0x3  }
.LBB2_11:
0xb0: {  	_ =	swait.ge [sflag:s17], $0x4000  }
0xb1: {  	s19 =	simm.s32 $0x0;
	[sflag:s17] =	ssyncset.done $0x0  }
0xb2: {  	s23 =	simm.s32 $0x4440;
	v0 =	vmov s19;
	[sflag:s17] =	ssyncadd.s32 $0xFFFFC000  }
0xb3: {  	v7 =	vld [tilespmem:s23+$0xFFFFFFF0]  }
0xb4: {  	v5 =	vld [tilespmem:s23+$0xFFFFFFC0]  }
0xb5: {  	v6 =	vld [tilespmem:s23+$0xFFFFFFD0]  }
0xb6: {  	v10 =	vld [tilespmem:s23+$0x0]  }
0xb7: {  	v3 =	vld.idx.msk [tilespmem:v0+s4+$0x0], $0xffff  }
0xb8: {  	v2 =	vld [tilespmem:s23+$0xFFFFFFE0]  }
0xb9: {  	v1 =	vld.idx.msk [tilespmem:v0+s9+$0x0], $0xffff  }
0xba: {  	v4 =	vld [tilespmem:s23+$0x20]  }
0xbb: {  	v0 =	vld [tilespmem:s23+$0x30]  }
0xbc: {  	v9 =	vmul.f32 v5, v3;
	v5 =	vld [tilespmem:s23+$0x10]  }
0xbd: {  	v6 =	vmul.f32 v6, v3  }
0xbe: {  	s24 =	simm.s32 $0x1;
	s25 =	simm.s32 $0x4440;
	v8 =	vmul.f32 v7, v3;
	v7 =	vmul.f32 v10, v1  }
.LBB2_12:
0xbf: {  	p1 =	sne.s32 s24, $0x7F  }
0xc0: {  	[tilespmem:s23+$0xFFFFFFC0] =	vst v9;
	v2 =	vmul.f32 v2, v3;
	v3 =	vmul.f32 v4, v1;
	s25 =	sadd.s32 $0x80, s25;
	s19 =	smov.u32 s24;
	s24 =	sadd.s32 $0x1, s24  }
0xc1: {  	v0 =	vmul.f32 v0, v1;
	[tilespmem:s23+$0xFFFFFFF0] =	vst v8;
	v4 =	vmul.f32 v5, v1  }
0xc2: {  	[tilespmem:s23+$0xFFFFFFD0] =	vst v6  }
0xc3: {  	v1 =	vmov s19;
	v8 =	vld [tilespmem:s25+$0xFFFFFFF0];
	[tilespmem:s23+$0x0] =	vst v7  }
0xc4: {  	v6 =	vld [tilespmem:s25+$0xFFFFFFC0];
	[tilespmem:s23+$0xFFFFFFE0] =	vst v2  }
0xc5: {  	v2 =	vld [tilespmem:s25+$0xFFFFFFE0];
	[tilespmem:s23+$0x30] =	vst v0  }
0xc6: {  	v0 =	vld [tilespmem:s25+$0x30];
	[tilespmem:s23+$0x10] =	vst v4  }
0xc7: {  	v7 =	vld [tilespmem:s25+$0xFFFFFFD0];
	[tilespmem:s23+$0x20] =	vst v3;
	s23 =	smov.u32 s25  }
0xc8: {  	v3 =	vld.idx.msk [tilespmem:v1+s4+$0x0], $0xffff  }
0xc9: {  	v1 =	vld.idx.msk [tilespmem:v1+s9+$0x0], $0xffff  }
0xca: {  	v10 =	vld [tilespmem:s25+$0x0]  }
.Ltmp9:
0xcb: {  	v4 =	vld [tilespmem:s25+$0x20];
	(pc) =	sbr.rel @p1 .LBB2_12-.Ltmp9, $3  }
0xcc: {  	v5 =	vld [tilespmem:s25+$0x10];
	_ =	sdelay $0x1  }
0xcd: {  	v9 =	vmul.f32 v6, v3;
	v6 =	vmul.f32 v7, v3  }
0xce: {  	v8 =	vmul.f32 v8, v3;
	v7 =	vmul.f32 v10, v1  }
0xcf: {  	[tilespmem:s23+$0xFFFFFFC0] =	vst v9  }
0xd0: {  	[tilespmem:s23+$0xFFFFFFD0] =	vst v6  }
0xd1: {  	v2 =	vmul.f32 v2, v3;
	[tilespmem:s23+$0xFFFFFFF0] =	vst v8  }
0xd2: {  	v0 =	vmul.f32 v0, v1;
	[tilespmem:s23+$0x0] =	vst v7  }
0xd3: {  	v63 =	vmul.f32 v4, v1;
	[tilespmem:s23+$0xFFFFFFE0] =	vst v2  }
0xd4: {  	v62 =	vmul.f32 v5, v1;
	[tilespmem:s23+$0x30] =	vst v0  }
0xd5: {  	[tilespmem:s23+$0x20] =	vst v63  }
0xd6: {  	[tilespmem:s23+$0x10] =	vst v62  }
0xd7: {  	[spmem:s2] =	stream.indirect.scatter.add.f32 [tilespmem:s15], [sflag:$0x5], $0x80, s0, s31, $0xb8;
	[tilespmem:$0x1BC80] =	vst v63  }
0xd8: {  	_ =	swait.ge [sflag:s26], $0x4000  }
0xd9: {  	[sflag:s26] =	ssyncset.done $0x0  }
0xda: {  	[sflag:s26] =	ssyncadd.s32 $0xFFFFC000  }
.LBB2_14:
.Ltmp10:
0xdb: {  	(pc) =	sbr.rel @p2 .LBB2_16-.Ltmp10, $1  }
0xdc: {  	_ =	sdelay $0x3  }
0xdd: {  	s19 =	sshll.u32 s22, $0x4  }
0xde: {  	s19 =	sadd.s32 $0x30, s19  }
0xdf: {  	s23 =	sadd.s32 s5, s19  }
0xe0: {  	[tilespmem:s31], [sflag:$0x2] =	stream.linear.gather [hbm4b:s23+s3], $0x80, $0x38;
	[tilespmem:$0x1BC80] =	vst v63  }
0xe1: {  	s24 =	sadd.s32 s6, s19  }
0xe2: {  	[tilespmem:s0], [sflag:$0x2] =	stream.linear.gather [hbm4b:s24+s3], $0x80, $0x38;
	[tilespmem:$0x1BC80] =	vst v63  }
.Ltmp11:
0xe3: {  	_ = 	snop;
	(pc) =	sbr.rel .LBB2_2-.Ltmp11, $4  }
0xe4: {  	s25 =	sadd.s32 s7, s19  }
0xe5: {  	[tilespmem:s4], [sflag:$0x2] =	stream.linear.gather [hbm4b:s25+s3], $0x80, $0x38;
	[tilespmem:$0x1BC80] =	vst v63  }
0xe6: {  	s21 =	sadd.s32 $0x1, s21;
	s19 =	sadd.s32 s8, s19  }
0xe7: {  	[tilespmem:s9], [sflag:$0x2] =	stream.linear.gather [hbm4b:s19+s3], $0x80, $0x38;
	[tilespmem:$0x1BC80] =	vst v63  }
.LBB2_17:
0xe8: {  	_ =	sfence.sel $0x180000  }
0xe9: {  	[bflag:$0x0] =	sbarrier.arrive $0xFFFF  }
0xea: {  	_ =	strace $0x9000004A  }
0xeb: {  	s0 =	stileid.u32;
	[bflag:$0x2] =	sbarrier.arrive $0xFFFF  }
0xec: {  	p0 =	sne.s32 s0, $0x0;
	s0 =	rddreg [dreg:$0x3]  }
0xed: {  	s0 =	sadd.s32 @!p0 $0x100000, s0  }
0xee: {  	[sflag:s0] =	ssyncadd.tile.s32 @!p0 $0x1;
	_ =	shalt  }
.Lfunc_end2:
_tile_overlayer_lowered:
.L_overlay_start_2:
0xef: {  	(tag) =	ssettag $0x2  }
0xf0: {  	s0 =	rddreg [dreg:$0x0];
	s2 =	stileid.u32  }
0xf1: {  	s1 =	rddreg [dreg:$0x1];
	p0 =	sne.s32 s2, $0x0  }
0xf2: {  	s3 =	rddreg [dreg:$0x2];
	[bflag:$0x3] =	sbarrier.arrive $0xFFFF;
	s2 =	simm.s32 @!p0 $0x1C05  }
0xf3: {  	[timem:s3], [sflag:s2] =	dma.local @!p0 [hbm:s0], s1  }
0xf4: {  	s0 =	simm.s32 @!p0 $0x5  }
0xf5: {  	_ =	swait.ge @!p0 [sflag:s0], s1  }
0xf6: {  	s1 =	ssub.s32 @!p0 $0x0, s1;
	[sflag:s0] =	ssyncset.done @!p0 $0x0  }
0xf7: {  	[sflag:s0] =	ssyncadd.s32 @!p0 s1  }
0xf8: {  	[bflag:$0x3] =	sbarrier.arrive $0xFFFF  }
0xf9: {  	_ =	shalt  }

</sc_bundles>
